<compile_context>
chip_gen: v7x
topology: tpu7x:2x2x1
jax: 0.10.2.dev20260603
libtpu: 0.0.44.dev20260713+nightly
codegen_flags: <defaults>
</compile_context>

<pallas_src>
import functools

import jax
import jax.numpy as jnp
from jax import lax
from jax.experimental import pallas as pl
from jax.experimental.pallas import tpu as pltpu
from jax.experimental.pallas import tpu_sc as plsc

N = 10000
E = 160000
D = 256
NC, NS, L = 2, 16, 16
NW = NC * NS
NP = 10240
EP = 163840
CH = 128
DH = D // 2
T1 = EP // NW // CH
T3 = EP // NS // CH

_mesh = plsc.VectorSubcoreMesh(core_axis_name="c", subcore_axis_name="s")


def _zero_vmem(buf, rows, width):
    zz = jnp.zeros((L,), jnp.float32)

    def body(i, carry):
        for k in range(width // L):
            buf[i, pl.ds(k * L, L)] = zz
        return carry

    lax.fori_loop(0, rows, body, 0)


@functools.partial(
    pl.kernel,
    mesh=_mesh,
    out_type=jax.ShapeDtypeStruct((NC, NP, L), jnp.float32),
    scratch_types=[
        pltpu.VMEM_SHARED((NP, L), jnp.float32),
        pltpu.VMEM((64, L), jnp.float32),
        pltpu.VMEM((CH, L), jnp.float32),
        pltpu.VMEM((CH,), jnp.int32),
    ],
)
def _deg_kernel(row2_hbm, deg_hbm, acc_sh, zbuf, ones, ix0):
    c = lax.axis_index("c")
    s = lax.axis_index("s")
    w = s * NC + c

    _zero_vmem(zbuf, 64, L)
    for j in range(NP // NS // 64):
        pltpu.sync_copy(zbuf, acc_sh.at[pl.ds((s * (NP // NS)) + j * 64, 64)])
    one = jnp.full((L,), 1.0, jnp.float32)
    for i in range(CH):
        ones[i, :] = one
    plsc.subcore_barrier()

    cb = w * T1

    def group(t, carry):
        pltpu.sync_copy(row2_hbm.at[cb + t], ix0)
        pltpu.sync_copy(ones, acc_sh.at[ix0], add=True)
        return carry

    lax.fori_loop(0, T1, group, 0)
    plsc.subcore_barrier()

    rb = s * (NP // NS)
    pltpu.sync_copy(acc_sh.at[pl.ds(rb, NP // NS)],
                    deg_hbm.at[c, pl.ds(rb, NP // NS)])


def _dis_block(deg_ref):
    dg = deg_ref[...]
    deg = (jnp.sum(dg[0], axis=1) + jnp.sum(dg[1], axis=1)) * (1.0 / L)
    return jnp.where(deg == 0.0, 0.0, lax.rsqrt(deg))


def _scale_body(x_ref, deg_ref, out_ref):
    dis = _dis_block(deg_ref)
    xs = x_ref[...] * dis[:, None]
    out_ref[...] = jnp.stack([xs[:, :DH], xs[:, DH:]], axis=0)


def _scale_call(x, deg3):
    blk = 400
    return pl.pallas_call(
        _scale_body,
        grid=(N // blk,),
        in_specs=[
            pl.BlockSpec((blk, D), lambda i: (i, 0)),
            pl.BlockSpec((NC, blk, L), lambda i: (0, i, 0)),
        ],
        out_specs=pl.BlockSpec((NC, blk, DH), lambda i: (0, i, 0)),
        out_shape=jax.ShapeDtypeStruct((NC, N, DH), jnp.float32),
    )(x, deg3)


@functools.partial(
    pl.kernel,
    mesh=_mesh,
    out_type=jax.ShapeDtypeStruct((NC, NP, DH), jnp.float32),
    scratch_types=[
        pltpu.VMEM_SHARED((NP, DH), jnp.float32),
        pltpu.VMEM((16, DH), jnp.float32),
        pltpu.VMEM((CH, DH), jnp.float32),
        pltpu.VMEM((CH, DH), jnp.float32),
        pltpu.VMEM((CH,), jnp.int32),
        pltpu.VMEM((CH,), jnp.int32),
        pltpu.VMEM((CH,), jnp.int32),
        pltpu.VMEM((CH,), jnp.int32),
        pltpu.SemaphoreType.DMA,
        pltpu.SemaphoreType.DMA,
        pltpu.SemaphoreType.DMA,
        pltpu.SemaphoreType.DMA,
    ],
)
def _agg_kernel(xs_hbm, colg_hbm, row2_hbm, acc_hbm,
                acc_sh, zbuf, gbuf0, gbuf1, gix0, gix1, rix0, rix1,
                sg0, sg1, si0, si1):
    c = lax.axis_index("c")
    s = lax.axis_index("s")
    gbufs = (gbuf0, gbuf1)
    gixs, rixs = (gix0, gix1), (rix0, rix1)
    sgs, sis = (sg0, sg1), (si0, si1)
    cb = s * T3

    _zero_vmem(zbuf, 16, DH)
    for j in range(NP // NS // 16):
        pltpu.sync_copy(zbuf, acc_sh.at[pl.ds(s * (NP // NS) + j * 16, 16)])
    plsc.subcore_barrier()

    pltpu.sync_copy(colg_hbm.at[c, cb], gix0)
    pltpu.sync_copy(row2_hbm.at[cb], rix0)
    pltpu.sync_copy(colg_hbm.at[c, cb + 1], gix1)
    pltpu.sync_copy(row2_hbm.at[cb + 1], rix1)
    pltpu.async_copy(xs_hbm.at[gix0], gbuf0, sg0).wait()

    def chunk(t2, carry):
        for bp in range(2):
            t = t2 * 2 + bp
            o = 1 - bp
            dg = pltpu.async_copy(xs_hbm.at[gixs[o]], gbufs[o], sgs[o])
            pltpu.sync_copy(gbufs[bp], acc_sh.at[rixs[bp]], add=True)
            d1 = pltpu.async_copy(colg_hbm.at[c, cb + t + 2], gixs[bp],
                                  sis[bp])
            d2 = pltpu.async_copy(row2_hbm.at[cb + t + 2], rixs[bp],
                                  sis[bp])
            dg.wait()
            d1.wait()
            d2.wait()
        return carry

    lax.fori_loop(0, T3 // 2, chunk, 0)
    plsc.subcore_barrier()

    rb = s * (NP // NS)
    pltpu.sync_copy(acc_sh.at[pl.ds(rb, NP // NS)],
                    acc_hbm.at[c, pl.ds(rb, NP // NS)])


def _out_body(acc_ref, deg_ref, w_ref, b_ref, out_ref):
    dis = _dis_block(deg_ref)
    a2 = acc_ref[...]
    h = jnp.concatenate([a2[0], a2[1]], axis=1) * dis[:, None]
    y = lax.dot_general(h, w_ref[...], (((1,), (1,)), ((), ())),
                        preferred_element_type=jnp.float32)
    out_ref[...] = y + b_ref[...]


def _out_call(acc3, deg3, W, b2):
    blk = 400
    return pl.pallas_call(
        _out_body,
        grid=(N // blk,),
        in_specs=[
            pl.BlockSpec((NC, blk, DH), lambda i: (0, i, 0)),
            pl.BlockSpec((NC, blk, L), lambda i: (0, i, 0)),
            pl.BlockSpec((D, D), lambda i: (0, 0)),
            pl.BlockSpec((1, D), lambda i: (0, 0)),
        ],
        out_specs=pl.BlockSpec((blk, D), lambda i: (i, 0)),
        out_shape=jax.ShapeDtypeStruct((N, D), jnp.float32),
    )(acc3, deg3, W, b2)


def kernel(x, edge_index, W, b):
    ei = edge_index.astype(jnp.int32)
    npad = EP + 2 * CH - E
    pad_r = (jnp.arange(npad, dtype=jnp.int32) % (NP - N)) + N
    row = jnp.concatenate([ei[0], pad_r])
    col = jnp.concatenate([ei[1], jnp.zeros((npad,), jnp.int32)])
    row2 = row.reshape(-1, CH)
    colg = jnp.stack([col, col + N]).reshape(NC, -1, CH)

    deg3 = _deg_kernel(row2)
    xs3 = _scale_call(x, deg3)
    xs_flat = xs3.reshape(NC * N, DH)
    acc3 = _agg_kernel(xs_flat, colg, row2)
    return _out_call(acc3, deg3, W, b.reshape(1, D))

# --- scband reference (transcript-rebuilt; emitter-appended) ---
"""Pipeline reference for scband-scriptable-gcn-36378372997636 (READ-ONLY COPY).

The authoritative reference and input builder live on the scoring server;
editing this copy changes nothing except your own understanding.
"""

import jax, jax.numpy as jnp
import numpy as np

N_NODES = 10000
N_EDGES = 160000
D = 256


def setup_inputs(seed: int = 0) -> dict:
    key = jax.random.key(seed)
    k1, k2, k3, k4 = jax.random.split(key, 4)
    x = jax.random.normal(k1, (N_NODES, D), dtype=jnp.float32)
    edge_index = jax.random.randint(k2, (2, N_EDGES), 0, N_NODES, dtype=jnp.int64)
    # Linear params (torch nn.Linear: weight [out, in], bias [out])
    bound = 1.0 / np.sqrt(D)
    W = jax.random.uniform(k3, (D, D), minval=-bound, maxval=bound, dtype=jnp.float32)
    b = jax.random.uniform(k4, (D,), minval=-bound, maxval=bound, dtype=jnp.float32)
    return {"x": x, "edge_index": edge_index, "W": W, "b": b}


def reference(x, edge_index, W, b):
    row = edge_index[0]
    col = edge_index[1]
    num_nodes = x.shape[0]
    # degree via scatter-add of ones onto row indices
    deg = jnp.zeros((num_nodes,), dtype=jnp.float32).at[row].add(
        jnp.ones_like(row, dtype=jnp.float32))
    deg_inv_sqrt = jnp.where(deg == 0.0, 0.0, deg ** -0.5)
    norm = deg_inv_sqrt[row] * deg_inv_sqrt[col]
    # gather source-node features, scale, scatter-add to dst
    msg = x[col] * norm[:, None]
    out = jnp.zeros_like(x).at[row].add(msg)
    # linear layer: y = out @ W^T + b
    return out @ W.T + b

if __name__ == "__main__":
    import jax
    _d = setup_inputs()
    print(jax.jit(kernel)(*tuple(_d.values())))

</pallas_src>

<mosaic_0001>
#map = affine_map<(d0, d1) -> (0, 0)>
#map1 = affine_map<(d0, d1) -> (0, 0, 0)>
module attributes {stable_mosaic.version = 14 : i64} {
  func.func @_agg_kernel(%arg0: i32, %arg1: i32, %arg2: memref<20000x128xf32, #tpu.memory_space<hbm>>, %arg3: memref<2x1282x128xi32, #tpu.memory_space<hbm>>, %arg4: memref<1282x128xi32, #tpu.memory_space<hbm>>, %arg5: memref<2x10240x128xf32, #tpu.memory_space<hbm>>, %arg6: memref<10240x128xf32, #tpu.memory_space<vmem_shared>>, %arg7: memref<16x128xf32, #tpu.memory_space<vmem>>, %arg8: memref<128x128xf32, #tpu.memory_space<vmem>>, %arg9: memref<128x128xf32, #tpu.memory_space<vmem>>, %arg10: memref<128xi32, #tpu.memory_space<vmem>>, %arg11: memref<128xi32, #tpu.memory_space<vmem>>, %arg12: memref<128xi32, #tpu.memory_space<vmem>>, %arg13: memref<128xi32, #tpu.memory_space<vmem>>, %arg14: memref<!tpu.dma_semaphore, #tpu.memory_space<semaphore_mem>>, %arg15: memref<!tpu.dma_semaphore, #tpu.memory_space<semaphore_mem>>, %arg16: memref<!tpu.dma_semaphore, #tpu.memory_space<semaphore_mem>>, %arg17: memref<!tpu.dma_semaphore, #tpu.memory_space<semaphore_mem>>) attributes {dimension_semantics = [#tpu.dimension_semantics<core_parallel>, #tpu.dimension_semantics<subcore_parallel>], iteration_bounds = array<i64: 2, 16>, scalar_prefetch = 0 : i64, scratch_operands = 12 : i64, tpu.core_type = #tpu.core_type<sc_vector_subcore>, window_params = [{transform_indices = #map}, {transform_indices = #map1}, {transform_indices = #map}, {transform_indices = #map1}]} {
    %mul3A = arith.constant 80 : i32
    %mul3A_0 = arith.muli %arg1, %mul3A : i32
    %broadcast_in_dim3A = arith.constant 0.000000e+00 : f32
    %broadcast_in_dim3A_1 = vector.broadcast %broadcast_in_dim3A : f32 to vector<16xf32>
    %scan3A = arith.constant 0 : i32
    %scan3A_2 = arith.constant 0 : i32
    %scan3A_3 = arith.constant 16 : i32
    %scan3A_4 = arith.addi %scan3A_2, %scan3A_3 : i32
    %scan3A_5 = arith.constant 1 : i32
    scf.for %scan3A_183 = %scan3A_2 to %scan3A_4 step %scan3A_5  : i32 {
      %swap3A = arith.index_cast %scan3A_183 : i32 to index
      %swap3A_184 = arith.constant 0 : index
      %swap3A_185 = tpu.vector_load %arg7[%swap3A, %swap3A_184] {strides = array<i32>} : memref<16x128xf32, #tpu.memory_space<vmem>>, vector<1x16xf32>,
      %swap3A_186 = vector.shape_cast %swap3A_185 : vector<1x16xf32> to vector<16xf32>
      %swap3A_187 = vector.shape_cast %broadcast_in_dim3A_1 : vector<16xf32> to vector<1x16xf32>
      tpu.vector_store %arg7[%swap3A, %swap3A_184], %swap3A_187 {strides = array<i32>} : memref<16x128xf32, #tpu.memory_space<vmem>>, vector<1x16xf32>,
      %swap3A_188 = arith.index_cast %scan3A_183 : i32 to index
      %swap3A_189 = arith.constant 16 : index
      %swap3A_190 = tpu.vector_load %arg7[%swap3A_188, %swap3A_189] {strides = array<i32>} : memref<16x128xf32, #tpu.memory_space<vmem>>, vector<1x16xf32>,
      %swap3A_191 = vector.shape_cast %swap3A_190 : vector<1x16xf32> to vector<16xf32>
      %swap3A_192 = vector.shape_cast %broadcast_in_dim3A_1 : vector<16xf32> to vector<1x16xf32>
      tpu.vector_store %arg7[%swap3A_188, %swap3A_189], %swap3A_192 {strides = array<i32>} : memref<16x128xf32, #tpu.memory_space<vmem>>, vector<1x16xf32>,
      %swap3A_193 = arith.index_cast %scan3A_183 : i32 to index
      %swap3A_194 = arith.constant 32 : index
      %swap3A_195 = tpu.vector_load %arg7[%swap3A_193, %swap3A_194] {strides = array<i32>} : memref<16x128xf32, #tpu.memory_space<vmem>>, vector<1x16xf32>,
      %swap3A_196 = vector.shape_cast %swap3A_195 : vector<1x16xf32> to vector<16xf32>
      %swap3A_197 = vector.shape_cast %broadcast_in_dim3A_1 : vector<16xf32> to vector<1x16xf32>
      tpu.vector_store %arg7[%swap3A_193, %swap3A_194], %swap3A_197 {strides = array<i32>} : memref<16x128xf32, #tpu.memory_space<vmem>>, vector<1x16xf32>,
      %swap3A_198 = arith.index_cast %scan3A_183 : i32 to index
      %swap3A_199 = arith.constant 48 : index
      %swap3A_200 = tpu.vector_load %arg7[%swap3A_198, %swap3A_199] {strides = array<i32>} : memref<16x128xf32, #tpu.memory_space<vmem>>, vector<1x16xf32>,
      %swap3A_201 = vector.shape_cast %swap3A_200 : vector<1x16xf32> to vector<16xf32>
      %swap3A_202 = vector.shape_cast %broadcast_in_dim3A_1 : vector<16xf32> to vector<1x16xf32>
      tpu.vector_store %arg7[%swap3A_198, %swap3A_199], %swap3A_202 {strides = array<i32>} : memref<16x128xf32, #tpu.memory_space<vmem>>, vector<1x16xf32>,
      %swap3A_203 = arith.index_cast %scan3A_183 : i32 to index
      %swap3A_204 = arith.constant 64 : index
      %swap3A_205 = tpu.vector_load %arg7[%swap3A_203, %swap3A_204] {strides = array<i32>} : memref<16x128xf32, #tpu.memory_space<vmem>>, vector<1x16xf32>,
      %swap3A_206 = vector.shape_cast %swap3A_205 : vector<1x16xf32> to vector<16xf32>
      %swap3A_207 = vector.shape_cast %broadcast_in_dim3A_1 : vector<16xf32> to vector<1x16xf32>
      tpu.vector_store %arg7[%swap3A_203, %swap3A_204], %swap3A_207 {strides = array<i32>} : memref<16x128xf32, #tpu.memory_space<vmem>>, vector<1x16xf32>,
      %swap3A_208 = arith.index_cast %scan3A_183 : i32 to index
      %swap3A_209 = arith.constant 80 : index
      %swap3A_210 = tpu.vector_load %arg7[%swap3A_208, %swap3A_209] {strides = array<i32>} : memref<16x128xf32, #tpu.memory_space<vmem>>, vector<1x16xf32>,
      %swap3A_211 = vector.shape_cast %swap3A_210 : vector<1x16xf32> to vector<16xf32>
      %swap3A_212 = vector.shape_cast %broadcast_in_dim3A_1 : vector<16xf32> to vector<1x16xf32>
      tpu.vector_store %arg7[%swap3A_208, %swap3A_209], %swap3A_212 {strides = array<i32>} : memref<16x128xf32, #tpu.memory_space<vmem>>, vector<1x16xf32>,
      %swap3A_213 = arith.index_cast %scan3A_183 : i32 to index
      %swap3A_214 = arith.constant 96 : index
      %swap3A_215 = tpu.vector_load %arg7[%swap3A_213, %swap3A_214] {strides = array<i32>} : memref<16x128xf32, #tpu.memory_space<vmem>>, vector<1x16xf32>,
      %swap3A_216 = vector.shape_cast %swap3A_215 : vector<1x16xf32> to vector<16xf32>
      %swap3A_217 = vector.shape_cast %broadcast_in_dim3A_1 : vector<16xf32> to vector<1x16xf32>
      tpu.vector_store %arg7[%swap3A_213, %swap3A_214], %swap3A_217 {strides = array<i32>} : memref<16x128xf32, #tpu.memory_space<vmem>>, vector<1x16xf32>,
      %swap3A_218 = arith.index_cast %scan3A_183 : i32 to index
      %swap3A_219 = arith.constant 112 : index
      %swap3A_220 = tpu.vector_load %arg7[%swap3A_218, %swap3A_219] {strides = array<i32>} : memref<16x128xf32, #tpu.memory_space<vmem>>, vector<1x16xf32>,
      %swap3A_221 = vector.shape_cast %swap3A_220 : vector<1x16xf32> to vector<16xf32>
      %swap3A_222 = vector.shape_cast %broadcast_in_dim3A_1 : vector<16xf32> to vector<1x16xf32>
      tpu.vector_store %arg7[%swap3A_218, %swap3A_219], %swap3A_222 {strides = array<i32>} : memref<16x128xf32, #tpu.memory_space<vmem>>, vector<1x16xf32>,
    }
    %scan3A_6 = arith.constant 16 : i32
    %mul3A_7 = arith.constant 640 : i32
    %mul3A_8 = arith.muli %arg1, %mul3A_7 : i32
    %add3A = arith.constant 0 : i32
    %add3A_9 = arith.addi %mul3A_8, %add3A : i32
    "tpu.region"() ({
      %run_scoped3A = tpu.sem_alloc : memref<!tpu.dma_semaphore, #tpu.memory_space<semaphore_mem>>
      %dma_start3A_183 = arith.constant 0 : i32
      %dma_start3A_184 = tpu.memref_slice %arg6[%add3A_9, %dma_start3A_183] : memref<10240x128xf32, #tpu.memory_space<vmem_shared>> -> memref<16x128xf32, #tpu.memory_space<vmem_shared>>
      %dma_start3A_185 = arith.constant 0 : i32
      %dma_start3A_186 = tpu.memref_slice %arg6[%add3A_9, %dma_start3A_185] : memref<10240x128xf32, #tpu.memory_space<vmem_shared>> -> memref<16x128xf32, #tpu.memory_space<vmem_shared>>
      tpu.enqueue_dma source(%arg7 : memref<16x128xf32, #tpu.memory_space<vmem>>) target(%dma_start3A_186 : memref<16x128xf32, #tpu.memory_space<vmem_shared>>) target_semaphore(%run_scoped3A : memref<!tpu.dma_semaphore, #tpu.memory_space<semaphore_mem>>)
      %dma_wait3A_187 = arith.constant 0 : i32
      %dma_wait3A_188 = tpu.memref_slice %arg6[%add3A_9, %dma_wait3A_187] : memref<10240x128xf32, #tpu.memory_space<vmem_shared>> -> memref<16x128xf32, #tpu.memory_space<vmem_shared>>
      %dma_wait3A_189 = arith.constant 0 : i32
      %dma_wait3A_190 = tpu.memref_slice %arg6[%add3A_9, %dma_wait3A_189] : memref<10240x128xf32, #tpu.memory_space<vmem_shared>> -> memref<16x128xf32, #tpu.memory_space<vmem_shared>>
      tpu.wait_dma2 semaphore(%run_scoped3A : memref<!tpu.dma_semaphore, #tpu.memory_space<semaphore_mem>>) src(%arg7 : memref<16x128xf32, #tpu.memory_space<vmem>>) dst(%dma_wait3A_190 : memref<16x128xf32, #tpu.memory_space<vmem_shared>>)
      tpu.yield
    }) : () -> ()
    %mul3A_10 = arith.constant 640 : i32
    %mul3A_11 = arith.muli %arg1, %mul3A_10 : i32
    %add3A_12 = arith.constant 16 : i32
    %add3A_13 = arith.addi %mul3A_11, %add3A_12 : i32
    "tpu.region"() ({
      %run_scoped3A = tpu.sem_alloc : memref<!tpu.dma_semaphore, #tpu.memory_space<semaphore_mem>>
      %dma_start3A_183 = arith.constant 0 : i32
      %dma_start3A_184 = tpu.memref_slice %arg6[%add3A_13, %dma_start3A_183] : memref<10240x128xf32, #tpu.memory_space<vmem_shared>> -> memref<16x128xf32, #tpu.memory_space<vmem_shared>>
      %dma_start3A_185 = arith.constant 0 : i32
      %dma_start3A_186 = tpu.memref_slice %arg6[%add3A_13, %dma_start3A_185] : memref<10240x128xf32, #tpu.memory_space<vmem_shared>> -> memref<16x128xf32, #tpu.memory_space<vmem_shared>>
      tpu.enqueue_dma source(%arg7 : memref<16x128xf32, #tpu.memory_space<vmem>>) target(%dma_start3A_186 : memref<16x128xf32, #tpu.memory_space<vmem_shared>>) target_semaphore(%run_scoped3A : memref<!tpu.dma_semaphore, #tpu.memory_space<semaphore_mem>>)
      %dma_wait3A_187 = arith.constant 0 : i32
      %dma_wait3A_188 = tpu.memref_slice %arg6[%add3A_13, %dma_wait3A_187] : memref<10240x128xf32, #tpu.memory_space<vmem_shared>> -> memref<16x128xf32, #tpu.memory_space<vmem_shared>>
      %dma_wait3A_189 = arith.constant 0 : i32
      %dma_wait3A_190 = tpu.memref_slice %arg6[%add3A_13, %dma_wait3A_189] : memref<10240x128xf32, #tpu.memory_space<vmem_shared>> -> memref<16x128xf32, #tpu.memory_space<vmem_shared>>
      tpu.wait_dma2 semaphore(%run_scoped3A : memref<!tpu.dma_semaphore, #tpu.memory_space<semaphore_mem>>) src(%arg7 : memref<16x128xf32, #tpu.memory_space<vmem>>) dst(%dma_wait3A_190 : memref<16x128xf32, #tpu.memory_space<vmem_shared>>)
      tpu.yield
    }) : () -> ()
    %mul3A_14 = arith.constant 640 : i32
    %mul3A_15 = arith.muli %arg1, %mul3A_14 : i32
    %add3A_16 = arith.constant 32 : i32
    %add3A_17 = arith.addi %mul3A_15, %add3A_16 : i32
    "tpu.region"() ({
      %run_scoped3A = tpu.sem_alloc : memref<!tpu.dma_semaphore, #tpu.memory_space<semaphore_mem>>
      %dma_start3A_183 = arith.constant 0 : i32
      %dma_start3A_184 = tpu.memref_slice %arg6[%add3A_17, %dma_start3A_183] : memref<10240x128xf32, #tpu.memory_space<vmem_shared>> -> memref<16x128xf32, #tpu.memory_space<vmem_shared>>
      %dma_start3A_185 = arith.constant 0 : i32
      %dma_start3A_186 = tpu.memref_slice %arg6[%add3A_17, %dma_start3A_185] : memref<10240x128xf32, #tpu.memory_space<vmem_shared>> -> memref<16x128xf32, #tpu.memory_space<vmem_shared>>
      tpu.enqueue_dma source(%arg7 : memref<16x128xf32, #tpu.memory_space<vmem>>) target(%dma_start3A_186 : memref<16x128xf32, #tpu.memory_space<vmem_shared>>) target_semaphore(%run_scoped3A : memref<!tpu.dma_semaphore, #tpu.memory_space<semaphore_mem>>)
      %dma_wait3A_187 = arith.constant 0 : i32
      %dma_wait3A_188 = tpu.memref_slice %arg6[%add3A_17, %dma_wait3A_187] : memref<10240x128xf32, #tpu.memory_space<vmem_shared>> -> memref<16x128xf32, #tpu.memory_space<vmem_shared>>
      %dma_wait3A_189 = arith.constant 0 : i32
      %dma_wait3A_190 = tpu.memref_slice %arg6[%add3A_17, %dma_wait3A_189] : memref<10240x128xf32, #tpu.memory_space<vmem_shared>> -> memref<16x128xf32, #tpu.memory_space<vmem_shared>>
      tpu.wait_dma2 semaphore(%run_scoped3A : memref<!tpu.dma_semaphore, #tpu.memory_space<semaphore_mem>>) src(%arg7 : memref<16x128xf32, #tpu.memory_space<vmem>>) dst(%dma_wait3A_190 : memref<16x128xf32, #tpu.memory_space<vmem_shared>>)
      tpu.yield
    }) : () -> ()
    %mul3A_18 = arith.constant 640 : i32
    %mul3A_19 = arith.muli %arg1, %mul3A_18 : i32
    %add3A_20 = arith.constant 48 : i32
    %add3A_21 = arith.addi %mul3A_19, %add3A_20 : i32
    "tpu.region"() ({
      %run_scoped3A = tpu.sem_alloc : memref<!tpu.dma_semaphore, #tpu.memory_space<semaphore_mem>>
      %dma_start3A_183 = arith.constant 0 : i32
      %dma_start3A_184 = tpu.memref_slice %arg6[%add3A_21, %dma_start3A_183] : memref<10240x128xf32, #tpu.memory_space<vmem_shared>> -> memref<16x128xf32, #tpu.memory_space<vmem_shared>>
      %dma_start3A_185 = arith.constant 0 : i32
      %dma_start3A_186 = tpu.memref_slice %arg6[%add3A_21, %dma_start3A_185] : memref<10240x128xf32, #tpu.memory_space<vmem_shared>> -> memref<16x128xf32, #tpu.memory_space<vmem_shared>>
      tpu.enqueue_dma source(%arg7 : memref<16x128xf32, #tpu.memory_space<vmem>>) target(%dma_start3A_186 : memref<16x128xf32, #tpu.memory_space<vmem_shared>>) target_semaphore(%run_scoped3A : memref<!tpu.dma_semaphore, #tpu.memory_space<semaphore_mem>>)
      %dma_wait3A_187 = arith.constant 0 : i32
      %dma_wait3A_188 = tpu.memref_slice %arg6[%add3A_21, %dma_wait3A_187] : memref<10240x128xf32, #tpu.memory_space<vmem_shared>> -> memref<16x128xf32, #tpu.memory_space<vmem_shared>>
      %dma_wait3A_189 = arith.constant 0 : i32
      %dma_wait3A_190 = tpu.memref_slice %arg6[%add3A_21, %dma_wait3A_189] : memref<10240x128xf32, #tpu.memory_space<vmem_shared>> -> memref<16x128xf32, #tpu.memory_space<vmem_shared>>
      tpu.wait_dma2 semaphore(%run_scoped3A : memref<!tpu.dma_semaphore, #tpu.memory_space<semaphore_mem>>) src(%arg7 : memref<16x128xf32, #tpu.memory_space<vmem>>) dst(%dma_wait3A_190 : memref<16x128xf32, #tpu.memory_space<vmem_shared>>)
      tpu.yield
    }) : () -> ()
    %mul3A_22 = arith.constant 640 : i32
    %mul3A_23 = arith.muli %arg1, %mul3A_22 : i32
    %add3A_24 = arith.constant 64 : i32
    %add3A_25 = arith.addi %mul3A_23, %add3A_24 : i32
    "tpu.region"() ({
      %run_scoped3A = tpu.sem_alloc : memref<!tpu.dma_semaphore, #tpu.memory_space<semaphore_mem>>
      %dma_start3A_183 = arith.constant 0 : i32
      %dma_start3A_184 = tpu.memref_slice %arg6[%add3A_25, %dma_start3A_183] : memref<10240x128xf32, #tpu.memory_space<vmem_shared>> -> memref<16x128xf32, #tpu.memory_space<vmem_shared>>
      %dma_start3A_185 = arith.constant 0 : i32
      %dma_start3A_186 = tpu.memref_slice %arg6[%add3A_25, %dma_start3A_185] : memref<10240x128xf32, #tpu.memory_space<vmem_shared>> -> memref<16x128xf32, #tpu.memory_space<vmem_shared>>
      tpu.enqueue_dma source(%arg7 : memref<16x128xf32, #tpu.memory_space<vmem>>) target(%dma_start3A_186 : memref<16x128xf32, #tpu.memory_space<vmem_shared>>) target_semaphore(%run_scoped3A : memref<!tpu.dma_semaphore, #tpu.memory_space<semaphore_mem>>)
      %dma_wait3A_187 = arith.constant 0 : i32
      %dma_wait3A_188 = tpu.memref_slice %arg6[%add3A_25, %dma_wait3A_187] : memref<10240x128xf32, #tpu.memory_space<vmem_shared>> -> memref<16x128xf32, #tpu.memory_space<vmem_shared>>
      %dma_wait3A_189 = arith.constant 0 : i32
      %dma_wait3A_190 = tpu.memref_slice %arg6[%add3A_25, %dma_wait3A_189] : memref<10240x128xf32, #tpu.memory_space<vmem_shared>> -> memref<16x128xf32, #tpu.memory_space<vmem_shared>>
      tpu.wait_dma2 semaphore(%run_scoped3A : memref<!tpu.dma_semaphore, #tpu.memory_space<semaphore_mem>>) src(%arg7 : memref<16x128xf32, #tpu.memory_space<vmem>>) dst(%dma_wait3A_190 : memref<16x128xf32, #tpu.memory_space<vmem_shared>>)
      tpu.yield
    }) : () -> ()
    %mul3A_26 = arith.constant 640 : i32
    %mul3A_27 = arith.muli %arg1, %mul3A_26 : i32
    %add3A_28 = arith.constant 80 : i32
    %add3A_29 = arith.addi %mul3A_27, %add3A_28 : i32
    "tpu.region"() ({
      %run_scoped3A = tpu.sem_alloc : memref<!tpu.dma_semaphore, #tpu.memory_space<semaphore_mem>>
      %dma_start3A_183 = arith.constant 0 : i32
      %dma_start3A_184 = tpu.memref_slice %arg6[%add3A_29, %dma_start3A_183] : memref<10240x128xf32, #tpu.memory_space<vmem_shared>> -> memref<16x128xf32, #tpu.memory_space<vmem_shared>>
      %dma_start3A_185 = arith.constant 0 : i32
      %dma_start3A_186 = tpu.memref_slice %arg6[%add3A_29, %dma_start3A_185] : memref<10240x128xf32, #tpu.memory_space<vmem_shared>> -> memref<16x128xf32, #tpu.memory_space<vmem_shared>>
      tpu.enqueue_dma source(%arg7 : memref<16x128xf32, #tpu.memory_space<vmem>>) target(%dma_start3A_186 : memref<16x128xf32, #tpu.memory_space<vmem_shared>>) target_semaphore(%run_scoped3A : memref<!tpu.dma_semaphore, #tpu.memory_space<semaphore_mem>>)
      %dma_wait3A_187 = arith.constant 0 : i32
      %dma_wait3A_188 = tpu.memref_slice %arg6[%add3A_29, %dma_wait3A_187] : memref<10240x128xf32, #tpu.memory_space<vmem_shared>> -> memref<16x128xf32, #tpu.memory_space<vmem_shared>>
      %dma_wait3A_189 = arith.constant 0 : i32
      %dma_wait3A_190 = tpu.memref_slice %arg6[%add3A_29, %dma_wait3A_189] : memref<10240x128xf32, #tpu.memory_space<vmem_shared>> -> memref<16x128xf32, #tpu.memory_space<vmem_shared>>
      tpu.wait_dma2 semaphore(%run_scoped3A : memref<!tpu.dma_semaphore, #tpu.memory_space<semaphore_mem>>) src(%arg7 : memref<16x128xf32, #tpu.memory_space<vmem>>) dst(%dma_wait3A_190 : memref<16x128xf32, #tpu.memory_space<vmem_shared>>)
      tpu.yield
    }) : () -> ()
    %mul3A_30 = arith.constant 640 : i32
    %mul3A_31 = arith.muli %arg1, %mul3A_30 : i32
    %add3A_32 = arith.constant 96 : i32
    %add3A_33 = arith.addi %mul3A_31, %add3A_32 : i32
    "tpu.region"() ({
      %run_scoped3A = tpu.sem_alloc : memref<!tpu.dma_semaphore, #tpu.memory_space<semaphore_mem>>
      %dma_start3A_183 = arith.constant 0 : i32
      %dma_start3A_184 = tpu.memref_slice %arg6[%add3A_33, %dma_start3A_183] : memref<10240x128xf32, #tpu.memory_space<vmem_shared>> -> memref<16x128xf32, #tpu.memory_space<vmem_shared>>
      %dma_start3A_185 = arith.constant 0 : i32
      %dma_start3A_186 = tpu.memref_slice %arg6[%add3A_33, %dma_start3A_185] : memref<10240x128xf32, #tpu.memory_space<vmem_shared>> -> memref<16x128xf32, #tpu.memory_space<vmem_shared>>
      tpu.enqueue_dma source(%arg7 : memref<16x128xf32, #tpu.memory_space<vmem>>) target(%dma_start3A_186 : memref<16x128xf32, #tpu.memory_space<vmem_shared>>) target_semaphore(%run_scoped3A : memref<!tpu.dma_semaphore, #tpu.memory_space<semaphore_mem>>)
      %dma_wait3A_187 = arith.constant 0 : i32
      %dma_wait3A_188 = tpu.memref_slice %arg6[%add3A_33, %dma_wait3A_187] : memref<10240x128xf32, #tpu.memory_space<vmem_shared>> -> memref<16x128xf32, #tpu.memory_space<vmem_shared>>
      %dma_wait3A_189 = arith.constant 0 : i32
      %dma_wait3A_190 = tpu.memref_slice %arg6[%add3A_33, %dma_wait3A_189] : memref<10240x128xf32, #tpu.memory_space<vmem_shared>> -> memref<16x128xf32, #tpu.memory_space<vmem_shared>>
      tpu.wait_dma2 semaphore(%run_scoped3A : memref<!tpu.dma_semaphore, #tpu.memory_space<semaphore_mem>>) src(%arg7 : memref<16x128xf32, #tpu.memory_space<vmem>>) dst(%dma_wait3A_190 : memref<16x128xf32, #tpu.memory_space<vmem_shared>>)
      tpu.yield
    }) : () -> ()
    %mul3A_34 = arith.constant 640 : i32
    %mul3A_35 = arith.muli %arg1, %mul3A_34 : i32
    %add3A_36 = arith.constant 112 : i32
    %add3A_37 = arith.addi %mul3A_35, %add3A_36 : i32
    "tpu.region"() ({
      %run_scoped3A = tpu.sem_alloc : memref<!tpu.dma_semaphore, #tpu.memory_space<semaphore_mem>>
      %dma_start3A_183 = arith.constant 0 : i32
      %dma_start3A_184 = tpu.memref_slice %arg6[%add3A_37, %dma_start3A_183] : memref<10240x128xf32, #tpu.memory_space<vmem_shared>> -> memref<16x128xf32, #tpu.memory_space<vmem_shared>>
      %dma_start3A_185 = arith.constant 0 : i32
      %dma_start3A_186 = tpu.memref_slice %arg6[%add3A_37, %dma_start3A_185] : memref<10240x128xf32, #tpu.memory_space<vmem_shared>> -> memref<16x128xf32, #tpu.memory_space<vmem_shared>>
      tpu.enqueue_dma source(%arg7 : memref<16x128xf32, #tpu.memory_space<vmem>>) target(%dma_start3A_186 : memref<16x128xf32, #tpu.memory_space<vmem_shared>>) target_semaphore(%run_scoped3A : memref<!tpu.dma_semaphore, #tpu.memory_space<semaphore_mem>>)
      %dma_wait3A_187 = arith.constant 0 : i32
      %dma_wait3A_188 = tpu.memref_slice %arg6[%add3A_37, %dma_wait3A_187] : memref<10240x128xf32, #tpu.memory_space<vmem_shared>> -> memref<16x128xf32, #tpu.memory_space<vmem_shared>>
      %dma_wait3A_189 = arith.constant 0 : i32
      %dma_wait3A_190 = tpu.memref_slice %arg6[%add3A_37, %dma_wait3A_189] : memref<10240x128xf32, #tpu.memory_space<vmem_shared>> -> memref<16x128xf32, #tpu.memory_space<vmem_shared>>
      tpu.wait_dma2 semaphore(%run_scoped3A : memref<!tpu.dma_semaphore, #tpu.memory_space<semaphore_mem>>) src(%arg7 : memref<16x128xf32, #tpu.memory_space<vmem>>) dst(%dma_wait3A_190 : memref<16x128xf32, #tpu.memory_space<vmem_shared>>)
      tpu.yield
    }) : () -> ()
    %mul3A_38 = arith.constant 640 : i32
    %mul3A_39 = arith.muli %arg1, %mul3A_38 : i32
    %add3A_40 = arith.constant 128 : i32
    %add3A_41 = arith.addi %mul3A_39, %add3A_40 : i32
    "tpu.region"() ({
      %run_scoped3A = tpu.sem_alloc : memref<!tpu.dma_semaphore, #tpu.memory_space<semaphore_mem>>
      %dma_start3A_183 = arith.constant 0 : i32
      %dma_start3A_184 = tpu.memref_slice %arg6[%add3A_41, %dma_start3A_183] : memref<10240x128xf32, #tpu.memory_space<vmem_shared>> -> memref<16x128xf32, #tpu.memory_space<vmem_shared>>
      %dma_start3A_185 = arith.constant 0 : i32
      %dma_start3A_186 = tpu.memref_slice %arg6[%add3A_41, %dma_start3A_185] : memref<10240x128xf32, #tpu.memory_space<vmem_shared>> -> memref<16x128xf32, #tpu.memory_space<vmem_shared>>
      tpu.enqueue_dma source(%arg7 : memref<16x128xf32, #tpu.memory_space<vmem>>) target(%dma_start3A_186 : memref<16x128xf32, #tpu.memory_space<vmem_shared>>) target_semaphore(%run_scoped3A : memref<!tpu.dma_semaphore, #tpu.memory_space<semaphore_mem>>)
      %dma_wait3A_187 = arith.constant 0 : i32
      %dma_wait3A_188 = tpu.memref_slice %arg6[%add3A_41, %dma_wait3A_187] : memref<10240x128xf32, #tpu.memory_space<vmem_shared>> -> memref<16x128xf32, #tpu.memory_space<vmem_shared>>
      %dma_wait3A_189 = arith.constant 0 : i32
      %dma_wait3A_190 = tpu.memref_slice %arg6[%add3A_41, %dma_wait3A_189] : memref<10240x128xf32, #tpu.memory_space<vmem_shared>> -> memref<16x128xf32, #tpu.memory_space<vmem_shared>>
      tpu.wait_dma2 semaphore(%run_scoped3A : memref<!tpu.dma_semaphore, #tpu.memory_space<semaphore_mem>>) src(%arg7 : memref<16x128xf32, #tpu.memory_space<vmem>>) dst(%dma_wait3A_190 : memref<16x128xf32, #tpu.memory_space<vmem_shared>>)
      tpu.yield
    }) : () -> ()
    %mul3A_42 = arith.constant 640 : i32
    %mul3A_43 = arith.muli %arg1, %mul3A_42 : i32
    %add3A_44 = arith.constant 144 : i32
    %add3A_45 = arith.addi %mul3A_43, %add3A_44 : i32
    "tpu.region"() ({
      %run_scoped3A = tpu.sem_alloc : memref<!tpu.dma_semaphore, #tpu.memory_space<semaphore_mem>>
      %dma_start3A_183 = arith.constant 0 : i32
      %dma_start3A_184 = tpu.memref_slice %arg6[%add3A_45, %dma_start3A_183] : memref<10240x128xf32, #tpu.memory_space<vmem_shared>> -> memref<16x128xf32, #tpu.memory_space<vmem_shared>>
      %dma_start3A_185 = arith.constant 0 : i32
      %dma_start3A_186 = tpu.memref_slice %arg6[%add3A_45, %dma_start3A_185] : memref<10240x128xf32, #tpu.memory_space<vmem_shared>> -> memref<16x128xf32, #tpu.memory_space<vmem_shared>>
      tpu.enqueue_dma source(%arg7 : memref<16x128xf32, #tpu.memory_space<vmem>>) target(%dma_start3A_186 : memref<16x128xf32, #tpu.memory_space<vmem_shared>>) target_semaphore(%run_scoped3A : memref<!tpu.dma_semaphore, #tpu.memory_space<semaphore_mem>>)
      %dma_wait3A_187 = arith.constant 0 : i32
      %dma_wait3A_188 = tpu.memref_slice %arg6[%add3A_45, %dma_wait3A_187] : memref<10240x128xf32, #tpu.memory_space<vmem_shared>> -> memref<16x128xf32, #tpu.memory_space<vmem_shared>>
      %dma_wait3A_189 = arith.constant 0 : i32
      %dma_wait3A_190 = tpu.memref_slice %arg6[%add3A_45, %dma_wait3A_189] : memref<10240x128xf32, #tpu.memory_space<vmem_shared>> -> memref<16x128xf32, #tpu.memory_space<vmem_shared>>
      tpu.wait_dma2 semaphore(%run_scoped3A : memref<!tpu.dma_semaphore, #tpu.memory_space<semaphore_mem>>) src(%arg7 : memref<16x128xf32, #tpu.memory_space<vmem>>) dst(%dma_wait3A_190 : memref<16x128xf32, #tpu.memory_space<vmem_shared>>)
      tpu.yield
    }) : () -> ()
    %mul3A_46 = arith.constant 640 : i32
    %mul3A_47 = arith.muli %arg1, %mul3A_46 : i32
    %add3A_48 = arith.constant 160 : i32
    %add3A_49 = arith.addi %mul3A_47, %add3A_48 : i32
    "tpu.region"() ({
      %run_scoped3A = tpu.sem_alloc : memref<!tpu.dma_semaphore, #tpu.memory_space<semaphore_mem>>
      %dma_start3A_183 = arith.constant 0 : i32
      %dma_start3A_184 = tpu.memref_slice %arg6[%add3A_49, %dma_start3A_183] : memref<10240x128xf32, #tpu.memory_space<vmem_shared>> -> memref<16x128xf32, #tpu.memory_space<vmem_shared>>
      %dma_start3A_185 = arith.constant 0 : i32
      %dma_start3A_186 = tpu.memref_slice %arg6[%add3A_49, %dma_start3A_185] : memref<10240x128xf32, #tpu.memory_space<vmem_shared>> -> memref<16x128xf32, #tpu.memory_space<vmem_shared>>
      tpu.enqueue_dma source(%arg7 : memref<16x128xf32, #tpu.memory_space<vmem>>) target(%dma_start3A_186 : memref<16x128xf32, #tpu.memory_space<vmem_shared>>) target_semaphore(%run_scoped3A : memref<!tpu.dma_semaphore, #tpu.memory_space<semaphore_mem>>)
      %dma_wait3A_187 = arith.constant 0 : i32
      %dma_wait3A_188 = tpu.memref_slice %arg6[%add3A_49, %dma_wait3A_187] : memref<10240x128xf32, #tpu.memory_space<vmem_shared>> -> memref<16x128xf32, #tpu.memory_space<vmem_shared>>
      %dma_wait3A_189 = arith.constant 0 : i32
      %dma_wait3A_190 = tpu.memref_slice %arg6[%add3A_49, %dma_wait3A_189] : memref<10240x128xf32, #tpu.memory_space<vmem_shared>> -> memref<16x128xf32, #tpu.memory_space<vmem_shared>>
      tpu.wait_dma2 semaphore(%run_scoped3A : memref<!tpu.dma_semaphore, #tpu.memory_space<semaphore_mem>>) src(%arg7 : memref<16x128xf32, #tpu.memory_space<vmem>>) dst(%dma_wait3A_190 : memref<16x128xf32, #tpu.memory_space<vmem_shared>>)
      tpu.yield
    }) : () -> ()
    %mul3A_50 = arith.constant 640 : i32
    %mul3A_51 = arith.muli %arg1, %mul3A_50 : i32
    %add3A_52 = arith.constant 176 : i32
    %add3A_53 = arith.addi %mul3A_51, %add3A_52 : i32
    "tpu.region"() ({
      %run_scoped3A = tpu.sem_alloc : memref<!tpu.dma_semaphore, #tpu.memory_space<semaphore_mem>>
      %dma_start3A_183 = arith.constant 0 : i32
      %dma_start3A_184 = tpu.memref_slice %arg6[%add3A_53, %dma_start3A_183] : memref<10240x128xf32, #tpu.memory_space<vmem_shared>> -> memref<16x128xf32, #tpu.memory_space<vmem_shared>>
      %dma_start3A_185 = arith.constant 0 : i32
      %dma_start3A_186 = tpu.memref_slice %arg6[%add3A_53, %dma_start3A_185] : memref<10240x128xf32, #tpu.memory_space<vmem_shared>> -> memref<16x128xf32, #tpu.memory_space<vmem_shared>>
      tpu.enqueue_dma source(%arg7 : memref<16x128xf32, #tpu.memory_space<vmem>>) target(%dma_start3A_186 : memref<16x128xf32, #tpu.memory_space<vmem_shared>>) target_semaphore(%run_scoped3A : memref<!tpu.dma_semaphore, #tpu.memory_space<semaphore_mem>>)
      %dma_wait3A_187 = arith.constant 0 : i32
      %dma_wait3A_188 = tpu.memref_slice %arg6[%add3A_53, %dma_wait3A_187] : memref<10240x128xf32, #tpu.memory_space<vmem_shared>> -> memref<16x128xf32, #tpu.memory_space<vmem_shared>>
      %dma_wait3A_189 = arith.constant 0 : i32
      %dma_wait3A_190 = tpu.memref_slice %arg6[%add3A_53, %dma_wait3A_189] : memref<10240x128xf32, #tpu.memory_space<vmem_shared>> -> memref<16x128xf32, #tpu.memory_space<vmem_shared>>
      tpu.wait_dma2 semaphore(%run_scoped3A : memref<!tpu.dma_semaphore, #tpu.memory_space<semaphore_mem>>) src(%arg7 : memref<16x128xf32, #tpu.memory_space<vmem>>) dst(%dma_wait3A_190 : memref<16x128xf32, #tpu.memory_space<vmem_shared>>)
      tpu.yield
    }) : () -> ()
    %mul3A_54 = arith.constant 640 : i32
    %mul3A_55 = arith.muli %arg1, %mul3A_54 : i32
    %add3A_56 = arith.constant 192 : i32
    %add3A_57 = arith.addi %mul3A_55, %add3A_56 : i32
    "tpu.region"() ({
      %run_scoped3A = tpu.sem_alloc : memref<!tpu.dma_semaphore, #tpu.memory_space<semaphore_mem>>
      %dma_start3A_183 = arith.constant 0 : i32
      %dma_start3A_184 = tpu.memref_slice %arg6[%add3A_57, %dma_start3A_183] : memref<10240x128xf32, #tpu.memory_space<vmem_shared>> -> memref<16x128xf32, #tpu.memory_space<vmem_shared>>
      %dma_start3A_185 = arith.constant 0 : i32
      %dma_start3A_186 = tpu.memref_slice %arg6[%add3A_57, %dma_start3A_185] : memref<10240x128xf32, #tpu.memory_space<vmem_shared>> -> memref<16x128xf32, #tpu.memory_space<vmem_shared>>
      tpu.enqueue_dma source(%arg7 : memref<16x128xf32, #tpu.memory_space<vmem>>) target(%dma_start3A_186 : memref<16x128xf32, #tpu.memory_space<vmem_shared>>) target_semaphore(%run_scoped3A : memref<!tpu.dma_semaphore, #tpu.memory_space<semaphore_mem>>)
      %dma_wait3A_187 = arith.constant 0 : i32
      %dma_wait3A_188 = tpu.memref_slice %arg6[%add3A_57, %dma_wait3A_187] : memref<10240x128xf32, #tpu.memory_space<vmem_shared>> -> memref<16x128xf32, #tpu.memory_space<vmem_shared>>
      %dma_wait3A_189 = arith.constant 0 : i32
      %dma_wait3A_190 = tpu.memref_slice %arg6[%add3A_57, %dma_wait3A_189] : memref<10240x128xf32, #tpu.memory_space<vmem_shared>> -> memref<16x128xf32, #tpu.memory_space<vmem_shared>>
      tpu.wait_dma2 semaphore(%run_scoped3A : memref<!tpu.dma_semaphore, #tpu.memory_space<semaphore_mem>>) src(%arg7 : memref<16x128xf32, #tpu.memory_space<vmem>>) dst(%dma_wait3A_190 : memref<16x128xf32, #tpu.memory_space<vmem_shared>>)
      tpu.yield
    }) : () -> ()
    %mul3A_58 = arith.constant 640 : i32
    %mul3A_59 = arith.muli %arg1, %mul3A_58 : i32
    %add3A_60 = arith.constant 208 : i32
    %add3A_61 = arith.addi %mul3A_59, %add3A_60 : i32
    "tpu.region"() ({
      %run_scoped3A = tpu.sem_alloc : memref<!tpu.dma_semaphore, #tpu.memory_space<semaphore_mem>>
      %dma_start3A_183 = arith.constant 0 : i32
      %dma_start3A_184 = tpu.memref_slice %arg6[%add3A_61, %dma_start3A_183] : memref<10240x128xf32, #tpu.memory_space<vmem_shared>> -> memref<16x128xf32, #tpu.memory_space<vmem_shared>>
      %dma_start3A_185 = arith.constant 0 : i32
      %dma_start3A_186 = tpu.memref_slice %arg6[%add3A_61, %dma_start3A_185] : memref<10240x128xf32, #tpu.memory_space<vmem_shared>> -> memref<16x128xf32, #tpu.memory_space<vmem_shared>>
      tpu.enqueue_dma source(%arg7 : memref<16x128xf32, #tpu.memory_space<vmem>>) target(%dma_start3A_186 : memref<16x128xf32, #tpu.memory_space<vmem_shared>>) target_semaphore(%run_scoped3A : memref<!tpu.dma_semaphore, #tpu.memory_space<semaphore_mem>>)
      %dma_wait3A_187 = arith.constant 0 : i32
      %dma_wait3A_188 = tpu.memref_slice %arg6[%add3A_61, %dma_wait3A_187] : memref<10240x128xf32, #tpu.memory_space<vmem_shared>> -> memref<16x128xf32, #tpu.memory_space<vmem_shared>>
      %dma_wait3A_189 = arith.constant 0 : i32
      %dma_wait3A_190 = tpu.memref_slice %arg6[%add3A_61, %dma_wait3A_189] : memref<10240x128xf32, #tpu.memory_space<vmem_shared>> -> memref<16x128xf32, #tpu.memory_space<vmem_shared>>
      tpu.wait_dma2 semaphore(%run_scoped3A : memref<!tpu.dma_semaphore, #tpu.memory_space<semaphore_mem>>) src(%arg7 : memref<16x128xf32, #tpu.memory_space<vmem>>) dst(%dma_wait3A_190 : memref<16x128xf32, #tpu.memory_space<vmem_shared>>)
      tpu.yield
    }) : () -> ()
    %mul3A_62 = arith.constant 640 : i32
    %mul3A_63 = arith.muli %arg1, %mul3A_62 : i32
    %add3A_64 = arith.constant 224 : i32
    %add3A_65 = arith.addi %mul3A_63, %add3A_64 : i32
    "tpu.region"() ({
      %run_scoped3A = tpu.sem_alloc : memref<!tpu.dma_semaphore, #tpu.memory_space<semaphore_mem>>
      %dma_start3A_183 = arith.constant 0 : i32
      %dma_start3A_184 = tpu.memref_slice %arg6[%add3A_65, %dma_start3A_183] : memref<10240x128xf32, #tpu.memory_space<vmem_shared>> -> memref<16x128xf32, #tpu.memory_space<vmem_shared>>
      %dma_start3A_185 = arith.constant 0 : i32
      %dma_start3A_186 = tpu.memref_slice %arg6[%add3A_65, %dma_start3A_185] : memref<10240x128xf32, #tpu.memory_space<vmem_shared>> -> memref<16x128xf32, #tpu.memory_space<vmem_shared>>
      tpu.enqueue_dma source(%arg7 : memref<16x128xf32, #tpu.memory_space<vmem>>) target(%dma_start3A_186 : memref<16x128xf32, #tpu.memory_space<vmem_shared>>) target_semaphore(%run_scoped3A : memref<!tpu.dma_semaphore, #tpu.memory_space<semaphore_mem>>)
      %dma_wait3A_187 = arith.constant 0 : i32
      %dma_wait3A_188 = tpu.memref_slice %arg6[%add3A_65, %dma_wait3A_187] : memref<10240x128xf32, #tpu.memory_space<vmem_shared>> -> memref<16x128xf32, #tpu.memory_space<vmem_shared>>
      %dma_wait3A_189 = arith.constant 0 : i32
      %dma_wait3A_190 = tpu.memref_slice %arg6[%add3A_65, %dma_wait3A_189] : memref<10240x128xf32, #tpu.memory_space<vmem_shared>> -> memref<16x128xf32, #tpu.memory_space<vmem_shared>>
      tpu.wait_dma2 semaphore(%run_scoped3A : memref<!tpu.dma_semaphore, #tpu.memory_space<semaphore_mem>>) src(%arg7 : memref<16x128xf32, #tpu.memory_space<vmem>>) dst(%dma_wait3A_190 : memref<16x128xf32, #tpu.memory_space<vmem_shared>>)
      tpu.yield
    }) : () -> ()
    %mul3A_66 = arith.constant 640 : i32
    %mul3A_67 = arith.muli %arg1, %mul3A_66 : i32
    %add3A_68 = arith.constant 240 : i32
    %add3A_69 = arith.addi %mul3A_67, %add3A_68 : i32
    "tpu.region"() ({
      %run_scoped3A = tpu.sem_alloc : memref<!tpu.dma_semaphore, #tpu.memory_space<semaphore_mem>>
      %dma_start3A_183 = arith.constant 0 : i32
      %dma_start3A_184 = tpu.memref_slice %arg6[%add3A_69, %dma_start3A_183] : memref<10240x128xf32, #tpu.memory_space<vmem_shared>> -> memref<16x128xf32, #tpu.memory_space<vmem_shared>>
      %dma_start3A_185 = arith.constant 0 : i32
      %dma_start3A_186 = tpu.memref_slice %arg6[%add3A_69, %dma_start3A_185] : memref<10240x128xf32, #tpu.memory_space<vmem_shared>> -> memref<16x128xf32, #tpu.memory_space<vmem_shared>>
      tpu.enqueue_dma source(%arg7 : memref<16x128xf32, #tpu.memory_space<vmem>>) target(%dma_start3A_186 : memref<16x128xf32, #tpu.memory_space<vmem_shared>>) target_semaphore(%run_scoped3A : memref<!tpu.dma_semaphore, #tpu.memory_space<semaphore_mem>>)
      %dma_wait3A_187 = arith.constant 0 : i32
      %dma_wait3A_188 = tpu.memref_slice %arg6[%add3A_69, %dma_wait3A_187] : memref<10240x128xf32, #tpu.memory_space<vmem_shared>> -> memref<16x128xf32, #tpu.memory_space<vmem_shared>>
      %dma_wait3A_189 = arith.constant 0 : i32
      %dma_wait3A_190 = tpu.memref_slice %arg6[%add3A_69, %dma_wait3A_189] : memref<10240x128xf32, #tpu.memory_space<vmem_shared>> -> memref<16x128xf32, #tpu.memory_space<vmem_shared>>
      tpu.wait_dma2 semaphore(%run_scoped3A : memref<!tpu.dma_semaphore, #tpu.memory_space<semaphore_mem>>) src(%arg7 : memref<16x128xf32, #tpu.memory_space<vmem>>) dst(%dma_wait3A_190 : memref<16x128xf32, #tpu.memory_space<vmem_shared>>)
      tpu.yield
    }) : () -> ()
    %mul3A_70 = arith.constant 640 : i32
    %mul3A_71 = arith.muli %arg1, %mul3A_70 : i32
    %add3A_72 = arith.constant 256 : i32
    %add3A_73 = arith.addi %mul3A_71, %add3A_72 : i32
    "tpu.region"() ({
      %run_scoped3A = tpu.sem_alloc : memref<!tpu.dma_semaphore, #tpu.memory_space<semaphore_mem>>
      %dma_start3A_183 = arith.constant 0 : i32
      %dma_start3A_184 = tpu.memref_slice %arg6[%add3A_73, %dma_start3A_183] : memref<10240x128xf32, #tpu.memory_space<vmem_shared>> -> memref<16x128xf32, #tpu.memory_space<vmem_shared>>
      %dma_start3A_185 = arith.constant 0 : i32
      %dma_start3A_186 = tpu.memref_slice %arg6[%add3A_73, %dma_start3A_185] : memref<10240x128xf32, #tpu.memory_space<vmem_shared>> -> memref<16x128xf32, #tpu.memory_space<vmem_shared>>
      tpu.enqueue_dma source(%arg7 : memref<16x128xf32, #tpu.memory_space<vmem>>) target(%dma_start3A_186 : memref<16x128xf32, #tpu.memory_space<vmem_shared>>) target_semaphore(%run_scoped3A : memref<!tpu.dma_semaphore, #tpu.memory_space<semaphore_mem>>)
      %dma_wait3A_187 = arith.constant 0 : i32
      %dma_wait3A_188 = tpu.memref_slice %arg6[%add3A_73, %dma_wait3A_187] : memref<10240x128xf32, #tpu.memory_space<vmem_shared>> -> memref<16x128xf32, #tpu.memory_space<vmem_shared>>
      %dma_wait3A_189 = arith.constant 0 : i32
      %dma_wait3A_190 = tpu.memref_slice %arg6[%add3A_73, %dma_wait3A_189] : memref<10240x128xf32, #tpu.memory_space<vmem_shared>> -> memref<16x128xf32, #tpu.memory_space<vmem_shared>>
      tpu.wait_dma2 semaphore(%run_scoped3A : memref<!tpu.dma_semaphore, #tpu.memory_space<semaphore_mem>>) src(%arg7 : memref<16x128xf32, #tpu.memory_space<vmem>>) dst(%dma_wait3A_190 : memref<16x128xf32, #tpu.memory_space<vmem_shared>>)
      tpu.yield
    }) : () -> ()
    %mul3A_74 = arith.constant 640 : i32
    %mul3A_75 = arith.muli %arg1, %mul3A_74 : i32
    %add3A_76 = arith.constant 272 : i32
    %add3A_77 = arith.addi %mul3A_75, %add3A_76 : i32
    "tpu.region"() ({
      %run_scoped3A = tpu.sem_alloc : memref<!tpu.dma_semaphore, #tpu.memory_space<semaphore_mem>>
      %dma_start3A_183 = arith.constant 0 : i32
      %dma_start3A_184 = tpu.memref_slice %arg6[%add3A_77, %dma_start3A_183] : memref<10240x128xf32, #tpu.memory_space<vmem_shared>> -> memref<16x128xf32, #tpu.memory_space<vmem_shared>>
      %dma_start3A_185 = arith.constant 0 : i32
      %dma_start3A_186 = tpu.memref_slice %arg6[%add3A_77, %dma_start3A_185] : memref<10240x128xf32, #tpu.memory_space<vmem_shared>> -> memref<16x128xf32, #tpu.memory_space<vmem_shared>>
      tpu.enqueue_dma source(%arg7 : memref<16x128xf32, #tpu.memory_space<vmem>>) target(%dma_start3A_186 : memref<16x128xf32, #tpu.memory_space<vmem_shared>>) target_semaphore(%run_scoped3A : memref<!tpu.dma_semaphore, #tpu.memory_space<semaphore_mem>>)
      %dma_wait3A_187 = arith.constant 0 : i32
      %dma_wait3A_188 = tpu.memref_slice %arg6[%add3A_77, %dma_wait3A_187] : memref<10240x128xf32, #tpu.memory_space<vmem_shared>> -> memref<16x128xf32, #tpu.memory_space<vmem_shared>>
      %dma_wait3A_189 = arith.constant 0 : i32
      %dma_wait3A_190 = tpu.memref_slice %arg6[%add3A_77, %dma_wait3A_189] : memref<10240x128xf32, #tpu.memory_space<vmem_shared>> -> memref<16x128xf32, #tpu.memory_space<vmem_shared>>
      tpu.wait_dma2 semaphore(%run_scoped3A : memref<!tpu.dma_semaphore, #tpu.memory_space<semaphore_mem>>) src(%arg7 : memref<16x128xf32, #tpu.memory_space<vmem>>) dst(%dma_wait3A_190 : memref<16x128xf32, #tpu.memory_space<vmem_shared>>)
      tpu.yield
    }) : () -> ()
    %mul3A_78 = arith.constant 640 : i32
    %mul3A_79 = arith.muli %arg1, %mul3A_78 : i32
    %add3A_80 = arith.constant 288 : i32
    %add3A_81 = arith.addi %mul3A_79, %add3A_80 : i32
    "tpu.region"() ({
      %run_scoped3A = tpu.sem_alloc : memref<!tpu.dma_semaphore, #tpu.memory_space<semaphore_mem>>
      %dma_start3A_183 = arith.constant 0 : i32
      %dma_start3A_184 = tpu.memref_slice %arg6[%add3A_81, %dma_start3A_183] : memref<10240x128xf32, #tpu.memory_space<vmem_shared>> -> memref<16x128xf32, #tpu.memory_space<vmem_shared>>
      %dma_start3A_185 = arith.constant 0 : i32
      %dma_start3A_186 = tpu.memref_slice %arg6[%add3A_81, %dma_start3A_185] : memref<10240x128xf32, #tpu.memory_space<vmem_shared>> -> memref<16x128xf32, #tpu.memory_space<vmem_shared>>
      tpu.enqueue_dma source(%arg7 : memref<16x128xf32, #tpu.memory_space<vmem>>) target(%dma_start3A_186 : memref<16x128xf32, #tpu.memory_space<vmem_shared>>) target_semaphore(%run_scoped3A : memref<!tpu.dma_semaphore, #tpu.memory_space<semaphore_mem>>)
      %dma_wait3A_187 = arith.constant 0 : i32
      %dma_wait3A_188 = tpu.memref_slice %arg6[%add3A_81, %dma_wait3A_187] : memref<10240x128xf32, #tpu.memory_space<vmem_shared>> -> memref<16x128xf32, #tpu.memory_space<vmem_shared>>
      %dma_wait3A_189 = arith.constant 0 : i32
      %dma_wait3A_190 = tpu.memref_slice %arg6[%add3A_81, %dma_wait3A_189] : memref<10240x128xf32, #tpu.memory_space<vmem_shared>> -> memref<16x128xf32, #tpu.memory_space<vmem_shared>>
      tpu.wait_dma2 semaphore(%run_scoped3A : memref<!tpu.dma_semaphore, #tpu.memory_space<semaphore_mem>>) src(%arg7 : memref<16x128xf32, #tpu.memory_space<vmem>>) dst(%dma_wait3A_190 : memref<16x128xf32, #tpu.memory_space<vmem_shared>>)
      tpu.yield
    }) : () -> ()
    %mul3A_82 = arith.constant 640 : i32
    %mul3A_83 = arith.muli %arg1, %mul3A_82 : i32
    %add3A_84 = arith.constant 304 : i32
    %add3A_85 = arith.addi %mul3A_83, %add3A_84 : i32
    "tpu.region"() ({
      %run_scoped3A = tpu.sem_alloc : memref<!tpu.dma_semaphore, #tpu.memory_space<semaphore_mem>>
      %dma_start3A_183 = arith.constant 0 : i32
      %dma_start3A_184 = tpu.memref_slice %arg6[%add3A_85, %dma_start3A_183] : memref<10240x128xf32, #tpu.memory_space<vmem_shared>> -> memref<16x128xf32, #tpu.memory_space<vmem_shared>>
      %dma_start3A_185 = arith.constant 0 : i32
      %dma_start3A_186 = tpu.memref_slice %arg6[%add3A_85, %dma_start3A_185] : memref<10240x128xf32, #tpu.memory_space<vmem_shared>> -> memref<16x128xf32, #tpu.memory_space<vmem_shared>>
      tpu.enqueue_dma source(%arg7 : memref<16x128xf32, #tpu.memory_space<vmem>>) target(%dma_start3A_186 : memref<16x128xf32, #tpu.memory_space<vmem_shared>>) target_semaphore(%run_scoped3A : memref<!tpu.dma_semaphore, #tpu.memory_space<semaphore_mem>>)
      %dma_wait3A_187 = arith.constant 0 : i32
      %dma_wait3A_188 = tpu.memref_slice %arg6[%add3A_85, %dma_wait3A_187] : memref<10240x128xf32, #tpu.memory_space<vmem_shared>> -> memref<16x128xf32, #tpu.memory_space<vmem_shared>>
      %dma_wait3A_189 = arith.constant 0 : i32
      %dma_wait3A_190 = tpu.memref_slice %arg6[%add3A_85, %dma_wait3A_189] : memref<10240x128xf32, #tpu.memory_space<vmem_shared>> -> memref<16x128xf32, #tpu.memory_space<vmem_shared>>
      tpu.wait_dma2 semaphore(%run_scoped3A : memref<!tpu.dma_semaphore, #tpu.memory_space<semaphore_mem>>) src(%arg7 : memref<16x128xf32, #tpu.memory_space<vmem>>) dst(%dma_wait3A_190 : memref<16x128xf32, #tpu.memory_space<vmem_shared>>)
      tpu.yield
    }) : () -> ()
    %mul3A_86 = arith.constant 640 : i32
    %mul3A_87 = arith.muli %arg1, %mul3A_86 : i32
    %add3A_88 = arith.constant 320 : i32
    %add3A_89 = arith.addi %mul3A_87, %add3A_88 : i32
    "tpu.region"() ({
      %run_scoped3A = tpu.sem_alloc : memref<!tpu.dma_semaphore, #tpu.memory_space<semaphore_mem>>
      %dma_start3A_183 = arith.constant 0 : i32
      %dma_start3A_184 = tpu.memref_slice %arg6[%add3A_89, %dma_start3A_183] : memref<10240x128xf32, #tpu.memory_space<vmem_shared>> -> memref<16x128xf32, #tpu.memory_space<vmem_shared>>
      %dma_start3A_185 = arith.constant 0 : i32
      %dma_start3A_186 = tpu.memref_slice %arg6[%add3A_89, %dma_start3A_185] : memref<10240x128xf32, #tpu.memory_space<vmem_shared>> -> memref<16x128xf32, #tpu.memory_space<vmem_shared>>
      tpu.enqueue_dma source(%arg7 : memref<16x128xf32, #tpu.memory_space<vmem>>) target(%dma_start3A_186 : memref<16x128xf32, #tpu.memory_space<vmem_shared>>) target_semaphore(%run_scoped3A : memref<!tpu.dma_semaphore, #tpu.memory_space<semaphore_mem>>)
      %dma_wait3A_187 = arith.constant 0 : i32
      %dma_wait3A_188 = tpu.memref_slice %arg6[%add3A_89, %dma_wait3A_187] : memref<10240x128xf32, #tpu.memory_space<vmem_shared>> -> memref<16x128xf32, #tpu.memory_space<vmem_shared>>
      %dma_wait3A_189 = arith.constant 0 : i32
      %dma_wait3A_190 = tpu.memref_slice %arg6[%add3A_89, %dma_wait3A_189] : memref<10240x128xf32, #tpu.memory_space<vmem_shared>> -> memref<16x128xf32, #tpu.memory_space<vmem_shared>>
      tpu.wait_dma2 semaphore(%run_scoped3A : memref<!tpu.dma_semaphore, #tpu.memory_space<semaphore_mem>>) src(%arg7 : memref<16x128xf32, #tpu.memory_space<vmem>>) dst(%dma_wait3A_190 : memref<16x128xf32, #tpu.memory_space<vmem_shared>>)
      tpu.yield
    }) : () -> ()
    %mul3A_90 = arith.constant 640 : i32
    %mul3A_91 = arith.muli %arg1, %mul3A_90 : i32
    %add3A_92 = arith.constant 336 : i32
    %add3A_93 = arith.addi %mul3A_91, %add3A_92 : i32
    "tpu.region"() ({
      %run_scoped3A = tpu.sem_alloc : memref<!tpu.dma_semaphore, #tpu.memory_space<semaphore_mem>>
      %dma_start3A_183 = arith.constant 0 : i32
      %dma_start3A_184 = tpu.memref_slice %arg6[%add3A_93, %dma_start3A_183] : memref<10240x128xf32, #tpu.memory_space<vmem_shared>> -> memref<16x128xf32, #tpu.memory_space<vmem_shared>>
      %dma_start3A_185 = arith.constant 0 : i32
      %dma_start3A_186 = tpu.memref_slice %arg6[%add3A_93, %dma_start3A_185] : memref<10240x128xf32, #tpu.memory_space<vmem_shared>> -> memref<16x128xf32, #tpu.memory_space<vmem_shared>>
      tpu.enqueue_dma source(%arg7 : memref<16x128xf32, #tpu.memory_space<vmem>>) target(%dma_start3A_186 : memref<16x128xf32, #tpu.memory_space<vmem_shared>>) target_semaphore(%run_scoped3A : memref<!tpu.dma_semaphore, #tpu.memory_space<semaphore_mem>>)
      %dma_wait3A_187 = arith.constant 0 : i32
      %dma_wait3A_188 = tpu.memref_slice %arg6[%add3A_93, %dma_wait3A_187] : memref<10240x128xf32, #tpu.memory_space<vmem_shared>> -> memref<16x128xf32, #tpu.memory_space<vmem_shared>>
      %dma_wait3A_189 = arith.constant 0 : i32
      %dma_wait3A_190 = tpu.memref_slice %arg6[%add3A_93, %dma_wait3A_189] : memref<10240x128xf32, #tpu.memory_space<vmem_shared>> -> memref<16x128xf32, #tpu.memory_space<vmem_shared>>
      tpu.wait_dma2 semaphore(%run_scoped3A : memref<!tpu.dma_semaphore, #tpu.memory_space<semaphore_mem>>) src(%arg7 : memref<16x128xf32, #tpu.memory_space<vmem>>) dst(%dma_wait3A_190 : memref<16x128xf32, #tpu.memory_space<vmem_shared>>)
      tpu.yield
    }) : () -> ()
    %mul3A_94 = arith.constant 640 : i32
    %mul3A_95 = arith.muli %arg1, %mul3A_94 : i32
    %add3A_96 = arith.constant 352 : i32
    %add3A_97 = arith.addi %mul3A_95, %add3A_96 : i32
    "tpu.region"() ({
      %run_scoped3A = tpu.sem_alloc : memref<!tpu.dma_semaphore, #tpu.memory_space<semaphore_mem>>
      %dma_start3A_183 = arith.constant 0 : i32
      %dma_start3A_184 = tpu.memref_slice %arg6[%add3A_97, %dma_start3A_183] : memref<10240x128xf32, #tpu.memory_space<vmem_shared>> -> memref<16x128xf32, #tpu.memory_space<vmem_shared>>
      %dma_start3A_185 = arith.constant 0 : i32
      %dma_start3A_186 = tpu.memref_slice %arg6[%add3A_97, %dma_start3A_185] : memref<10240x128xf32, #tpu.memory_space<vmem_shared>> -> memref<16x128xf32, #tpu.memory_space<vmem_shared>>
      tpu.enqueue_dma source(%arg7 : memref<16x128xf32, #tpu.memory_space<vmem>>) target(%dma_start3A_186 : memref<16x128xf32, #tpu.memory_space<vmem_shared>>) target_semaphore(%run_scoped3A : memref<!tpu.dma_semaphore, #tpu.memory_space<semaphore_mem>>)
      %dma_wait3A_187 = arith.constant 0 : i32
      %dma_wait3A_188 = tpu.memref_slice %arg6[%add3A_97, %dma_wait3A_187] : memref<10240x128xf32, #tpu.memory_space<vmem_shared>> -> memref<16x128xf32, #tpu.memory_space<vmem_shared>>
      %dma_wait3A_189 = arith.constant 0 : i32
      %dma_wait3A_190 = tpu.memref_slice %arg6[%add3A_97, %dma_wait3A_189] : memref<10240x128xf32, #tpu.memory_space<vmem_shared>> -> memref<16x128xf32, #tpu.memory_space<vmem_shared>>
      tpu.wait_dma2 semaphore(%run_scoped3A : memref<!tpu.dma_semaphore, #tpu.memory_space<semaphore_mem>>) src(%arg7 : memref<16x128xf32, #tpu.memory_space<vmem>>) dst(%dma_wait3A_190 : memref<16x128xf32, #tpu.memory_space<vmem_shared>>)
      tpu.yield
    }) : () -> ()
    %mul3A_98 = arith.constant 640 : i32
    %mul3A_99 = arith.muli %arg1, %mul3A_98 : i32
    %add3A_100 = arith.constant 368 : i32
    %add3A_101 = arith.addi %mul3A_99, %add3A_100 : i32
    "tpu.region"() ({
      %run_scoped3A = tpu.sem_alloc : memref<!tpu.dma_semaphore, #tpu.memory_space<semaphore_mem>>
      %dma_start3A_183 = arith.constant 0 : i32
      %dma_start3A_184 = tpu.memref_slice %arg6[%add3A_101, %dma_start3A_183] : memref<10240x128xf32, #tpu.memory_space<vmem_shared>> -> memref<16x128xf32, #tpu.memory_space<vmem_shared>>
      %dma_start3A_185 = arith.constant 0 : i32
      %dma_start3A_186 = tpu.memref_slice %arg6[%add3A_101, %dma_start3A_185] : memref<10240x128xf32, #tpu.memory_space<vmem_shared>> -> memref<16x128xf32, #tpu.memory_space<vmem_shared>>
      tpu.enqueue_dma source(%arg7 : memref<16x128xf32, #tpu.memory_space<vmem>>) target(%dma_start3A_186 : memref<16x128xf32, #tpu.memory_space<vmem_shared>>) target_semaphore(%run_scoped3A : memref<!tpu.dma_semaphore, #tpu.memory_space<semaphore_mem>>)
      %dma_wait3A_187 = arith.constant 0 : i32
      %dma_wait3A_188 = tpu.memref_slice %arg6[%add3A_101, %dma_wait3A_187] : memref<10240x128xf32, #tpu.memory_space<vmem_shared>> -> memref<16x128xf32, #tpu.memory_space<vmem_shared>>
      %dma_wait3A_189 = arith.constant 0 : i32
      %dma_wait3A_190 = tpu.memref_slice %arg6[%add3A_101, %dma_wait3A_189] : memref<10240x128xf32, #tpu.memory_space<vmem_shared>> -> memref<16x128xf32, #tpu.memory_space<vmem_shared>>
      tpu.wait_dma2 semaphore(%run_scoped3A : memref<!tpu.dma_semaphore, #tpu.memory_space<semaphore_mem>>) src(%arg7 : memref<16x128xf32, #tpu.memory_space<vmem>>) dst(%dma_wait3A_190 : memref<16x128xf32, #tpu.memory_space<vmem_shared>>)
      tpu.yield
    }) : () -> ()
    %mul3A_102 = arith.constant 640 : i32
    %mul3A_103 = arith.muli %arg1, %mul3A_102 : i32
    %add3A_104 = arith.constant 384 : i32
    %add3A_105 = arith.addi %mul3A_103, %add3A_104 : i32
    "tpu.region"() ({
      %run_scoped3A = tpu.sem_alloc : memref<!tpu.dma_semaphore, #tpu.memory_space<semaphore_mem>>
      %dma_start3A_183 = arith.constant 0 : i32
      %dma_start3A_184 = tpu.memref_slice %arg6[%add3A_105, %dma_start3A_183] : memref<10240x128xf32, #tpu.memory_space<vmem_shared>> -> memref<16x128xf32, #tpu.memory_space<vmem_shared>>
      %dma_start3A_185 = arith.constant 0 : i32
      %dma_start3A_186 = tpu.memref_slice %arg6[%add3A_105, %dma_start3A_185] : memref<10240x128xf32, #tpu.memory_space<vmem_shared>> -> memref<16x128xf32, #tpu.memory_space<vmem_shared>>
      tpu.enqueue_dma source(%arg7 : memref<16x128xf32, #tpu.memory_space<vmem>>) target(%dma_start3A_186 : memref<16x128xf32, #tpu.memory_space<vmem_shared>>) target_semaphore(%run_scoped3A : memref<!tpu.dma_semaphore, #tpu.memory_space<semaphore_mem>>)
      %dma_wait3A_187 = arith.constant 0 : i32
      %dma_wait3A_188 = tpu.memref_slice %arg6[%add3A_105, %dma_wait3A_187] : memref<10240x128xf32, #tpu.memory_space<vmem_shared>> -> memref<16x128xf32, #tpu.memory_space<vmem_shared>>
      %dma_wait3A_189 = arith.constant 0 : i32
      %dma_wait3A_190 = tpu.memref_slice %arg6[%add3A_105, %dma_wait3A_189] : memref<10240x128xf32, #tpu.memory_space<vmem_shared>> -> memref<16x128xf32, #tpu.memory_space<vmem_shared>>
      tpu.wait_dma2 semaphore(%run_scoped3A : memref<!tpu.dma_semaphore, #tpu.memory_space<semaphore_mem>>) src(%arg7 : memref<16x128xf32, #tpu.memory_space<vmem>>) dst(%dma_wait3A_190 : memref<16x128xf32, #tpu.memory_space<vmem_shared>>)
      tpu.yield
    }) : () -> ()
    %mul3A_106 = arith.constant 640 : i32
    %mul3A_107 = arith.muli %arg1, %mul3A_106 : i32
    %add3A_108 = arith.constant 400 : i32
    %add3A_109 = arith.addi %mul3A_107, %add3A_108 : i32
    "tpu.region"() ({
      %run_scoped3A = tpu.sem_alloc : memref<!tpu.dma_semaphore, #tpu.memory_space<semaphore_mem>>
      %dma_start3A_183 = arith.constant 0 : i32
      %dma_start3A_184 = tpu.memref_slice %arg6[%add3A_109, %dma_start3A_183] : memref<10240x128xf32, #tpu.memory_space<vmem_shared>> -> memref<16x128xf32, #tpu.memory_space<vmem_shared>>
      %dma_start3A_185 = arith.constant 0 : i32
      %dma_start3A_186 = tpu.memref_slice %arg6[%add3A_109, %dma_start3A_185] : memref<10240x128xf32, #tpu.memory_space<vmem_shared>> -> memref<16x128xf32, #tpu.memory_space<vmem_shared>>
      tpu.enqueue_dma source(%arg7 : memref<16x128xf32, #tpu.memory_space<vmem>>) target(%dma_start3A_186 : memref<16x128xf32, #tpu.memory_space<vmem_shared>>) target_semaphore(%run_scoped3A : memref<!tpu.dma_semaphore, #tpu.memory_space<semaphore_mem>>)
      %dma_wait3A_187 = arith.constant 0 : i32
      %dma_wait3A_188 = tpu.memref_slice %arg6[%add3A_109, %dma_wait3A_187] : memref<10240x128xf32, #tpu.memory_space<vmem_shared>> -> memref<16x128xf32, #tpu.memory_space<vmem_shared>>
      %dma_wait3A_189 = arith.constant 0 : i32
      %dma_wait3A_190 = tpu.memref_slice %arg6[%add3A_109, %dma_wait3A_189] : memref<10240x128xf32, #tpu.memory_space<vmem_shared>> -> memref<16x128xf32, #tpu.memory_space<vmem_shared>>
      tpu.wait_dma2 semaphore(%run_scoped3A : memref<!tpu.dma_semaphore, #tpu.memory_space<semaphore_mem>>) src(%arg7 : memref<16x128xf32, #tpu.memory_space<vmem>>) dst(%dma_wait3A_190 : memref<16x128xf32, #tpu.memory_space<vmem_shared>>)
      tpu.yield
    }) : () -> ()
    %mul3A_110 = arith.constant 640 : i32
    %mul3A_111 = arith.muli %arg1, %mul3A_110 : i32
    %add3A_112 = arith.constant 416 : i32
    %add3A_113 = arith.addi %mul3A_111, %add3A_112 : i32
    "tpu.region"() ({
      %run_scoped3A = tpu.sem_alloc : memref<!tpu.dma_semaphore, #tpu.memory_space<semaphore_mem>>
      %dma_start3A_183 = arith.constant 0 : i32
      %dma_start3A_184 = tpu.memref_slice %arg6[%add3A_113, %dma_start3A_183] : memref<10240x128xf32, #tpu.memory_space<vmem_shared>> -> memref<16x128xf32, #tpu.memory_space<vmem_shared>>
      %dma_start3A_185 = arith.constant 0 : i32
      %dma_start3A_186 = tpu.memref_slice %arg6[%add3A_113, %dma_start3A_185] : memref<10240x128xf32, #tpu.memory_space<vmem_shared>> -> memref<16x128xf32, #tpu.memory_space<vmem_shared>>
      tpu.enqueue_dma source(%arg7 : memref<16x128xf32, #tpu.memory_space<vmem>>) target(%dma_start3A_186 : memref<16x128xf32, #tpu.memory_space<vmem_shared>>) target_semaphore(%run_scoped3A : memref<!tpu.dma_semaphore, #tpu.memory_space<semaphore_mem>>)
      %dma_wait3A_187 = arith.constant 0 : i32
      %dma_wait3A_188 = tpu.memref_slice %arg6[%add3A_113, %dma_wait3A_187] : memref<10240x128xf32, #tpu.memory_space<vmem_shared>> -> memref<16x128xf32, #tpu.memory_space<vmem_shared>>
      %dma_wait3A_189 = arith.constant 0 : i32
      %dma_wait3A_190 = tpu.memref_slice %arg6[%add3A_113, %dma_wait3A_189] : memref<10240x128xf32, #tpu.memory_space<vmem_shared>> -> memref<16x128xf32, #tpu.memory_space<vmem_shared>>
      tpu.wait_dma2 semaphore(%run_scoped3A : memref<!tpu.dma_semaphore, #tpu.memory_space<semaphore_mem>>) src(%arg7 : memref<16x128xf32, #tpu.memory_space<vmem>>) dst(%dma_wait3A_190 : memref<16x128xf32, #tpu.memory_space<vmem_shared>>)
      tpu.yield
    }) : () -> ()
    %mul3A_114 = arith.constant 640 : i32
    %mul3A_115 = arith.muli %arg1, %mul3A_114 : i32
    %add3A_116 = arith.constant 432 : i32
    %add3A_117 = arith.addi %mul3A_115, %add3A_116 : i32
    "tpu.region"() ({
      %run_scoped3A = tpu.sem_alloc : memref<!tpu.dma_semaphore, #tpu.memory_space<semaphore_mem>>
      %dma_start3A_183 = arith.constant 0 : i32
      %dma_start3A_184 = tpu.memref_slice %arg6[%add3A_117, %dma_start3A_183] : memref<10240x128xf32, #tpu.memory_space<vmem_shared>> -> memref<16x128xf32, #tpu.memory_space<vmem_shared>>
      %dma_start3A_185 = arith.constant 0 : i32
      %dma_start3A_186 = tpu.memref_slice %arg6[%add3A_117, %dma_start3A_185] : memref<10240x128xf32, #tpu.memory_space<vmem_shared>> -> memref<16x128xf32, #tpu.memory_space<vmem_shared>>
      tpu.enqueue_dma source(%arg7 : memref<16x128xf32, #tpu.memory_space<vmem>>) target(%dma_start3A_186 : memref<16x128xf32, #tpu.memory_space<vmem_shared>>) target_semaphore(%run_scoped3A : memref<!tpu.dma_semaphore, #tpu.memory_space<semaphore_mem>>)
      %dma_wait3A_187 = arith.constant 0 : i32
      %dma_wait3A_188 = tpu.memref_slice %arg6[%add3A_117, %dma_wait3A_187] : memref<10240x128xf32, #tpu.memory_space<vmem_shared>> -> memref<16x128xf32, #tpu.memory_space<vmem_shared>>
      %dma_wait3A_189 = arith.constant 0 : i32
      %dma_wait3A_190 = tpu.memref_slice %arg6[%add3A_117, %dma_wait3A_189] : memref<10240x128xf32, #tpu.memory_space<vmem_shared>> -> memref<16x128xf32, #tpu.memory_space<vmem_shared>>
      tpu.wait_dma2 semaphore(%run_scoped3A : memref<!tpu.dma_semaphore, #tpu.memory_space<semaphore_mem>>) src(%arg7 : memref<16x128xf32, #tpu.memory_space<vmem>>) dst(%dma_wait3A_190 : memref<16x128xf32, #tpu.memory_space<vmem_shared>>)
      tpu.yield
    }) : () -> ()
    %mul3A_118 = arith.constant 640 : i32
    %mul3A_119 = arith.muli %arg1, %mul3A_118 : i32
    %add3A_120 = arith.constant 448 : i32
    %add3A_121 = arith.addi %mul3A_119, %add3A_120 : i32
    "tpu.region"() ({
      %run_scoped3A = tpu.sem_alloc : memref<!tpu.dma_semaphore, #tpu.memory_space<semaphore_mem>>
      %dma_start3A_183 = arith.constant 0 : i32
      %dma_start3A_184 = tpu.memref_slice %arg6[%add3A_121, %dma_start3A_183] : memref<10240x128xf32, #tpu.memory_space<vmem_shared>> -> memref<16x128xf32, #tpu.memory_space<vmem_shared>>
      %dma_start3A_185 = arith.constant 0 : i32
      %dma_start3A_186 = tpu.memref_slice %arg6[%add3A_121, %dma_start3A_185] : memref<10240x128xf32, #tpu.memory_space<vmem_shared>> -> memref<16x128xf32, #tpu.memory_space<vmem_shared>>
      tpu.enqueue_dma source(%arg7 : memref<16x128xf32, #tpu.memory_space<vmem>>) target(%dma_start3A_186 : memref<16x128xf32, #tpu.memory_space<vmem_shared>>) target_semaphore(%run_scoped3A : memref<!tpu.dma_semaphore, #tpu.memory_space<semaphore_mem>>)
      %dma_wait3A_187 = arith.constant 0 : i32
      %dma_wait3A_188 = tpu.memref_slice %arg6[%add3A_121, %dma_wait3A_187] : memref<10240x128xf32, #tpu.memory_space<vmem_shared>> -> memref<16x128xf32, #tpu.memory_space<vmem_shared>>
      %dma_wait3A_189 = arith.constant 0 : i32
      %dma_wait3A_190 = tpu.memref_slice %arg6[%add3A_121, %dma_wait3A_189] : memref<10240x128xf32, #tpu.memory_space<vmem_shared>> -> memref<16x128xf32, #tpu.memory_space<vmem_shared>>
      tpu.wait_dma2 semaphore(%run_scoped3A : memref<!tpu.dma_semaphore, #tpu.memory_space<semaphore_mem>>) src(%arg7 : memref<16x128xf32, #tpu.memory_space<vmem>>) dst(%dma_wait3A_190 : memref<16x128xf32, #tpu.memory_space<vmem_shared>>)
      tpu.yield
    }) : () -> ()
    %mul3A_122 = arith.constant 640 : i32
    %mul3A_123 = arith.muli %arg1, %mul3A_122 : i32
    %add3A_124 = arith.constant 464 : i32
    %add3A_125 = arith.addi %mul3A_123, %add3A_124 : i32
    "tpu.region"() ({
      %run_scoped3A = tpu.sem_alloc : memref<!tpu.dma_semaphore, #tpu.memory_space<semaphore_mem>>
      %dma_start3A_183 = arith.constant 0 : i32
      %dma_start3A_184 = tpu.memref_slice %arg6[%add3A_125, %dma_start3A_183] : memref<10240x128xf32, #tpu.memory_space<vmem_shared>> -> memref<16x128xf32, #tpu.memory_space<vmem_shared>>
      %dma_start3A_185 = arith.constant 0 : i32
      %dma_start3A_186 = tpu.memref_slice %arg6[%add3A_125, %dma_start3A_185] : memref<10240x128xf32, #tpu.memory_space<vmem_shared>> -> memref<16x128xf32, #tpu.memory_space<vmem_shared>>
      tpu.enqueue_dma source(%arg7 : memref<16x128xf32, #tpu.memory_space<vmem>>) target(%dma_start3A_186 : memref<16x128xf32, #tpu.memory_space<vmem_shared>>) target_semaphore(%run_scoped3A : memref<!tpu.dma_semaphore, #tpu.memory_space<semaphore_mem>>)
      %dma_wait3A_187 = arith.constant 0 : i32
      %dma_wait3A_188 = tpu.memref_slice %arg6[%add3A_125, %dma_wait3A_187] : memref<10240x128xf32, #tpu.memory_space<vmem_shared>> -> memref<16x128xf32, #tpu.memory_space<vmem_shared>>
      %dma_wait3A_189 = arith.constant 0 : i32
      %dma_wait3A_190 = tpu.memref_slice %arg6[%add3A_125, %dma_wait3A_189] : memref<10240x128xf32, #tpu.memory_space<vmem_shared>> -> memref<16x128xf32, #tpu.memory_space<vmem_shared>>
      tpu.wait_dma2 semaphore(%run_scoped3A : memref<!tpu.dma_semaphore, #tpu.memory_space<semaphore_mem>>) src(%arg7 : memref<16x128xf32, #tpu.memory_space<vmem>>) dst(%dma_wait3A_190 : memref<16x128xf32, #tpu.memory_space<vmem_shared>>)
      tpu.yield
    }) : () -> ()
    %mul3A_126 = arith.constant 640 : i32
    %mul3A_127 = arith.muli %arg1, %mul3A_126 : i32
    %add3A_128 = arith.constant 480 : i32
    %add3A_129 = arith.addi %mul3A_127, %add3A_128 : i32
    "tpu.region"() ({
      %run_scoped3A = tpu.sem_alloc : memref<!tpu.dma_semaphore, #tpu.memory_space<semaphore_mem>>
      %dma_start3A_183 = arith.constant 0 : i32
      %dma_start3A_184 = tpu.memref_slice %arg6[%add3A_129, %dma_start3A_183] : memref<10240x128xf32, #tpu.memory_space<vmem_shared>> -> memref<16x128xf32, #tpu.memory_space<vmem_shared>>
      %dma_start3A_185 = arith.constant 0 : i32
      %dma_start3A_186 = tpu.memref_slice %arg6[%add3A_129, %dma_start3A_185] : memref<10240x128xf32, #tpu.memory_space<vmem_shared>> -> memref<16x128xf32, #tpu.memory_space<vmem_shared>>
      tpu.enqueue_dma source(%arg7 : memref<16x128xf32, #tpu.memory_space<vmem>>) target(%dma_start3A_186 : memref<16x128xf32, #tpu.memory_space<vmem_shared>>) target_semaphore(%run_scoped3A : memref<!tpu.dma_semaphore, #tpu.memory_space<semaphore_mem>>)
      %dma_wait3A_187 = arith.constant 0 : i32
      %dma_wait3A_188 = tpu.memref_slice %arg6[%add3A_129, %dma_wait3A_187] : memref<10240x128xf32, #tpu.memory_space<vmem_shared>> -> memref<16x128xf32, #tpu.memory_space<vmem_shared>>
      %dma_wait3A_189 = arith.constant 0 : i32
      %dma_wait3A_190 = tpu.memref_slice %arg6[%add3A_129, %dma_wait3A_189] : memref<10240x128xf32, #tpu.memory_space<vmem_shared>> -> memref<16x128xf32, #tpu.memory_space<vmem_shared>>
      tpu.wait_dma2 semaphore(%run_scoped3A : memref<!tpu.dma_semaphore, #tpu.memory_space<semaphore_mem>>) src(%arg7 : memref<16x128xf32, #tpu.memory_space<vmem>>) dst(%dma_wait3A_190 : memref<16x128xf32, #tpu.memory_space<vmem_shared>>)
      tpu.yield
    }) : () -> ()
    %mul3A_130 = arith.constant 640 : i32
    %mul3A_131 = arith.muli %arg1, %mul3A_130 : i32
    %add3A_132 = arith.constant 496 : i32
    %add3A_133 = arith.addi %mul3A_131, %add3A_132 : i32
    "tpu.region"() ({
      %run_scoped3A = tpu.sem_alloc : memref<!tpu.dma_semaphore, #tpu.memory_space<semaphore_mem>>
      %dma_start3A_183 = arith.constant 0 : i32
      %dma_start3A_184 = tpu.memref_slice %arg6[%add3A_133, %dma_start3A_183] : memref<10240x128xf32, #tpu.memory_space<vmem_shared>> -> memref<16x128xf32, #tpu.memory_space<vmem_shared>>
      %dma_start3A_185 = arith.constant 0 : i32
      %dma_start3A_186 = tpu.memref_slice %arg6[%add3A_133, %dma_start3A_185] : memref<10240x128xf32, #tpu.memory_space<vmem_shared>> -> memref<16x128xf32, #tpu.memory_space<vmem_shared>>
      tpu.enqueue_dma source(%arg7 : memref<16x128xf32, #tpu.memory_space<vmem>>) target(%dma_start3A_186 : memref<16x128xf32, #tpu.memory_space<vmem_shared>>) target_semaphore(%run_scoped3A : memref<!tpu.dma_semaphore, #tpu.memory_space<semaphore_mem>>)
      %dma_wait3A_187 = arith.constant 0 : i32
      %dma_wait3A_188 = tpu.memref_slice %arg6[%add3A_133, %dma_wait3A_187] : memref<10240x128xf32, #tpu.memory_space<vmem_shared>> -> memref<16x128xf32, #tpu.memory_space<vmem_shared>>
      %dma_wait3A_189 = arith.constant 0 : i32
      %dma_wait3A_190 = tpu.memref_slice %arg6[%add3A_133, %dma_wait3A_189] : memref<10240x128xf32, #tpu.memory_space<vmem_shared>> -> memref<16x128xf32, #tpu.memory_space<vmem_shared>>
      tpu.wait_dma2 semaphore(%run_scoped3A : memref<!tpu.dma_semaphore, #tpu.memory_space<semaphore_mem>>) src(%arg7 : memref<16x128xf32, #tpu.memory_space<vmem>>) dst(%dma_wait3A_190 : memref<16x128xf32, #tpu.memory_space<vmem_shared>>)
      tpu.yield
    }) : () -> ()
    %mul3A_134 = arith.constant 640 : i32
    %mul3A_135 = arith.muli %arg1, %mul3A_134 : i32
    %add3A_136 = arith.constant 512 : i32
    %add3A_137 = arith.addi %mul3A_135, %add3A_136 : i32
    "tpu.region"() ({
      %run_scoped3A = tpu.sem_alloc : memref<!tpu.dma_semaphore, #tpu.memory_space<semaphore_mem>>
      %dma_start3A_183 = arith.constant 0 : i32
      %dma_start3A_184 = tpu.memref_slice %arg6[%add3A_137, %dma_start3A_183] : memref<10240x128xf32, #tpu.memory_space<vmem_shared>> -> memref<16x128xf32, #tpu.memory_space<vmem_shared>>
      %dma_start3A_185 = arith.constant 0 : i32
      %dma_start3A_186 = tpu.memref_slice %arg6[%add3A_137, %dma_start3A_185] : memref<10240x128xf32, #tpu.memory_space<vmem_shared>> -> memref<16x128xf32, #tpu.memory_space<vmem_shared>>
      tpu.enqueue_dma source(%arg7 : memref<16x128xf32, #tpu.memory_space<vmem>>) target(%dma_start3A_186 : memref<16x128xf32, #tpu.memory_space<vmem_shared>>) target_semaphore(%run_scoped3A : memref<!tpu.dma_semaphore, #tpu.memory_space<semaphore_mem>>)
      %dma_wait3A_187 = arith.constant 0 : i32
      %dma_wait3A_188 = tpu.memref_slice %arg6[%add3A_137, %dma_wait3A_187] : memref<10240x128xf32, #tpu.memory_space<vmem_shared>> -> memref<16x128xf32, #tpu.memory_space<vmem_shared>>
      %dma_wait3A_189 = arith.constant 0 : i32
      %dma_wait3A_190 = tpu.memref_slice %arg6[%add3A_137, %dma_wait3A_189] : memref<10240x128xf32, #tpu.memory_space<vmem_shared>> -> memref<16x128xf32, #tpu.memory_space<vmem_shared>>
      tpu.wait_dma2 semaphore(%run_scoped3A : memref<!tpu.dma_semaphore, #tpu.memory_space<semaphore_mem>>) src(%arg7 : memref<16x128xf32, #tpu.memory_space<vmem>>) dst(%dma_wait3A_190 : memref<16x128xf32, #tpu.memory_space<vmem_shared>>)
      tpu.yield
    }) : () -> ()
    %mul3A_138 = arith.constant 640 : i32
    %mul3A_139 = arith.muli %arg1, %mul3A_138 : i32
    %add3A_140 = arith.constant 528 : i32
    %add3A_141 = arith.addi %mul3A_139, %add3A_140 : i32
    "tpu.region"() ({
      %run_scoped3A = tpu.sem_alloc : memref<!tpu.dma_semaphore, #tpu.memory_space<semaphore_mem>>
      %dma_start3A_183 = arith.constant 0 : i32
      %dma_start3A_184 = tpu.memref_slice %arg6[%add3A_141, %dma_start3A_183] : memref<10240x128xf32, #tpu.memory_space<vmem_shared>> -> memref<16x128xf32, #tpu.memory_space<vmem_shared>>
      %dma_start3A_185 = arith.constant 0 : i32
      %dma_start3A_186 = tpu.memref_slice %arg6[%add3A_141, %dma_start3A_185] : memref<10240x128xf32, #tpu.memory_space<vmem_shared>> -> memref<16x128xf32, #tpu.memory_space<vmem_shared>>
      tpu.enqueue_dma source(%arg7 : memref<16x128xf32, #tpu.memory_space<vmem>>) target(%dma_start3A_186 : memref<16x128xf32, #tpu.memory_space<vmem_shared>>) target_semaphore(%run_scoped3A : memref<!tpu.dma_semaphore, #tpu.memory_space<semaphore_mem>>)
      %dma_wait3A_187 = arith.constant 0 : i32
      %dma_wait3A_188 = tpu.memref_slice %arg6[%add3A_141, %dma_wait3A_187] : memref<10240x128xf32, #tpu.memory_space<vmem_shared>> -> memref<16x128xf32, #tpu.memory_space<vmem_shared>>
      %dma_wait3A_189 = arith.constant 0 : i32
      %dma_wait3A_190 = tpu.memref_slice %arg6[%add3A_141, %dma_wait3A_189] : memref<10240x128xf32, #tpu.memory_space<vmem_shared>> -> memref<16x128xf32, #tpu.memory_space<vmem_shared>>
      tpu.wait_dma2 semaphore(%run_scoped3A : memref<!tpu.dma_semaphore, #tpu.memory_space<semaphore_mem>>) src(%arg7 : memref<16x128xf32, #tpu.memory_space<vmem>>) dst(%dma_wait3A_190 : memref<16x128xf32, #tpu.memory_space<vmem_shared>>)
      tpu.yield
    }) : () -> ()
    %mul3A_142 = arith.constant 640 : i32
    %mul3A_143 = arith.muli %arg1, %mul3A_142 : i32
    %add3A_144 = arith.constant 544 : i32
    %add3A_145 = arith.addi %mul3A_143, %add3A_144 : i32
    "tpu.region"() ({
      %run_scoped3A = tpu.sem_alloc : memref<!tpu.dma_semaphore, #tpu.memory_space<semaphore_mem>>
      %dma_start3A_183 = arith.constant 0 : i32
      %dma_start3A_184 = tpu.memref_slice %arg6[%add3A_145, %dma_start3A_183] : memref<10240x128xf32, #tpu.memory_space<vmem_shared>> -> memref<16x128xf32, #tpu.memory_space<vmem_shared>>
      %dma_start3A_185 = arith.constant 0 : i32
      %dma_start3A_186 = tpu.memref_slice %arg6[%add3A_145, %dma_start3A_185] : memref<10240x128xf32, #tpu.memory_space<vmem_shared>> -> memref<16x128xf32, #tpu.memory_space<vmem_shared>>
      tpu.enqueue_dma source(%arg7 : memref<16x128xf32, #tpu.memory_space<vmem>>) target(%dma_start3A_186 : memref<16x128xf32, #tpu.memory_space<vmem_shared>>) target_semaphore(%run_scoped3A : memref<!tpu.dma_semaphore, #tpu.memory_space<semaphore_mem>>)
      %dma_wait3A_187 = arith.constant 0 : i32
      %dma_wait3A_188 = tpu.memref_slice %arg6[%add3A_145, %dma_wait3A_187] : memref<10240x128xf32, #tpu.memory_space<vmem_shared>> -> memref<16x128xf32, #tpu.memory_space<vmem_shared>>
      %dma_wait3A_189 = arith.constant 0 : i32
      %dma_wait3A_190 = tpu.memref_slice %arg6[%add3A_145, %dma_wait3A_189] : memref<10240x128xf32, #tpu.memory_space<vmem_shared>> -> memref<16x128xf32, #tpu.memory_space<vmem_shared>>
      tpu.wait_dma2 semaphore(%run_scoped3A : memref<!tpu.dma_semaphore, #tpu.memory_space<semaphore_mem>>) src(%arg7 : memref<16x128xf32, #tpu.memory_space<vmem>>) dst(%dma_wait3A_190 : memref<16x128xf32, #tpu.memory_space<vmem_shared>>)
      tpu.yield
    }) : () -> ()
    %mul3A_146 = arith.constant 640 : i32
    %mul3A_147 = arith.muli %arg1, %mul3A_146 : i32
    %add3A_148 = arith.constant 560 : i32
    %add3A_149 = arith.addi %mul3A_147, %add3A_148 : i32
    "tpu.region"() ({
      %run_scoped3A = tpu.sem_alloc : memref<!tpu.dma_semaphore, #tpu.memory_space<semaphore_mem>>
      %dma_start3A_183 = arith.constant 0 : i32
      %dma_start3A_184 = tpu.memref_slice %arg6[%add3A_149, %dma_start3A_183] : memref<10240x128xf32, #tpu.memory_space<vmem_shared>> -> memref<16x128xf32, #tpu.memory_space<vmem_shared>>
      %dma_start3A_185 = arith.constant 0 : i32
      %dma_start3A_186 = tpu.memref_slice %arg6[%add3A_149, %dma_start3A_185] : memref<10240x128xf32, #tpu.memory_space<vmem_shared>> -> memref<16x128xf32, #tpu.memory_space<vmem_shared>>
      tpu.enqueue_dma source(%arg7 : memref<16x128xf32, #tpu.memory_space<vmem>>) target(%dma_start3A_186 : memref<16x128xf32, #tpu.memory_space<vmem_shared>>) target_semaphore(%run_scoped3A : memref<!tpu.dma_semaphore, #tpu.memory_space<semaphore_mem>>)
      %dma_wait3A_187 = arith.constant 0 : i32
      %dma_wait3A_188 = tpu.memref_slice %arg6[%add3A_149, %dma_wait3A_187] : memref<10240x128xf32, #tpu.memory_space<vmem_shared>> -> memref<16x128xf32, #tpu.memory_space<vmem_shared>>
      %dma_wait3A_189 = arith.constant 0 : i32
      %dma_wait3A_190 = tpu.memref_slice %arg6[%add3A_149, %dma_wait3A_189] : memref<10240x128xf32, #tpu.memory_space<vmem_shared>> -> memref<16x128xf32, #tpu.memory_space<vmem_shared>>
      tpu.wait_dma2 semaphore(%run_scoped3A : memref<!tpu.dma_semaphore, #tpu.memory_space<semaphore_mem>>) src(%arg7 : memref<16x128xf32, #tpu.memory_space<vmem>>) dst(%dma_wait3A_190 : memref<16x128xf32, #tpu.memory_space<vmem_shared>>)
      tpu.yield
    }) : () -> ()
    %mul3A_150 = arith.constant 640 : i32
    %mul3A_151 = arith.muli %arg1, %mul3A_150 : i32
    %add3A_152 = arith.constant 576 : i32
    %add3A_153 = arith.addi %mul3A_151, %add3A_152 : i32
    "tpu.region"() ({
      %run_scoped3A = tpu.sem_alloc : memref<!tpu.dma_semaphore, #tpu.memory_space<semaphore_mem>>
      %dma_start3A_183 = arith.constant 0 : i32
      %dma_start3A_184 = tpu.memref_slice %arg6[%add3A_153, %dma_start3A_183] : memref<10240x128xf32, #tpu.memory_space<vmem_shared>> -> memref<16x128xf32, #tpu.memory_space<vmem_shared>>
      %dma_start3A_185 = arith.constant 0 : i32
      %dma_start3A_186 = tpu.memref_slice %arg6[%add3A_153, %dma_start3A_185] : memref<10240x128xf32, #tpu.memory_space<vmem_shared>> -> memref<16x128xf32, #tpu.memory_space<vmem_shared>>
      tpu.enqueue_dma source(%arg7 : memref<16x128xf32, #tpu.memory_space<vmem>>) target(%dma_start3A_186 : memref<16x128xf32, #tpu.memory_space<vmem_shared>>) target_semaphore(%run_scoped3A : memref<!tpu.dma_semaphore, #tpu.memory_space<semaphore_mem>>)
      %dma_wait3A_187 = arith.constant 0 : i32
      %dma_wait3A_188 = tpu.memref_slice %arg6[%add3A_153, %dma_wait3A_187] : memref<10240x128xf32, #tpu.memory_space<vmem_shared>> -> memref<16x128xf32, #tpu.memory_space<vmem_shared>>
      %dma_wait3A_189 = arith.constant 0 : i32
      %dma_wait3A_190 = tpu.memref_slice %arg6[%add3A_153, %dma_wait3A_189] : memref<10240x128xf32, #tpu.memory_space<vmem_shared>> -> memref<16x128xf32, #tpu.memory_space<vmem_shared>>
      tpu.wait_dma2 semaphore(%run_scoped3A : memref<!tpu.dma_semaphore, #tpu.memory_space<semaphore_mem>>) src(%arg7 : memref<16x128xf32, #tpu.memory_space<vmem>>) dst(%dma_wait3A_190 : memref<16x128xf32, #tpu.memory_space<vmem_shared>>)
      tpu.yield
    }) : () -> ()
    %mul3A_154 = arith.constant 640 : i32
    %mul3A_155 = arith.muli %arg1, %mul3A_154 : i32
    %add3A_156 = arith.constant 592 : i32
    %add3A_157 = arith.addi %mul3A_155, %add3A_156 : i32
    "tpu.region"() ({
      %run_scoped3A = tpu.sem_alloc : memref<!tpu.dma_semaphore, #tpu.memory_space<semaphore_mem>>
      %dma_start3A_183 = arith.constant 0 : i32
      %dma_start3A_184 = tpu.memref_slice %arg6[%add3A_157, %dma_start3A_183] : memref<10240x128xf32, #tpu.memory_space<vmem_shared>> -> memref<16x128xf32, #tpu.memory_space<vmem_shared>>
      %dma_start3A_185 = arith.constant 0 : i32
      %dma_start3A_186 = tpu.memref_slice %arg6[%add3A_157, %dma_start3A_185] : memref<10240x128xf32, #tpu.memory_space<vmem_shared>> -> memref<16x128xf32, #tpu.memory_space<vmem_shared>>
      tpu.enqueue_dma source(%arg7 : memref<16x128xf32, #tpu.memory_space<vmem>>) target(%dma_start3A_186 : memref<16x128xf32, #tpu.memory_space<vmem_shared>>) target_semaphore(%run_scoped3A : memref<!tpu.dma_semaphore, #tpu.memory_space<semaphore_mem>>)
      %dma_wait3A_187 = arith.constant 0 : i32
      %dma_wait3A_188 = tpu.memref_slice %arg6[%add3A_157, %dma_wait3A_187] : memref<10240x128xf32, #tpu.memory_space<vmem_shared>> -> memref<16x128xf32, #tpu.memory_space<vmem_shared>>
      %dma_wait3A_189 = arith.constant 0 : i32
      %dma_wait3A_190 = tpu.memref_slice %arg6[%add3A_157, %dma_wait3A_189] : memref<10240x128xf32, #tpu.memory_space<vmem_shared>> -> memref<16x128xf32, #tpu.memory_space<vmem_shared>>
      tpu.wait_dma2 semaphore(%run_scoped3A : memref<!tpu.dma_semaphore, #tpu.memory_space<semaphore_mem>>) src(%arg7 : memref<16x128xf32, #tpu.memory_space<vmem>>) dst(%dma_wait3A_190 : memref<16x128xf32, #tpu.memory_space<vmem_shared>>)
      tpu.yield
    }) : () -> ()
    %mul3A_158 = arith.constant 640 : i32
    %mul3A_159 = arith.muli %arg1, %mul3A_158 : i32
    %add3A_160 = arith.constant 608 : i32
    %add3A_161 = arith.addi %mul3A_159, %add3A_160 : i32
    "tpu.region"() ({
      %run_scoped3A = tpu.sem_alloc : memref<!tpu.dma_semaphore, #tpu.memory_space<semaphore_mem>>
      %dma_start3A_183 = arith.constant 0 : i32
      %dma_start3A_184 = tpu.memref_slice %arg6[%add3A_161, %dma_start3A_183] : memref<10240x128xf32, #tpu.memory_space<vmem_shared>> -> memref<16x128xf32, #tpu.memory_space<vmem_shared>>
      %dma_start3A_185 = arith.constant 0 : i32
      %dma_start3A_186 = tpu.memref_slice %arg6[%add3A_161, %dma_start3A_185] : memref<10240x128xf32, #tpu.memory_space<vmem_shared>> -> memref<16x128xf32, #tpu.memory_space<vmem_shared>>
      tpu.enqueue_dma source(%arg7 : memref<16x128xf32, #tpu.memory_space<vmem>>) target(%dma_start3A_186 : memref<16x128xf32, #tpu.memory_space<vmem_shared>>) target_semaphore(%run_scoped3A : memref<!tpu.dma_semaphore, #tpu.memory_space<semaphore_mem>>)
      %dma_wait3A_187 = arith.constant 0 : i32
      %dma_wait3A_188 = tpu.memref_slice %arg6[%add3A_161, %dma_wait3A_187] : memref<10240x128xf32, #tpu.memory_space<vmem_shared>> -> memref<16x128xf32, #tpu.memory_space<vmem_shared>>
      %dma_wait3A_189 = arith.constant 0 : i32
      %dma_wait3A_190 = tpu.memref_slice %arg6[%add3A_161, %dma_wait3A_189] : memref<10240x128xf32, #tpu.memory_space<vmem_shared>> -> memref<16x128xf32, #tpu.memory_space<vmem_shared>>
      tpu.wait_dma2 semaphore(%run_scoped3A : memref<!tpu.dma_semaphore, #tpu.memory_space<semaphore_mem>>) src(%arg7 : memref<16x128xf32, #tpu.memory_space<vmem>>) dst(%dma_wait3A_190 : memref<16x128xf32, #tpu.memory_space<vmem_shared>>)
      tpu.yield
    }) : () -> ()
    %mul3A_162 = arith.constant 640 : i32
    %mul3A_163 = arith.muli %arg1, %mul3A_162 : i32
    %add3A_164 = arith.constant 624 : i32
    %add3A_165 = arith.addi %mul3A_163, %add3A_164 : i32
    "tpu.region"() ({
      %run_scoped3A = tpu.sem_alloc : memref<!tpu.dma_semaphore, #tpu.memory_space<semaphore_mem>>
      %dma_start3A_183 = arith.constant 0 : i32
      %dma_start3A_184 = tpu.memref_slice %arg6[%add3A_165, %dma_start3A_183] : memref<10240x128xf32, #tpu.memory_space<vmem_shared>> -> memref<16x128xf32, #tpu.memory_space<vmem_shared>>
      %dma_start3A_185 = arith.constant 0 : i32
      %dma_start3A_186 = tpu.memref_slice %arg6[%add3A_165, %dma_start3A_185] : memref<10240x128xf32, #tpu.memory_space<vmem_shared>> -> memref<16x128xf32, #tpu.memory_space<vmem_shared>>
      tpu.enqueue_dma source(%arg7 : memref<16x128xf32, #tpu.memory_space<vmem>>) target(%dma_start3A_186 : memref<16x128xf32, #tpu.memory_space<vmem_shared>>) target_semaphore(%run_scoped3A : memref<!tpu.dma_semaphore, #tpu.memory_space<semaphore_mem>>)
      %dma_wait3A_187 = arith.constant 0 : i32
      %dma_wait3A_188 = tpu.memref_slice %arg6[%add3A_165, %dma_wait3A_187] : memref<10240x128xf32, #tpu.memory_space<vmem_shared>> -> memref<16x128xf32, #tpu.memory_space<vmem_shared>>
      %dma_wait3A_189 = arith.constant 0 : i32
      %dma_wait3A_190 = tpu.memref_slice %arg6[%add3A_165, %dma_wait3A_189] : memref<10240x128xf32, #tpu.memory_space<vmem_shared>> -> memref<16x128xf32, #tpu.memory_space<vmem_shared>>
      tpu.wait_dma2 semaphore(%run_scoped3A : memref<!tpu.dma_semaphore, #tpu.memory_space<semaphore_mem>>) src(%arg7 : memref<16x128xf32, #tpu.memory_space<vmem>>) dst(%dma_wait3A_190 : memref<16x128xf32, #tpu.memory_space<vmem_shared>>)
      tpu.yield
    }) : () -> ()
    %barrier3A = arith.constant 0 : index
    tpu.barrier barrier_id(%barrier3A)
    "tpu.region"() ({
      %run_scoped3A = tpu.sem_alloc : memref<!tpu.dma_semaphore, #tpu.memory_space<semaphore_mem>>
      %dma_start3A_183 = arith.constant 0 : i32
      %dma_start3A_184 = tpu.memref_slice %arg3[%arg0, %mul3A_0, %dma_start3A_183] : memref<2x1282x128xi32, #tpu.memory_space<hbm>> -> memref<1x1x128xi32, #tpu.memory_space<hbm>>
      %dma_start3A_185 = tpu.memref_squeeze %dma_start3A_184 : memref<1x1x128xi32, #tpu.memory_space<hbm>> -> memref<128xi32, #tpu.memory_space<hbm>>
      %dma_start3A_186 = arith.constant 0 : i32
      %dma_start3A_187 = tpu.memref_slice %arg3[%arg0, %mul3A_0, %dma_start3A_186] : memref<2x1282x128xi32, #tpu.memory_space<hbm>> -> memref<1x1x128xi32, #tpu.memory_space<hbm>>
      %dma_start3A_188 = tpu.memref_squeeze %dma_start3A_187 : memref<1x1x128xi32, #tpu.memory_space<hbm>> -> memref<128xi32, #tpu.memory_space<hbm>>
      tpu.enqueue_dma source(%dma_start3A_188 : memref<128xi32, #tpu.memory_space<hbm>>) target(%arg10 : memref<128xi32, #tpu.memory_space<vmem>>) target_semaphore(%run_scoped3A : memref<!tpu.dma_semaphore, #tpu.memory_space<semaphore_mem>>)
      %dma_wait3A_189 = arith.constant 0 : i32
      %dma_wait3A_190 = tpu.memref_slice %arg3[%arg0, %mul3A_0, %dma_wait3A_189] : memref<2x1282x128xi32, #tpu.memory_space<hbm>> -> memref<1x1x128xi32, #tpu.memory_space<hbm>>
      %dma_wait3A_191 = tpu.memref_squeeze %dma_wait3A_190 : memref<1x1x128xi32, #tpu.memory_space<hbm>> -> memref<128xi32, #tpu.memory_space<hbm>>
      %dma_wait3A_192 = arith.constant 0 : i32
      %dma_wait3A_193 = tpu.memref_slice %arg3[%arg0, %mul3A_0, %dma_wait3A_192] : memref<2x1282x128xi32, #tpu.memory_space<hbm>> -> memref<1x1x128xi32, #tpu.memory_space<hbm>>
      %dma_wait3A_194 = tpu.memref_squeeze %dma_wait3A_193 : memref<1x1x128xi32, #tpu.memory_space<hbm>> -> memref<128xi32, #tpu.memory_space<hbm>>
      tpu.wait_dma2 semaphore(%run_scoped3A : memref<!tpu.dma_semaphore, #tpu.memory_space<semaphore_mem>>) src(%dma_wait3A_194 : memref<128xi32, #tpu.memory_space<hbm>>) dst(%arg10 : memref<128xi32, #tpu.memory_space<vmem>>)
      tpu.yield
    }) : () -> ()
    "tpu.region"() ({
      %run_scoped3A = tpu.sem_alloc : memref<!tpu.dma_semaphore, #tpu.memory_space<semaphore_mem>>
      %dma_start3A_183 = arith.constant 0 : i32
      %dma_start3A_184 = tpu.memref_slice %arg4[%mul3A_0, %dma_start3A_183] : memref<1282x128xi32, #tpu.memory_space<hbm>> -> memref<1x128xi32, #tpu.memory_space<hbm>>
      %dma_start3A_185 = tpu.memref_squeeze %dma_start3A_184 : memref<1x128xi32, #tpu.memory_space<hbm>> -> memref<128xi32, #tpu.memory_space<hbm>>
      %dma_start3A_186 = arith.constant 0 : i32
      %dma_start3A_187 = tpu.memref_slice %arg4[%mul3A_0, %dma_start3A_186] : memref<1282x128xi32, #tpu.memory_space<hbm>> -> memref<1x128xi32, #tpu.memory_space<hbm>>
      %dma_start3A_188 = tpu.memref_squeeze %dma_start3A_187 : memref<1x128xi32, #tpu.memory_space<hbm>> -> memref<128xi32, #tpu.memory_space<hbm>>
      tpu.enqueue_dma source(%dma_start3A_188 : memref<128xi32, #tpu.memory_space<hbm>>) target(%arg12 : memref<128xi32, #tpu.memory_space<vmem>>) target_semaphore(%run_scoped3A : memref<!tpu.dma_semaphore, #tpu.memory_space<semaphore_mem>>)
      %dma_wait3A_189 = arith.constant 0 : i32
      %dma_wait3A_190 = tpu.memref_slice %arg4[%mul3A_0, %dma_wait3A_189] : memref<1282x128xi32, #tpu.memory_space<hbm>> -> memref<1x128xi32, #tpu.memory_space<hbm>>
      %dma_wait3A_191 = tpu.memref_squeeze %dma_wait3A_190 : memref<1x128xi32, #tpu.memory_space<hbm>> -> memref<128xi32, #tpu.memory_space<hbm>>
      %dma_wait3A_192 = arith.constant 0 : i32
      %dma_wait3A_193 = tpu.memref_slice %arg4[%mul3A_0, %dma_wait3A_192] : memref<1282x128xi32, #tpu.memory_space<hbm>> -> memref<1x128xi32, #tpu.memory_space<hbm>>
      %dma_wait3A_194 = tpu.memref_squeeze %dma_wait3A_193 : memref<1x128xi32, #tpu.memory_space<hbm>> -> memref<128xi32, #tpu.memory_space<hbm>>
      tpu.wait_dma2 semaphore(%run_scoped3A : memref<!tpu.dma_semaphore, #tpu.memory_space<semaphore_mem>>) src(%dma_wait3A_194 : memref<128xi32, #tpu.memory_space<hbm>>) dst(%arg12 : memref<128xi32, #tpu.memory_space<vmem>>)
      tpu.yield
    }) : () -> ()
    %add3A_166 = arith.constant 1 : i32
    %add3A_167 = arith.addi %mul3A_0, %add3A_166 : i32
    "tpu.region"() ({
      %run_scoped3A = tpu.sem_alloc : memref<!tpu.dma_semaphore, #tpu.memory_space<semaphore_mem>>
      %dma_start3A_183 = arith.constant 0 : i32
      %dma_start3A_184 = tpu.memref_slice %arg3[%arg0, %add3A_167, %dma_start3A_183] : memref<2x1282x128xi32, #tpu.memory_space<hbm>> -> memref<1x1x128xi32, #tpu.memory_space<hbm>>
      %dma_start3A_185 = tpu.memref_squeeze %dma_start3A_184 : memref<1x1x128xi32, #tpu.memory_space<hbm>> -> memref<128xi32, #tpu.memory_space<hbm>>
      %dma_start3A_186 = arith.constant 0 : i32
      %dma_start3A_187 = tpu.memref_slice %arg3[%arg0, %add3A_167, %dma_start3A_186] : memref<2x1282x128xi32, #tpu.memory_space<hbm>> -> memref<1x1x128xi32, #tpu.memory_space<hbm>>
      %dma_start3A_188 = tpu.memref_squeeze %dma_start3A_187 : memref<1x1x128xi32, #tpu.memory_space<hbm>> -> memref<128xi32, #tpu.memory_space<hbm>>
      tpu.enqueue_dma source(%dma_start3A_188 : memref<128xi32, #tpu.memory_space<hbm>>) target(%arg11 : memref<128xi32, #tpu.memory_space<vmem>>) target_semaphore(%run_scoped3A : memref<!tpu.dma_semaphore, #tpu.memory_space<semaphore_mem>>)
      %dma_wait3A_189 = arith.constant 0 : i32
      %dma_wait3A_190 = tpu.memref_slice %arg3[%arg0, %add3A_167, %dma_wait3A_189] : memref<2x1282x128xi32, #tpu.memory_space<hbm>> -> memref<1x1x128xi32, #tpu.memory_space<hbm>>
      %dma_wait3A_191 = tpu.memref_squeeze %dma_wait3A_190 : memref<1x1x128xi32, #tpu.memory_space<hbm>> -> memref<128xi32, #tpu.memory_space<hbm>>
      %dma_wait3A_192 = arith.constant 0 : i32
      %dma_wait3A_193 = tpu.memref_slice %arg3[%arg0, %add3A_167, %dma_wait3A_192] : memref<2x1282x128xi32, #tpu.memory_space<hbm>> -> memref<1x1x128xi32, #tpu.memory_space<hbm>>
      %dma_wait3A_194 = tpu.memref_squeeze %dma_wait3A_193 : memref<1x1x128xi32, #tpu.memory_space<hbm>> -> memref<128xi32, #tpu.memory_space<hbm>>
      tpu.wait_dma2 semaphore(%run_scoped3A : memref<!tpu.dma_semaphore, #tpu.memory_space<semaphore_mem>>) src(%dma_wait3A_194 : memref<128xi32, #tpu.memory_space<hbm>>) dst(%arg11 : memref<128xi32, #tpu.memory_space<vmem>>)
      tpu.yield
    }) : () -> ()
    %add3A_168 = arith.constant 1 : i32
    %add3A_169 = arith.addi %mul3A_0, %add3A_168 : i32
    "tpu.region"() ({
      %run_scoped3A = tpu.sem_alloc : memref<!tpu.dma_semaphore, #tpu.memory_space<semaphore_mem>>
      %dma_start3A_183 = arith.constant 0 : i32
      %dma_start3A_184 = tpu.memref_slice %arg4[%add3A_169, %dma_start3A_183] : memref<1282x128xi32, #tpu.memory_space<hbm>> -> memref<1x128xi32, #tpu.memory_space<hbm>>
      %dma_start3A_185 = tpu.memref_squeeze %dma_start3A_184 : memref<1x128xi32, #tpu.memory_space<hbm>> -> memref<128xi32, #tpu.memory_space<hbm>>
      %dma_start3A_186 = arith.constant 0 : i32
      %dma_start3A_187 = tpu.memref_slice %arg4[%add3A_169, %dma_start3A_186] : memref<1282x128xi32, #tpu.memory_space<hbm>> -> memref<1x128xi32, #tpu.memory_space<hbm>>
      %dma_start3A_188 = tpu.memref_squeeze %dma_start3A_187 : memref<1x128xi32, #tpu.memory_space<hbm>> -> memref<128xi32, #tpu.memory_space<hbm>>
      tpu.enqueue_dma source(%dma_start3A_188 : memref<128xi32, #tpu.memory_space<hbm>>) target(%arg13 : memref<128xi32, #tpu.memory_space<vmem>>) target_semaphore(%run_scoped3A : memref<!tpu.dma_semaphore, #tpu.memory_space<semaphore_mem>>)
      %dma_wait3A_189 = arith.constant 0 : i32
      %dma_wait3A_190 = tpu.memref_slice %arg4[%add3A_169, %dma_wait3A_189] : memref<1282x128xi32, #tpu.memory_space<hbm>> -> memref<1x128xi32, #tpu.memory_space<hbm>>
      %dma_wait3A_191 = tpu.memref_squeeze %dma_wait3A_190 : memref<1x128xi32, #tpu.memory_space<hbm>> -> memref<128xi32, #tpu.memory_space<hbm>>
      %dma_wait3A_192 = arith.constant 0 : i32
      %dma_wait3A_193 = tpu.memref_slice %arg4[%add3A_169, %dma_wait3A_192] : memref<1282x128xi32, #tpu.memory_space<hbm>> -> memref<1x128xi32, #tpu.memory_space<hbm>>
      %dma_wait3A_194 = tpu.memref_squeeze %dma_wait3A_193 : memref<1x128xi32, #tpu.memory_space<hbm>> -> memref<128xi32, #tpu.memory_space<hbm>>
      tpu.wait_dma2 semaphore(%run_scoped3A : memref<!tpu.dma_semaphore, #tpu.memory_space<semaphore_mem>>) src(%dma_wait3A_194 : memref<128xi32, #tpu.memory_space<hbm>>) dst(%arg13 : memref<128xi32, #tpu.memory_space<vmem>>)
      tpu.yield
    }) : () -> ()
    %dma_start3A = arith.constant 0 : i32
    %dma_start3A_170 = arith.constant 0 : i32
    %dma_start3A_171 = tpu.memref_slice %arg2[%dma_start3A, %dma_start3A_170] : memref<20000x128xf32, #tpu.memory_space<hbm>> -> memref<20000x128xf32, #tpu.memory_space<hbm>>
    tpu.enqueue_indirect_dma source(%dma_start3A_171 : memref<20000x128xf32, #tpu.memory_space<hbm>>) target(%arg8 : memref<128x128xf32, #tpu.memory_space<vmem>>) offsets(%arg10 : memref<128xi32, #tpu.memory_space<vmem>>) semaphore(%arg14 : memref<!tpu.dma_semaphore, #tpu.memory_space<semaphore_mem>>)
    %dma_wait3A = arith.constant 0 : i32
    %dma_wait3A_172 = arith.constant 0 : i32
    %dma_wait3A_173 = tpu.memref_slice %arg2[%dma_wait3A, %dma_wait3A_172] : memref<20000x128xf32, #tpu.memory_space<hbm>> -> memref<20000x128xf32, #tpu.memory_space<hbm>>
    tpu.wait_indirect_dma semaphore(%arg14 : memref<!tpu.dma_semaphore, #tpu.memory_space<semaphore_mem>>) src(%dma_wait3A_173 : memref<20000x128xf32, #tpu.memory_space<hbm>>) dst(%arg8 : memref<128x128xf32, #tpu.memory_space<vmem>>)
    %scan3A_174 = arith.constant 0 : i32
    %scan3A_175 = arith.constant 0 : i32
    %scan3A_176 = arith.constant 40 : i32
    %scan3A_177 = arith.addi %scan3A_175, %scan3A_176 : i32
    %scan3A_178 = arith.constant 1 : i32
    scf.for %scan3A_183 = %scan3A_175 to %scan3A_177 step %scan3A_178  : i32 {
      %mul3A_184 = arith.constant 2 : i32
      %mul3A_185 = arith.muli %scan3A_183, %mul3A_184 : i32
      %add3A_186 = arith.constant 0 : i32
      %add3A_187 = arith.addi %mul3A_185, %add3A_186 : i32
      %dma_start3A_188 = arith.constant 0 : i32
      %dma_start3A_189 = arith.constant 0 : i32
      %dma_start3A_190 = tpu.memref_slice %arg2[%dma_start3A_188, %dma_start3A_189] : memref<20000x128xf32, #tpu.memory_space<hbm>> -> memref<20000x128xf32, #tpu.memory_space<hbm>>
      tpu.enqueue_indirect_dma source(%dma_start3A_190 : memref<20000x128xf32, #tpu.memory_space<hbm>>) target(%arg9 : memref<128x128xf32, #tpu.memory_space<vmem>>) offsets(%arg11 : memref<128xi32, #tpu.memory_space<vmem>>) semaphore(%arg15 : memref<!tpu.dma_semaphore, #tpu.memory_space<semaphore_mem>>)
      "tpu.region"() ({
        %run_scoped3A = tpu.sem_alloc : memref<!tpu.dma_semaphore, #tpu.memory_space<semaphore_mem>>
        %dma_start3A_264 = arith.constant 0 : i32
        %dma_start3A_265 = arith.constant 0 : i32
        %dma_start3A_266 = tpu.memref_slice %arg6[%dma_start3A_264, %dma_start3A_265] : memref<10240x128xf32, #tpu.memory_space<vmem_shared>> -> memref<10240x128xf32, #tpu.memory_space<vmem_shared>>
        tpu.enqueue_indirect_dma source(%arg8 : memref<128x128xf32, #tpu.memory_space<vmem>>) target(%dma_start3A_266 : memref<10240x128xf32, #tpu.memory_space<vmem_shared>>) offsets(%arg12 : memref<128xi32, #tpu.memory_space<vmem>>) semaphore(%run_scoped3A : memref<!tpu.dma_semaphore, #tpu.memory_space<semaphore_mem>>) {add = true}
        %dma_wait3A_267 = arith.constant 0 : i32
        %dma_wait3A_268 = arith.constant 0 : i32
        %dma_wait3A_269 = tpu.memref_slice %arg6[%dma_wait3A_267, %dma_wait3A_268] : memref<10240x128xf32, #tpu.memory_space<vmem_shared>> -> memref<10240x128xf32, #tpu.memory_space<vmem_shared>>
        tpu.wait_indirect_dma semaphore(%run_scoped3A : memref<!tpu.dma_semaphore, #tpu.memory_space<semaphore_mem>>) src(%arg8 : memref<128x128xf32, #tpu.memory_space<vmem>>) dst(%dma_wait3A_269 : memref<10240x128xf32, #tpu.memory_space<vmem_shared>>)
        tpu.yield
      }) : () -> ()
      %add3A_191 = arith.addi %mul3A_0, %add3A_187 : i32
      %add3A_192 = arith.constant 2 : i32
      %add3A_193 = arith.addi %add3A_191, %add3A_192 : i32
      %dma_start3A_194 = arith.constant 0 : i32
      %dma_start3A_195 = tpu.memref_slice %arg3[%arg0, %add3A_193, %dma_start3A_194] : memref<2x1282x128xi32, #tpu.memory_space<hbm>> -> memref<1x1x128xi32, #tpu.memory_space<hbm>>
      %dma_start3A_196 = tpu.memref_squeeze %dma_start3A_195 : memref<1x1x128xi32, #tpu.memory_space<hbm>> -> memref<128xi32, #tpu.memory_space<hbm>>
      %dma_start3A_197 = arith.constant 0 : i32
      %dma_start3A_198 = tpu.memref_slice %arg3[%arg0, %add3A_193, %dma_start3A_197] : memref<2x1282x128xi32, #tpu.memory_space<hbm>> -> memref<1x1x128xi32, #tpu.memory_space<hbm>>
      %dma_start3A_199 = tpu.memref_squeeze %dma_start3A_198 : memref<1x1x128xi32, #tpu.memory_space<hbm>> -> memref<128xi32, #tpu.memory_space<hbm>>
      tpu.enqueue_dma source(%dma_start3A_199 : memref<128xi32, #tpu.memory_space<hbm>>) target(%arg10 : memref<128xi32, #tpu.memory_space<vmem>>) target_semaphore(%arg16 : memref<!tpu.dma_semaphore, #tpu.memory_space<semaphore_mem>>)
      %add3A_200 = arith.addi %mul3A_0, %add3A_187 : i32
      %add3A_201 = arith.constant 2 : i32
      %add3A_202 = arith.addi %add3A_200, %add3A_201 : i32
      %dma_start3A_203 = arith.constant 0 : i32
      %dma_start3A_204 = tpu.memref_slice %arg4[%add3A_202, %dma_start3A_203] : memref<1282x128xi32, #tpu.memory_space<hbm>> -> memref<1x128xi32, #tpu.memory_space<hbm>>
      %dma_start3A_205 = tpu.memref_squeeze %dma_start3A_204 : memref<1x128xi32, #tpu.memory_space<hbm>> -> memref<128xi32, #tpu.memory_space<hbm>>
      %dma_start3A_206 = arith.constant 0 : i32
      %dma_start3A_207 = tpu.memref_slice %arg4[%add3A_202, %dma_start3A_206] : memref<1282x128xi32, #tpu.memory_space<hbm>> -> memref<1x128xi32, #tpu.memory_space<hbm>>
      %dma_start3A_208 = tpu.memref_squeeze %dma_start3A_207 : memref<1x128xi32, #tpu.memory_space<hbm>> -> memref<128xi32, #tpu.memory_space<hbm>>
      tpu.enqueue_dma source(%dma_start3A_208 : memref<128xi32, #tpu.memory_space<hbm>>) target(%arg12 : memref<128xi32, #tpu.memory_space<vmem>>) target_semaphore(%arg16 : memref<!tpu.dma_semaphore, #tpu.memory_space<semaphore_mem>>)
      %dma_wait3A_209 = arith.constant 0 : i32
      %dma_wait3A_210 = arith.constant 0 : i32
      %dma_wait3A_211 = tpu.memref_slice %arg2[%dma_wait3A_209, %dma_wait3A_210] : memref<20000x128xf32, #tpu.memory_space<hbm>> -> memref<20000x128xf32, #tpu.memory_space<hbm>>
      tpu.wait_indirect_dma semaphore(%arg15 : memref<!tpu.dma_semaphore, #tpu.memory_space<semaphore_mem>>) src(%dma_wait3A_211 : memref<20000x128xf32, #tpu.memory_space<hbm>>) dst(%arg9 : memref<128x128xf32, #tpu.memory_space<vmem>>)
      %dma_wait3A_212 = arith.constant 0 : i32
      %dma_wait3A_213 = tpu.memref_slice %arg3[%arg0, %add3A_193, %dma_wait3A_212] : memref<2x1282x128xi32, #tpu.memory_space<hbm>> -> memref<1x1x128xi32, #tpu.memory_space<hbm>>
      %dma_wait3A_214 = tpu.memref_squeeze %dma_wait3A_213 : memref<1x1x128xi32, #tpu.memory_space<hbm>> -> memref<128xi32, #tpu.memory_space<hbm>>
      %dma_wait3A_215 = arith.constant 0 : i32
      %dma_wait3A_216 = tpu.memref_slice %arg3[%arg0, %add3A_193, %dma_wait3A_215] : memref<2x1282x128xi32, #tpu.memory_space<hbm>> -> memref<1x1x128xi32, #tpu.memory_space<hbm>>
      %dma_wait3A_217 = tpu.memref_squeeze %dma_wait3A_216 : memref<1x1x128xi32, #tpu.memory_space<hbm>> -> memref<128xi32, #tpu.memory_space<hbm>>
      tpu.wait_dma2 semaphore(%arg16 : memref<!tpu.dma_semaphore, #tpu.memory_space<semaphore_mem>>) src(%dma_wait3A_217 : memref<128xi32, #tpu.memory_space<hbm>>) dst(%arg10 : memref<128xi32, #tpu.memory_space<vmem>>)
      %dma_wait3A_218 = arith.constant 0 : i32
      %dma_wait3A_219 = tpu.memref_slice %arg4[%add3A_202, %dma_wait3A_218] : memref<1282x128xi32, #tpu.memory_space<hbm>> -> memref<1x128xi32, #tpu.memory_space<hbm>>
      %dma_wait3A_220 = tpu.memref_squeeze %dma_wait3A_219 : memref<1x128xi32, #tpu.memory_space<hbm>> -> memref<128xi32, #tpu.memory_space<hbm>>
      %dma_wait3A_221 = arith.constant 0 : i32
      %dma_wait3A_222 = tpu.memref_slice %arg4[%add3A_202, %dma_wait3A_221] : memref<1282x128xi32, #tpu.memory_space<hbm>> -> memref<1x128xi32, #tpu.memory_space<hbm>>
      %dma_wait3A_223 = tpu.memref_squeeze %dma_wait3A_222 : memref<1x128xi32, #tpu.memory_space<hbm>> -> memref<128xi32, #tpu.memory_space<hbm>>
      tpu.wait_dma2 semaphore(%arg16 : memref<!tpu.dma_semaphore, #tpu.memory_space<semaphore_mem>>) src(%dma_wait3A_223 : memref<128xi32, #tpu.memory_space<hbm>>) dst(%arg12 : memref<128xi32, #tpu.memory_space<vmem>>)
      %mul3A_224 = arith.constant 2 : i32
      %mul3A_225 = arith.muli %scan3A_183, %mul3A_224 : i32
      %add3A_226 = arith.constant 1 : i32
      %add3A_227 = arith.addi %mul3A_225, %add3A_226 : i32
      %dma_start3A_228 = arith.constant 0 : i32
      %dma_start3A_229 = arith.constant 0 : i32
      %dma_start3A_230 = tpu.memref_slice %arg2[%dma_start3A_228, %dma_start3A_229] : memref<20000x128xf32, #tpu.memory_space<hbm>> -> memref<20000x128xf32, #tpu.memory_space<hbm>>
      tpu.enqueue_indirect_dma source(%dma_start3A_230 : memref<20000x128xf32, #tpu.memory_space<hbm>>) target(%arg8 : memref<128x128xf32, #tpu.memory_space<vmem>>) offsets(%arg10 : memref<128xi32, #tpu.memory_space<vmem>>) semaphore(%arg14 : memref<!tpu.dma_semaphore, #tpu.memory_space<semaphore_mem>>)
      "tpu.region"() ({
        %run_scoped3A = tpu.sem_alloc : memref<!tpu.dma_semaphore, #tpu.memory_space<semaphore_mem>>
        %dma_start3A_264 = arith.constant 0 : i32
        %dma_start3A_265 = arith.constant 0 : i32
        %dma_start3A_266 = tpu.memref_slice %arg6[%dma_start3A_264, %dma_start3A_265] : memref<10240x128xf32, #tpu.memory_space<vmem_shared>> -> memref<10240x128xf32, #tpu.memory_space<vmem_shared>>
        tpu.enqueue_indirect_dma source(%arg9 : memref<128x128xf32, #tpu.memory_space<vmem>>) target(%dma_start3A_266 : memref<10240x128xf32, #tpu.memory_space<vmem_shared>>) offsets(%arg13 : memref<128xi32, #tpu.memory_space<vmem>>) semaphore(%run_scoped3A : memref<!tpu.dma_semaphore, #tpu.memory_space<semaphore_mem>>) {add = true}
        %dma_wait3A_267 = arith.constant 0 : i32
        %dma_wait3A_268 = arith.constant 0 : i32
        %dma_wait3A_269 = tpu.memref_slice %arg6[%dma_wait3A_267, %dma_wait3A_268] : memref<10240x128xf32, #tpu.memory_space<vmem_shared>> -> memref<10240x128xf32, #tpu.memory_space<vmem_shared>>
        tpu.wait_indirect_dma semaphore(%run_scoped3A : memref<!tpu.dma_semaphore, #tpu.memory_space<semaphore_mem>>) src(%arg9 : memref<128x128xf32, #tpu.memory_space<vmem>>) dst(%dma_wait3A_269 : memref<10240x128xf32, #tpu.memory_space<vmem_shared>>)
        tpu.yield
      }) : () -> ()
      %add3A_231 = arith.addi %mul3A_0, %add3A_227 : i32
      %add3A_232 = arith.constant 2 : i32
      %add3A_233 = arith.addi %add3A_231, %add3A_232 : i32
      %dma_start3A_234 = arith.constant 0 : i32
      %dma_start3A_235 = tpu.memref_slice %arg3[%arg0, %add3A_233, %dma_start3A_234] : memref<2x1282x128xi32, #tpu.memory_space<hbm>> -> memref<1x1x128xi32, #tpu.memory_space<hbm>>
      %dma_start3A_236 = tpu.memref_squeeze %dma_start3A_235 : memref<1x1x128xi32, #tpu.memory_space<hbm>> -> memref<128xi32, #tpu.memory_space<hbm>>
      %dma_start3A_237 = arith.constant 0 : i32
      %dma_start3A_238 = tpu.memref_slice %arg3[%arg0, %add3A_233, %dma_start3A_237] : memref<2x1282x128xi32, #tpu.memory_space<hbm>> -> memref<1x1x128xi32, #tpu.memory_space<hbm>>
      %dma_start3A_239 = tpu.memref_squeeze %dma_start3A_238 : memref<1x1x128xi32, #tpu.memory_space<hbm>> -> memref<128xi32, #tpu.memory_space<hbm>>
      tpu.enqueue_dma source(%dma_start3A_239 : memref<128xi32, #tpu.memory_space<hbm>>) target(%arg11 : memref<128xi32, #tpu.memory_space<vmem>>) target_semaphore(%arg17 : memref<!tpu.dma_semaphore, #tpu.memory_space<semaphore_mem>>)
      %add3A_240 = arith.addi %mul3A_0, %add3A_227 : i32
      %add3A_241 = arith.constant 2 : i32
      %add3A_242 = arith.addi %add3A_240, %add3A_241 : i32
      %dma_start3A_243 = arith.constant 0 : i32
      %dma_start3A_244 = tpu.memref_slice %arg4[%add3A_242, %dma_start3A_243] : memref<1282x128xi32, #tpu.memory_space<hbm>> -> memref<1x128xi32, #tpu.memory_space<hbm>>
      %dma_start3A_245 = tpu.memref_squeeze %dma_start3A_244 : memref<1x128xi32, #tpu.memory_space<hbm>> -> memref<128xi32, #tpu.memory_space<hbm>>
      %dma_start3A_246 = arith.constant 0 : i32
      %dma_start3A_247 = tpu.memref_slice %arg4[%add3A_242, %dma_start3A_246] : memref<1282x128xi32, #tpu.memory_space<hbm>> -> memref<1x128xi32, #tpu.memory_space<hbm>>
      %dma_start3A_248 = tpu.memref_squeeze %dma_start3A_247 : memref<1x128xi32, #tpu.memory_space<hbm>> -> memref<128xi32, #tpu.memory_space<hbm>>
      tpu.enqueue_dma source(%dma_start3A_248 : memref<128xi32, #tpu.memory_space<hbm>>) target(%arg13 : memref<128xi32, #tpu.memory_space<vmem>>) target_semaphore(%arg17 : memref<!tpu.dma_semaphore, #tpu.memory_space<semaphore_mem>>)
      %dma_wait3A_249 = arith.constant 0 : i32
      %dma_wait3A_250 = arith.constant 0 : i32
      %dma_wait3A_251 = tpu.memref_slice %arg2[%dma_wait3A_249, %dma_wait3A_250] : memref<20000x128xf32, #tpu.memory_space<hbm>> -> memref<20000x128xf32, #tpu.memory_space<hbm>>
      tpu.wait_indirect_dma semaphore(%arg14 : memref<!tpu.dma_semaphore, #tpu.memory_space<semaphore_mem>>) src(%dma_wait3A_251 : memref<20000x128xf32, #tpu.memory_space<hbm>>) dst(%arg8 : memref<128x128xf32, #tpu.memory_space<vmem>>)
      %dma_wait3A_252 = arith.constant 0 : i32
      %dma_wait3A_253 = tpu.memref_slice %arg3[%arg0, %add3A_233, %dma_wait3A_252] : memref<2x1282x128xi32, #tpu.memory_space<hbm>> -> memref<1x1x128xi32, #tpu.memory_space<hbm>>
      %dma_wait3A_254 = tpu.memref_squeeze %dma_wait3A_253 : memref<1x1x128xi32, #tpu.memory_space<hbm>> -> memref<128xi32, #tpu.memory_space<hbm>>
      %dma_wait3A_255 = arith.constant 0 : i32
      %dma_wait3A_256 = tpu.memref_slice %arg3[%arg0, %add3A_233, %dma_wait3A_255] : memref<2x1282x128xi32, #tpu.memory_space<hbm>> -> memref<1x1x128xi32, #tpu.memory_space<hbm>>
      %dma_wait3A_257 = tpu.memref_squeeze %dma_wait3A_256 : memref<1x1x128xi32, #tpu.memory_space<hbm>> -> memref<128xi32, #tpu.memory_space<hbm>>
      tpu.wait_dma2 semaphore(%arg17 : memref<!tpu.dma_semaphore, #tpu.memory_space<semaphore_mem>>) src(%dma_wait3A_257 : memref<128xi32, #tpu.memory_space<hbm>>) dst(%arg11 : memref<128xi32, #tpu.memory_space<vmem>>)
      %dma_wait3A_258 = arith.constant 0 : i32
      %dma_wait3A_259 = tpu.memref_slice %arg4[%add3A_242, %dma_wait3A_258] : memref<1282x128xi32, #tpu.memory_space<hbm>> -> memref<1x128xi32, #tpu.memory_space<hbm>>
      %dma_wait3A_260 = tpu.memref_squeeze %dma_wait3A_259 : memref<1x128xi32, #tpu.memory_space<hbm>> -> memref<128xi32, #tpu.memory_space<hbm>>
      %dma_wait3A_261 = arith.constant 0 : i32
      %dma_wait3A_262 = tpu.memref_slice %arg4[%add3A_242, %dma_wait3A_261] : memref<1282x128xi32, #tpu.memory_space<hbm>> -> memref<1x128xi32, #tpu.memory_space<hbm>>
      %dma_wait3A_263 = tpu.memref_squeeze %dma_wait3A_262 : memref<1x128xi32, #tpu.memory_space<hbm>> -> memref<128xi32, #tpu.memory_space<hbm>>
      tpu.wait_dma2 semaphore(%arg17 : memref<!tpu.dma_semaphore, #tpu.memory_space<semaphore_mem>>) src(%dma_wait3A_263 : memref<128xi32, #tpu.memory_space<hbm>>) dst(%arg13 : memref<128xi32, #tpu.memory_space<vmem>>)
    }
    %scan3A_179 = arith.constant 40 : i32
    %barrier3A_180 = arith.constant 0 : index
    tpu.barrier barrier_id(%barrier3A_180)
    %mul3A_181 = arith.constant 640 : i32
    %mul3A_182 = arith.muli %arg1, %mul3A_181 : i32
    "tpu.region"() ({
      %run_scoped3A = tpu.sem_alloc : memref<!tpu.dma_semaphore, #tpu.memory_space<semaphore_mem>>
      %dma_start3A_183 = arith.constant 0 : i32
      %dma_start3A_184 = tpu.memref_slice %arg5[%arg0, %mul3A_182, %dma_start3A_183] : memref<2x10240x128xf32, #tpu.memory_space<hbm>> -> memref<1x640x128xf32, #tpu.memory_space<hbm>>
      %dma_start3A_185 = tpu.memref_squeeze %dma_start3A_184 : memref<1x640x128xf32, #tpu.memory_space<hbm>> -> memref<640x128xf32, #tpu.memory_space<hbm>>
      %dma_start3A_186 = arith.constant 0 : i32
      %dma_start3A_187 = tpu.memref_slice %arg6[%mul3A_182, %dma_start3A_186] : memref<10240x128xf32, #tpu.memory_space<vmem_shared>> -> memref<640x128xf32, #tpu.memory_space<vmem_shared>>
      tpu.enqueue_dma source(%dma_start3A_187 : memref<640x128xf32, #tpu.memory_space<vmem_shared>>) target(%dma_start3A_185 : memref<640x128xf32, #tpu.memory_space<hbm>>) target_semaphore(%run_scoped3A : memref<!tpu.dma_semaphore, #tpu.memory_space<semaphore_mem>>)
      %dma_wait3A_188 = arith.constant 0 : i32
      %dma_wait3A_189 = tpu.memref_slice %arg5[%arg0, %mul3A_182, %dma_wait3A_188] : memref<2x10240x128xf32, #tpu.memory_space<hbm>> -> memref<1x640x128xf32, #tpu.memory_space<hbm>>
      %dma_wait3A_190 = tpu.memref_squeeze %dma_wait3A_189 : memref<1x640x128xf32, #tpu.memory_space<hbm>> -> memref<640x128xf32, #tpu.memory_space<hbm>>
      %dma_wait3A_191 = arith.constant 0 : i32
      %dma_wait3A_192 = tpu.memref_slice %arg6[%mul3A_182, %dma_wait3A_191] : memref<10240x128xf32, #tpu.memory_space<vmem_shared>> -> memref<640x128xf32, #tpu.memory_space<vmem_shared>>
      tpu.wait_dma2 semaphore(%run_scoped3A : memref<!tpu.dma_semaphore, #tpu.memory_space<semaphore_mem>>) src(%dma_wait3A_192 : memref<640x128xf32, #tpu.memory_space<vmem_shared>>) dst(%dma_wait3A_190 : memref<640x128xf32, #tpu.memory_space<hbm>>)
      tpu.yield
    }) : () -> ()
    return
  }
}

#map = affine_map<(d0, d1) -> (0, 0)>
#map1 = affine_map<(d0, d1) -> (0, 0, 0)>
module attributes {stable_mosaic.version = 14 : i64} {
  func.func @_deg_kernel(%arg0: i32, %arg1: i32, %arg2: memref<1282x128xi32, #tpu.memory_space<hbm>>, %arg3: memref<2x10240x16xf32, #tpu.memory_space<hbm>>, %arg4: memref<10240x16xf32, #tpu.memory_space<vmem_shared>>, %arg5: memref<64x16xf32, #tpu.memory_space<vmem>>, %arg6: memref<128x16xf32, #tpu.memory_space<vmem>>, %arg7: memref<128xi32, #tpu.memory_space<vmem>>) attributes {dimension_semantics = [#tpu.dimension_semantics<core_parallel>, #tpu.dimension_semantics<subcore_parallel>], iteration_bounds = array<i64: 2, 16>, scalar_prefetch = 0 : i64, scratch_operands = 4 : i64, tpu.core_type = #tpu.core_type<sc_vector_subcore>, window_params = [{transform_indices = #map}, {transform_indices = #map1}]} {
    %mul3A = arith.constant 2 : i32
    %mul3A_0 = arith.muli %arg1, %mul3A : i32
    %add3A = arith.addi %mul3A_0, %arg0 : i32
    %broadcast_in_dim3A = arith.constant 0.000000e+00 : f32
    %broadcast_in_dim3A_1 = vector.broadcast %broadcast_in_dim3A : f32 to vector<16xf32>
    %scan3A = arith.constant 0 : i32
    %scan3A_2 = arith.constant 0 : i32
    %scan3A_3 = arith.constant 64 : i32
    %scan3A_4 = arith.addi %scan3A_2, %scan3A_3 : i32
    %scan3A_5 = arith.constant 1 : i32
    scf.for %scan3A_827 = %scan3A_2 to %scan3A_4 step %scan3A_5  : i32 {
      %swap3A_828 = arith.index_cast %scan3A_827 : i32 to index
      %swap3A_829 = arith.constant 0 : index
      %swap3A_830 = tpu.vector_load %arg5[%swap3A_828, %swap3A_829] {strides = array<i32>} : memref<64x16xf32, #tpu.memory_space<vmem>>, vector<1x16xf32>,
      %swap3A_831 = vector.shape_cast %swap3A_830 : vector<1x16xf32> to vector<16xf32>
      %swap3A_832 = vector.shape_cast %broadcast_in_dim3A_1 : vector<16xf32> to vector<1x16xf32>
      tpu.vector_store %arg5[%swap3A_828, %swap3A_829], %swap3A_832 {strides = array<i32>} : memref<64x16xf32, #tpu.memory_space<vmem>>, vector<1x16xf32>,
    }
    %scan3A_6 = arith.constant 64 : i32
    %mul3A_7 = arith.constant 640 : i32
    %mul3A_8 = arith.muli %arg1, %mul3A_7 : i32
    %add3A_9 = arith.constant 0 : i32
    %add3A_10 = arith.addi %mul3A_8, %add3A_9 : i32
    "tpu.region"() ({
      %run_scoped3A = tpu.sem_alloc : memref<!tpu.dma_semaphore, #tpu.memory_space<semaphore_mem>>
      %dma_start3A = arith.constant 0 : i32
      %dma_start3A_827 = tpu.memref_slice %arg4[%add3A_10, %dma_start3A] : memref<10240x16xf32, #tpu.memory_space<vmem_shared>> -> memref<64x16xf32, #tpu.memory_space<vmem_shared>>
      %dma_start3A_828 = arith.constant 0 : i32
      %dma_start3A_829 = tpu.memref_slice %arg4[%add3A_10, %dma_start3A_828] : memref<10240x16xf32, #tpu.memory_space<vmem_shared>> -> memref<64x16xf32, #tpu.memory_space<vmem_shared>>
      tpu.enqueue_dma source(%arg5 : memref<64x16xf32, #tpu.memory_space<vmem>>) target(%dma_start3A_829 : memref<64x16xf32, #tpu.memory_space<vmem_shared>>) target_semaphore(%run_scoped3A : memref<!tpu.dma_semaphore, #tpu.memory_space<semaphore_mem>>)
      %dma_wait3A = arith.constant 0 : i32
      %dma_wait3A_830 = tpu.memref_slice %arg4[%add3A_10, %dma_wait3A] : memref<10240x16xf32, #tpu.memory_space<vmem_shared>> -> memref<64x16xf32, #tpu.memory_space<vmem_shared>>
      %dma_wait3A_831 = arith.constant 0 : i32
      %dma_wait3A_832 = tpu.memref_slice %arg4[%add3A_10, %dma_wait3A_831] : memref<10240x16xf32, #tpu.memory_space<vmem_shared>> -> memref<64x16xf32, #tpu.memory_space<vmem_shared>>
      tpu.wait_dma2 semaphore(%run_scoped3A : memref<!tpu.dma_semaphore, #tpu.memory_space<semaphore_mem>>) src(%arg5 : memref<64x16xf32, #tpu.memory_space<vmem>>) dst(%dma_wait3A_832 : memref<64x16xf32, #tpu.memory_space<vmem_shared>>)
      tpu.yield
    }) : () -> ()
    %mul3A_11 = arith.constant 640 : i32
    %mul3A_12 = arith.muli %arg1, %mul3A_11 : i32
    %add3A_13 = arith.constant 64 : i32
    %add3A_14 = arith.addi %mul3A_12, %add3A_13 : i32
    "tpu.region"() ({
      %run_scoped3A = tpu.sem_alloc : memref<!tpu.dma_semaphore, #tpu.memory_space<semaphore_mem>>
      %dma_start3A = arith.constant 0 : i32
      %dma_start3A_827 = tpu.memref_slice %arg4[%add3A_14, %dma_start3A] : memref<10240x16xf32, #tpu.memory_space<vmem_shared>> -> memref<64x16xf32, #tpu.memory_space<vmem_shared>>
      %dma_start3A_828 = arith.constant 0 : i32
      %dma_start3A_829 = tpu.memref_slice %arg4[%add3A_14, %dma_start3A_828] : memref<10240x16xf32, #tpu.memory_space<vmem_shared>> -> memref<64x16xf32, #tpu.memory_space<vmem_shared>>
      tpu.enqueue_dma source(%arg5 : memref<64x16xf32, #tpu.memory_space<vmem>>) target(%dma_start3A_829 : memref<64x16xf32, #tpu.memory_space<vmem_shared>>) target_semaphore(%run_scoped3A : memref<!tpu.dma_semaphore, #tpu.memory_space<semaphore_mem>>)
      %dma_wait3A = arith.constant 0 : i32
      %dma_wait3A_830 = tpu.memref_slice %arg4[%add3A_14, %dma_wait3A] : memref<10240x16xf32, #tpu.memory_space<vmem_shared>> -> memref<64x16xf32, #tpu.memory_space<vmem_shared>>
      %dma_wait3A_831 = arith.constant 0 : i32
      %dma_wait3A_832 = tpu.memref_slice %arg4[%add3A_14, %dma_wait3A_831] : memref<10240x16xf32, #tpu.memory_space<vmem_shared>> -> memref<64x16xf32, #tpu.memory_space<vmem_shared>>
      tpu.wait_dma2 semaphore(%run_scoped3A : memref<!tpu.dma_semaphore, #tpu.memory_space<semaphore_mem>>) src(%arg5 : memref<64x16xf32, #tpu.memory_space<vmem>>) dst(%dma_wait3A_832 : memref<64x16xf32, #tpu.memory_space<vmem_shared>>)
      tpu.yield
    }) : () -> ()
    %mul3A_15 = arith.constant 640 : i32
    %mul3A_16 = arith.muli %arg1, %mul3A_15 : i32
    %add3A_17 = arith.constant 128 : i32
    %add3A_18 = arith.addi %mul3A_16, %add3A_17 : i32
    "tpu.region"() ({
      %run_scoped3A = tpu.sem_alloc : memref<!tpu.dma_semaphore, #tpu.memory_space<semaphore_mem>>
      %dma_start3A = arith.constant 0 : i32
      %dma_start3A_827 = tpu.memref_slice %arg4[%add3A_18, %dma_start3A] : memref<10240x16xf32, #tpu.memory_space<vmem_shared>> -> memref<64x16xf32, #tpu.memory_space<vmem_shared>>
      %dma_start3A_828 = arith.constant 0 : i32
      %dma_start3A_829 = tpu.memref_slice %arg4[%add3A_18, %dma_start3A_828] : memref<10240x16xf32, #tpu.memory_space<vmem_shared>> -> memref<64x16xf32, #tpu.memory_space<vmem_shared>>
      tpu.enqueue_dma source(%arg5 : memref<64x16xf32, #tpu.memory_space<vmem>>) target(%dma_start3A_829 : memref<64x16xf32, #tpu.memory_space<vmem_shared>>) target_semaphore(%run_scoped3A : memref<!tpu.dma_semaphore, #tpu.memory_space<semaphore_mem>>)
      %dma_wait3A = arith.constant 0 : i32
      %dma_wait3A_830 = tpu.memref_slice %arg4[%add3A_18, %dma_wait3A] : memref<10240x16xf32, #tpu.memory_space<vmem_shared>> -> memref<64x16xf32, #tpu.memory_space<vmem_shared>>
      %dma_wait3A_831 = arith.constant 0 : i32
      %dma_wait3A_832 = tpu.memref_slice %arg4[%add3A_18, %dma_wait3A_831] : memref<10240x16xf32, #tpu.memory_space<vmem_shared>> -> memref<64x16xf32, #tpu.memory_space<vmem_shared>>
      tpu.wait_dma2 semaphore(%run_scoped3A : memref<!tpu.dma_semaphore, #tpu.memory_space<semaphore_mem>>) src(%arg5 : memref<64x16xf32, #tpu.memory_space<vmem>>) dst(%dma_wait3A_832 : memref<64x16xf32, #tpu.memory_space<vmem_shared>>)
      tpu.yield
    }) : () -> ()
    %mul3A_19 = arith.constant 640 : i32
    %mul3A_20 = arith.muli %arg1, %mul3A_19 : i32
    %add3A_21 = arith.constant 192 : i32
    %add3A_22 = arith.addi %mul3A_20, %add3A_21 : i32
    "tpu.region"() ({
      %run_scoped3A = tpu.sem_alloc : memref<!tpu.dma_semaphore, #tpu.memory_space<semaphore_mem>>
      %dma_start3A = arith.constant 0 : i32
      %dma_start3A_827 = tpu.memref_slice %arg4[%add3A_22, %dma_start3A] : memref<10240x16xf32, #tpu.memory_space<vmem_shared>> -> memref<64x16xf32, #tpu.memory_space<vmem_shared>>
      %dma_start3A_828 = arith.constant 0 : i32
      %dma_start3A_829 = tpu.memref_slice %arg4[%add3A_22, %dma_start3A_828] : memref<10240x16xf32, #tpu.memory_space<vmem_shared>> -> memref<64x16xf32, #tpu.memory_space<vmem_shared>>
      tpu.enqueue_dma source(%arg5 : memref<64x16xf32, #tpu.memory_space<vmem>>) target(%dma_start3A_829 : memref<64x16xf32, #tpu.memory_space<vmem_shared>>) target_semaphore(%run_scoped3A : memref<!tpu.dma_semaphore, #tpu.memory_space<semaphore_mem>>)
      %dma_wait3A = arith.constant 0 : i32
      %dma_wait3A_830 = tpu.memref_slice %arg4[%add3A_22, %dma_wait3A] : memref<10240x16xf32, #tpu.memory_space<vmem_shared>> -> memref<64x16xf32, #tpu.memory_space<vmem_shared>>
      %dma_wait3A_831 = arith.constant 0 : i32
      %dma_wait3A_832 = tpu.memref_slice %arg4[%add3A_22, %dma_wait3A_831] : memref<10240x16xf32, #tpu.memory_space<vmem_shared>> -> memref<64x16xf32, #tpu.memory_space<vmem_shared>>
      tpu.wait_dma2 semaphore(%run_scoped3A : memref<!tpu.dma_semaphore, #tpu.memory_space<semaphore_mem>>) src(%arg5 : memref<64x16xf32, #tpu.memory_space<vmem>>) dst(%dma_wait3A_832 : memref<64x16xf32, #tpu.memory_space<vmem_shared>>)
      tpu.yield
    }) : () -> ()
    %mul3A_23 = arith.constant 640 : i32
    %mul3A_24 = arith.muli %arg1, %mul3A_23 : i32
    %add3A_25 = arith.constant 256 : i32
    %add3A_26 = arith.addi %mul3A_24, %add3A_25 : i32
    "tpu.region"() ({
      %run_scoped3A = tpu.sem_alloc : memref<!tpu.dma_semaphore, #tpu.memory_space<semaphore_mem>>
      %dma_start3A = arith.constant 0 : i32
      %dma_start3A_827 = tpu.memref_slice %arg4[%add3A_26, %dma_start3A] : memref<10240x16xf32, #tpu.memory_space<vmem_shared>> -> memref<64x16xf32, #tpu.memory_space<vmem_shared>>
      %dma_start3A_828 = arith.constant 0 : i32
      %dma_start3A_829 = tpu.memref_slice %arg4[%add3A_26, %dma_start3A_828] : memref<10240x16xf32, #tpu.memory_space<vmem_shared>> -> memref<64x16xf32, #tpu.memory_space<vmem_shared>>
      tpu.enqueue_dma source(%arg5 : memref<64x16xf32, #tpu.memory_space<vmem>>) target(%dma_start3A_829 : memref<64x16xf32, #tpu.memory_space<vmem_shared>>) target_semaphore(%run_scoped3A : memref<!tpu.dma_semaphore, #tpu.memory_space<semaphore_mem>>)
      %dma_wait3A = arith.constant 0 : i32
      %dma_wait3A_830 = tpu.memref_slice %arg4[%add3A_26, %dma_wait3A] : memref<10240x16xf32, #tpu.memory_space<vmem_shared>> -> memref<64x16xf32, #tpu.memory_space<vmem_shared>>
      %dma_wait3A_831 = arith.constant 0 : i32
      %dma_wait3A_832 = tpu.memref_slice %arg4[%add3A_26, %dma_wait3A_831] : memref<10240x16xf32, #tpu.memory_space<vmem_shared>> -> memref<64x16xf32, #tpu.memory_space<vmem_shared>>
      tpu.wait_dma2 semaphore(%run_scoped3A : memref<!tpu.dma_semaphore, #tpu.memory_space<semaphore_mem>>) src(%arg5 : memref<64x16xf32, #tpu.memory_space<vmem>>) dst(%dma_wait3A_832 : memref<64x16xf32, #tpu.memory_space<vmem_shared>>)
      tpu.yield
    }) : () -> ()
    %mul3A_27 = arith.constant 640 : i32
    %mul3A_28 = arith.muli %arg1, %mul3A_27 : i32
    %add3A_29 = arith.constant 320 : i32
    %add3A_30 = arith.addi %mul3A_28, %add3A_29 : i32
    "tpu.region"() ({
      %run_scoped3A = tpu.sem_alloc : memref<!tpu.dma_semaphore, #tpu.memory_space<semaphore_mem>>
      %dma_start3A = arith.constant 0 : i32
      %dma_start3A_827 = tpu.memref_slice %arg4[%add3A_30, %dma_start3A] : memref<10240x16xf32, #tpu.memory_space<vmem_shared>> -> memref<64x16xf32, #tpu.memory_space<vmem_shared>>
      %dma_start3A_828 = arith.constant 0 : i32
      %dma_start3A_829 = tpu.memref_slice %arg4[%add3A_30, %dma_start3A_828] : memref<10240x16xf32, #tpu.memory_space<vmem_shared>> -> memref<64x16xf32, #tpu.memory_space<vmem_shared>>
      tpu.enqueue_dma source(%arg5 : memref<64x16xf32, #tpu.memory_space<vmem>>) target(%dma_start3A_829 : memref<64x16xf32, #tpu.memory_space<vmem_shared>>) target_semaphore(%run_scoped3A : memref<!tpu.dma_semaphore, #tpu.memory_space<semaphore_mem>>)
      %dma_wait3A = arith.constant 0 : i32
      %dma_wait3A_830 = tpu.memref_slice %arg4[%add3A_30, %dma_wait3A] : memref<10240x16xf32, #tpu.memory_space<vmem_shared>> -> memref<64x16xf32, #tpu.memory_space<vmem_shared>>
      %dma_wait3A_831 = arith.constant 0 : i32
      %dma_wait3A_832 = tpu.memref_slice %arg4[%add3A_30, %dma_wait3A_831] : memref<10240x16xf32, #tpu.memory_space<vmem_shared>> -> memref<64x16xf32, #tpu.memory_space<vmem_shared>>
      tpu.wait_dma2 semaphore(%run_scoped3A : memref<!tpu.dma_semaphore, #tpu.memory_space<semaphore_mem>>) src(%arg5 : memref<64x16xf32, #tpu.memory_space<vmem>>) dst(%dma_wait3A_832 : memref<64x16xf32, #tpu.memory_space<vmem_shared>>)
      tpu.yield
    }) : () -> ()
    %mul3A_31 = arith.constant 640 : i32
    %mul3A_32 = arith.muli %arg1, %mul3A_31 : i32
    %add3A_33 = arith.constant 384 : i32
    %add3A_34 = arith.addi %mul3A_32, %add3A_33 : i32
    "tpu.region"() ({
      %run_scoped3A = tpu.sem_alloc : memref<!tpu.dma_semaphore, #tpu.memory_space<semaphore_mem>>
      %dma_start3A = arith.constant 0 : i32
      %dma_start3A_827 = tpu.memref_slice %arg4[%add3A_34, %dma_start3A] : memref<10240x16xf32, #tpu.memory_space<vmem_shared>> -> memref<64x16xf32, #tpu.memory_space<vmem_shared>>
      %dma_start3A_828 = arith.constant 0 : i32
      %dma_start3A_829 = tpu.memref_slice %arg4[%add3A_34, %dma_start3A_828] : memref<10240x16xf32, #tpu.memory_space<vmem_shared>> -> memref<64x16xf32, #tpu.memory_space<vmem_shared>>
      tpu.enqueue_dma source(%arg5 : memref<64x16xf32, #tpu.memory_space<vmem>>) target(%dma_start3A_829 : memref<64x16xf32, #tpu.memory_space<vmem_shared>>) target_semaphore(%run_scoped3A : memref<!tpu.dma_semaphore, #tpu.memory_space<semaphore_mem>>)
      %dma_wait3A = arith.constant 0 : i32
      %dma_wait3A_830 = tpu.memref_slice %arg4[%add3A_34, %dma_wait3A] : memref<10240x16xf32, #tpu.memory_space<vmem_shared>> -> memref<64x16xf32, #tpu.memory_space<vmem_shared>>
      %dma_wait3A_831 = arith.constant 0 : i32
      %dma_wait3A_832 = tpu.memref_slice %arg4[%add3A_34, %dma_wait3A_831] : memref<10240x16xf32, #tpu.memory_space<vmem_shared>> -> memref<64x16xf32, #tpu.memory_space<vmem_shared>>
      tpu.wait_dma2 semaphore(%run_scoped3A : memref<!tpu.dma_semaphore, #tpu.memory_space<semaphore_mem>>) src(%arg5 : memref<64x16xf32, #tpu.memory_space<vmem>>) dst(%dma_wait3A_832 : memref<64x16xf32, #tpu.memory_space<vmem_shared>>)
      tpu.yield
    }) : () -> ()
    %mul3A_35 = arith.constant 640 : i32
    %mul3A_36 = arith.muli %arg1, %mul3A_35 : i32
    %add3A_37 = arith.constant 448 : i32
    %add3A_38 = arith.addi %mul3A_36, %add3A_37 : i32
    "tpu.region"() ({
      %run_scoped3A = tpu.sem_alloc : memref<!tpu.dma_semaphore, #tpu.memory_space<semaphore_mem>>
      %dma_start3A = arith.constant 0 : i32
      %dma_start3A_827 = tpu.memref_slice %arg4[%add3A_38, %dma_start3A] : memref<10240x16xf32, #tpu.memory_space<vmem_shared>> -> memref<64x16xf32, #tpu.memory_space<vmem_shared>>
      %dma_start3A_828 = arith.constant 0 : i32
      %dma_start3A_829 = tpu.memref_slice %arg4[%add3A_38, %dma_start3A_828] : memref<10240x16xf32, #tpu.memory_space<vmem_shared>> -> memref<64x16xf32, #tpu.memory_space<vmem_shared>>
      tpu.enqueue_dma source(%arg5 : memref<64x16xf32, #tpu.memory_space<vmem>>) target(%dma_start3A_829 : memref<64x16xf32, #tpu.memory_space<vmem_shared>>) target_semaphore(%run_scoped3A : memref<!tpu.dma_semaphore, #tpu.memory_space<semaphore_mem>>)
      %dma_wait3A = arith.constant 0 : i32
      %dma_wait3A_830 = tpu.memref_slice %arg4[%add3A_38, %dma_wait3A] : memref<10240x16xf32, #tpu.memory_space<vmem_shared>> -> memref<64x16xf32, #tpu.memory_space<vmem_shared>>
      %dma_wait3A_831 = arith.constant 0 : i32
      %dma_wait3A_832 = tpu.memref_slice %arg4[%add3A_38, %dma_wait3A_831] : memref<10240x16xf32, #tpu.memory_space<vmem_shared>> -> memref<64x16xf32, #tpu.memory_space<vmem_shared>>
      tpu.wait_dma2 semaphore(%run_scoped3A : memref<!tpu.dma_semaphore, #tpu.memory_space<semaphore_mem>>) src(%arg5 : memref<64x16xf32, #tpu.memory_space<vmem>>) dst(%dma_wait3A_832 : memref<64x16xf32, #tpu.memory_space<vmem_shared>>)
      tpu.yield
    }) : () -> ()
    %mul3A_39 = arith.constant 640 : i32
    %mul3A_40 = arith.muli %arg1, %mul3A_39 : i32
    %add3A_41 = arith.constant 512 : i32
    %add3A_42 = arith.addi %mul3A_40, %add3A_41 : i32
    "tpu.region"() ({
      %run_scoped3A = tpu.sem_alloc : memref<!tpu.dma_semaphore, #tpu.memory_space<semaphore_mem>>
      %dma_start3A = arith.constant 0 : i32
      %dma_start3A_827 = tpu.memref_slice %arg4[%add3A_42, %dma_start3A] : memref<10240x16xf32, #tpu.memory_space<vmem_shared>> -> memref<64x16xf32, #tpu.memory_space<vmem_shared>>
      %dma_start3A_828 = arith.constant 0 : i32
      %dma_start3A_829 = tpu.memref_slice %arg4[%add3A_42, %dma_start3A_828] : memref<10240x16xf32, #tpu.memory_space<vmem_shared>> -> memref<64x16xf32, #tpu.memory_space<vmem_shared>>
      tpu.enqueue_dma source(%arg5 : memref<64x16xf32, #tpu.memory_space<vmem>>) target(%dma_start3A_829 : memref<64x16xf32, #tpu.memory_space<vmem_shared>>) target_semaphore(%run_scoped3A : memref<!tpu.dma_semaphore, #tpu.memory_space<semaphore_mem>>)
      %dma_wait3A = arith.constant 0 : i32
      %dma_wait3A_830 = tpu.memref_slice %arg4[%add3A_42, %dma_wait3A] : memref<10240x16xf32, #tpu.memory_space<vmem_shared>> -> memref<64x16xf32, #tpu.memory_space<vmem_shared>>
      %dma_wait3A_831 = arith.constant 0 : i32
      %dma_wait3A_832 = tpu.memref_slice %arg4[%add3A_42, %dma_wait3A_831] : memref<10240x16xf32, #tpu.memory_space<vmem_shared>> -> memref<64x16xf32, #tpu.memory_space<vmem_shared>>
      tpu.wait_dma2 semaphore(%run_scoped3A : memref<!tpu.dma_semaphore, #tpu.memory_space<semaphore_mem>>) src(%arg5 : memref<64x16xf32, #tpu.memory_space<vmem>>) dst(%dma_wait3A_832 : memref<64x16xf32, #tpu.memory_space<vmem_shared>>)
      tpu.yield
    }) : () -> ()
    %mul3A_43 = arith.constant 640 : i32
    %mul3A_44 = arith.muli %arg1, %mul3A_43 : i32
    %add3A_45 = arith.constant 576 : i32
    %add3A_46 = arith.addi %mul3A_44, %add3A_45 : i32
    "tpu.region"() ({
      %run_scoped3A = tpu.sem_alloc : memref<!tpu.dma_semaphore, #tpu.memory_space<semaphore_mem>>
      %dma_start3A = arith.constant 0 : i32
      %dma_start3A_827 = tpu.memref_slice %arg4[%add3A_46, %dma_start3A] : memref<10240x16xf32, #tpu.memory_space<vmem_shared>> -> memref<64x16xf32, #tpu.memory_space<vmem_shared>>
      %dma_start3A_828 = arith.constant 0 : i32
      %dma_start3A_829 = tpu.memref_slice %arg4[%add3A_46, %dma_start3A_828] : memref<10240x16xf32, #tpu.memory_space<vmem_shared>> -> memref<64x16xf32, #tpu.memory_space<vmem_shared>>
      tpu.enqueue_dma source(%arg5 : memref<64x16xf32, #tpu.memory_space<vmem>>) target(%dma_start3A_829 : memref<64x16xf32, #tpu.memory_space<vmem_shared>>) target_semaphore(%run_scoped3A : memref<!tpu.dma_semaphore, #tpu.memory_space<semaphore_mem>>)
      %dma_wait3A = arith.constant 0 : i32
      %dma_wait3A_830 = tpu.memref_slice %arg4[%add3A_46, %dma_wait3A] : memref<10240x16xf32, #tpu.memory_space<vmem_shared>> -> memref<64x16xf32, #tpu.memory_space<vmem_shared>>
      %dma_wait3A_831 = arith.constant 0 : i32
      %dma_wait3A_832 = tpu.memref_slice %arg4[%add3A_46, %dma_wait3A_831] : memref<10240x16xf32, #tpu.memory_space<vmem_shared>> -> memref<64x16xf32, #tpu.memory_space<vmem_shared>>
      tpu.wait_dma2 semaphore(%run_scoped3A : memref<!tpu.dma_semaphore, #tpu.memory_space<semaphore_mem>>) src(%arg5 : memref<64x16xf32, #tpu.memory_space<vmem>>) dst(%dma_wait3A_832 : memref<64x16xf32, #tpu.memory_space<vmem_shared>>)
      tpu.yield
    }) : () -> ()
    %broadcast_in_dim3A_47 = arith.constant 1.000000e+00 : f32
    %broadcast_in_dim3A_48 = vector.broadcast %broadcast_in_dim3A_47 : f32 to vector<16xf32>
    %swap3A = arith.constant 0 : i32
    %swap3A_49 = arith.index_cast %swap3A : i32 to index
    %swap3A_50 = arith.constant 0 : index
    %swap3A_51 = tpu.vector_load %arg6[%swap3A_49, %swap3A_50] {strides = array<i32>} : memref<128x16xf32, #tpu.memory_space<vmem>>, vector<1x16xf32>,
    %swap3A_52 = vector.shape_cast %swap3A_51 : vector<1x16xf32> to vector<16xf32>
    %swap3A_53 = vector.shape_cast %broadcast_in_dim3A_48 : vector<16xf32> to vector<1x16xf32>
    tpu.vector_store %arg6[%swap3A_49, %swap3A_50], %swap3A_53 {strides = array<i32>} : memref<128x16xf32, #tpu.memory_space<vmem>>, vector<1x16xf32>,
    %swap3A_54 = arith.constant 1 : i32
    %swap3A_55 = arith.index_cast %swap3A_54 : i32 to index
    %swap3A_56 = arith.constant 0 : index
    %swap3A_57 = tpu.vector_load %arg6[%swap3A_55, %swap3A_56] {strides = array<i32>} : memref<128x16xf32, #tpu.memory_space<vmem>>, vector<1x16xf32>,
    %swap3A_58 = vector.shape_cast %swap3A_57 : vector<1x16xf32> to vector<16xf32>
    %swap3A_59 = vector.shape_cast %broadcast_in_dim3A_48 : vector<16xf32> to vector<1x16xf32>
    tpu.vector_store %arg6[%swap3A_55, %swap3A_56], %swap3A_59 {strides = array<i32>} : memref<128x16xf32, #tpu.memory_space<vmem>>, vector<1x16xf32>,
    %swap3A_60 = arith.constant 2 : i32
    %swap3A_61 = arith.index_cast %swap3A_60 : i32 to index
    %swap3A_62 = arith.constant 0 : index
    %swap3A_63 = tpu.vector_load %arg6[%swap3A_61, %swap3A_62] {strides = array<i32>} : memref<128x16xf32, #tpu.memory_space<vmem>>, vector<1x16xf32>,
    %swap3A_64 = vector.shape_cast %swap3A_63 : vector<1x16xf32> to vector<16xf32>
    %swap3A_65 = vector.shape_cast %broadcast_in_dim3A_48 : vector<16xf32> to vector<1x16xf32>
    tpu.vector_store %arg6[%swap3A_61, %swap3A_62], %swap3A_65 {strides = array<i32>} : memref<128x16xf32, #tpu.memory_space<vmem>>, vector<1x16xf32>,
    %swap3A_66 = arith.constant 3 : i32
    %swap3A_67 = arith.index_cast %swap3A_66 : i32 to index
    %swap3A_68 = arith.constant 0 : index
    %swap3A_69 = tpu.vector_load %arg6[%swap3A_67, %swap3A_68] {strides = array<i32>} : memref<128x16xf32, #tpu.memory_space<vmem>>, vector<1x16xf32>,
    %swap3A_70 = vector.shape_cast %swap3A_69 : vector<1x16xf32> to vector<16xf32>
    %swap3A_71 = vector.shape_cast %broadcast_in_dim3A_48 : vector<16xf32> to vector<1x16xf32>
    tpu.vector_store %arg6[%swap3A_67, %swap3A_68], %swap3A_71 {strides = array<i32>} : memref<128x16xf32, #tpu.memory_space<vmem>>, vector<1x16xf32>,
    %swap3A_72 = arith.constant 4 : i32
    %swap3A_73 = arith.index_cast %swap3A_72 : i32 to index
    %swap3A_74 = arith.constant 0 : index
    %swap3A_75 = tpu.vector_load %arg6[%swap3A_73, %swap3A_74] {strides = array<i32>} : memref<128x16xf32, #tpu.memory_space<vmem>>, vector<1x16xf32>,
    %swap3A_76 = vector.shape_cast %swap3A_75 : vector<1x16xf32> to vector<16xf32>
    %swap3A_77 = vector.shape_cast %broadcast_in_dim3A_48 : vector<16xf32> to vector<1x16xf32>
    tpu.vector_store %arg6[%swap3A_73, %swap3A_74], %swap3A_77 {strides = array<i32>} : memref<128x16xf32, #tpu.memory_space<vmem>>, vector<1x16xf32>,
    %swap3A_78 = arith.constant 5 : i32
    %swap3A_79 = arith.index_cast %swap3A_78 : i32 to index
    %swap3A_80 = arith.constant 0 : index
    %swap3A_81 = tpu.vector_load %arg6[%swap3A_79, %swap3A_80] {strides = array<i32>} : memref<128x16xf32, #tpu.memory_space<vmem>>, vector<1x16xf32>,
    %swap3A_82 = vector.shape_cast %swap3A_81 : vector<1x16xf32> to vector<16xf32>
    %swap3A_83 = vector.shape_cast %broadcast_in_dim3A_48 : vector<16xf32> to vector<1x16xf32>
    tpu.vector_store %arg6[%swap3A_79, %swap3A_80], %swap3A_83 {strides = array<i32>} : memref<128x16xf32, #tpu.memory_space<vmem>>, vector<1x16xf32>,
    %swap3A_84 = arith.constant 6 : i32
    %swap3A_85 = arith.index_cast %swap3A_84 : i32 to index
    %swap3A_86 = arith.constant 0 : index
    %swap3A_87 = tpu.vector_load %arg6[%swap3A_85, %swap3A_86] {strides = array<i32>} : memref<128x16xf32, #tpu.memory_space<vmem>>, vector<1x16xf32>,
    %swap3A_88 = vector.shape_cast %swap3A_87 : vector<1x16xf32> to vector<16xf32>
    %swap3A_89 = vector.shape_cast %broadcast_in_dim3A_48 : vector<16xf32> to vector<1x16xf32>
    tpu.vector_store %arg6[%swap3A_85, %swap3A_86], %swap3A_89 {strides = array<i32>} : memref<128x16xf32, #tpu.memory_space<vmem>>, vector<1x16xf32>,
    %swap3A_90 = arith.constant 7 : i32
    %swap3A_91 = arith.index_cast %swap3A_90 : i32 to index
    %swap3A_92 = arith.constant 0 : index
    %swap3A_93 = tpu.vector_load %arg6[%swap3A_91, %swap3A_92] {strides = array<i32>} : memref<128x16xf32, #tpu.memory_space<vmem>>, vector<1x16xf32>,
    %swap3A_94 = vector.shape_cast %swap3A_93 : vector<1x16xf32> to vector<16xf32>
    %swap3A_95 = vector.shape_cast %broadcast_in_dim3A_48 : vector<16xf32> to vector<1x16xf32>
    tpu.vector_store %arg6[%swap3A_91, %swap3A_92], %swap3A_95 {strides = array<i32>} : memref<128x16xf32, #tpu.memory_space<vmem>>, vector<1x16xf32>,
    %swap3A_96 = arith.constant 8 : i32
    %swap3A_97 = arith.index_cast %swap3A_96 : i32 to index
    %swap3A_98 = arith.constant 0 : index
    %swap3A_99 = tpu.vector_load %arg6[%swap3A_97, %swap3A_98] {strides = array<i32>} : memref<128x16xf32, #tpu.memory_space<vmem>>, vector<1x16xf32>,
    %swap3A_100 = vector.shape_cast %swap3A_99 : vector<1x16xf32> to vector<16xf32>
    %swap3A_101 = vector.shape_cast %broadcast_in_dim3A_48 : vector<16xf32> to vector<1x16xf32>
    tpu.vector_store %arg6[%swap3A_97, %swap3A_98], %swap3A_101 {strides = array<i32>} : memref<128x16xf32, #tpu.memory_space<vmem>>, vector<1x16xf32>,
    %swap3A_102 = arith.constant 9 : i32
    %swap3A_103 = arith.index_cast %swap3A_102 : i32 to index
    %swap3A_104 = arith.constant 0 : index
    %swap3A_105 = tpu.vector_load %arg6[%swap3A_103, %swap3A_104] {strides = array<i32>} : memref<128x16xf32, #tpu.memory_space<vmem>>, vector<1x16xf32>,
    %swap3A_106 = vector.shape_cast %swap3A_105 : vector<1x16xf32> to vector<16xf32>
    %swap3A_107 = vector.shape_cast %broadcast_in_dim3A_48 : vector<16xf32> to vector<1x16xf32>
    tpu.vector_store %arg6[%swap3A_103, %swap3A_104], %swap3A_107 {strides = array<i32>} : memref<128x16xf32, #tpu.memory_space<vmem>>, vector<1x16xf32>,
    %swap3A_108 = arith.constant 10 : i32
    %swap3A_109 = arith.index_cast %swap3A_108 : i32 to index
    %swap3A_110 = arith.constant 0 : index
    %swap3A_111 = tpu.vector_load %arg6[%swap3A_109, %swap3A_110] {strides = array<i32>} : memref<128x16xf32, #tpu.memory_space<vmem>>, vector<1x16xf32>,
    %swap3A_112 = vector.shape_cast %swap3A_111 : vector<1x16xf32> to vector<16xf32>
    %swap3A_113 = vector.shape_cast %broadcast_in_dim3A_48 : vector<16xf32> to vector<1x16xf32>
    tpu.vector_store %arg6[%swap3A_109, %swap3A_110], %swap3A_113 {strides = array<i32>} : memref<128x16xf32, #tpu.memory_space<vmem>>, vector<1x16xf32>,
    %swap3A_114 = arith.constant 11 : i32
    %swap3A_115 = arith.index_cast %swap3A_114 : i32 to index
    %swap3A_116 = arith.constant 0 : index
    %swap3A_117 = tpu.vector_load %arg6[%swap3A_115, %swap3A_116] {strides = array<i32>} : memref<128x16xf32, #tpu.memory_space<vmem>>, vector<1x16xf32>,
    %swap3A_118 = vector.shape_cast %swap3A_117 : vector<1x16xf32> to vector<16xf32>
    %swap3A_119 = vector.shape_cast %broadcast_in_dim3A_48 : vector<16xf32> to vector<1x16xf32>
    tpu.vector_store %arg6[%swap3A_115, %swap3A_116], %swap3A_119 {strides = array<i32>} : memref<128x16xf32, #tpu.memory_space<vmem>>, vector<1x16xf32>,
    %swap3A_120 = arith.constant 12 : i32
    %swap3A_121 = arith.index_cast %swap3A_120 : i32 to index
    %swap3A_122 = arith.constant 0 : index
    %swap3A_123 = tpu.vector_load %arg6[%swap3A_121, %swap3A_122] {strides = array<i32>} : memref<128x16xf32, #tpu.memory_space<vmem>>, vector<1x16xf32>,
    %swap3A_124 = vector.shape_cast %swap3A_123 : vector<1x16xf32> to vector<16xf32>
    %swap3A_125 = vector.shape_cast %broadcast_in_dim3A_48 : vector<16xf32> to vector<1x16xf32>
    tpu.vector_store %arg6[%swap3A_121, %swap3A_122], %swap3A_125 {strides = array<i32>} : memref<128x16xf32, #tpu.memory_space<vmem>>, vector<1x16xf32>,
    %swap3A_126 = arith.constant 13 : i32
    %swap3A_127 = arith.index_cast %swap3A_126 : i32 to index
    %swap3A_128 = arith.constant 0 : index
    %swap3A_129 = tpu.vector_load %arg6[%swap3A_127, %swap3A_128] {strides = array<i32>} : memref<128x16xf32, #tpu.memory_space<vmem>>, vector<1x16xf32>,
    %swap3A_130 = vector.shape_cast %swap3A_129 : vector<1x16xf32> to vector<16xf32>
    %swap3A_131 = vector.shape_cast %broadcast_in_dim3A_48 : vector<16xf32> to vector<1x16xf32>
    tpu.vector_store %arg6[%swap3A_127, %swap3A_128], %swap3A_131 {strides = array<i32>} : memref<128x16xf32, #tpu.memory_space<vmem>>, vector<1x16xf32>,
    %swap3A_132 = arith.constant 14 : i32
    %swap3A_133 = arith.index_cast %swap3A_132 : i32 to index
    %swap3A_134 = arith.constant 0 : index
    %swap3A_135 = tpu.vector_load %arg6[%swap3A_133, %swap3A_134] {strides = array<i32>} : memref<128x16xf32, #tpu.memory_space<vmem>>, vector<1x16xf32>,
    %swap3A_136 = vector.shape_cast %swap3A_135 : vector<1x16xf32> to vector<16xf32>
    %swap3A_137 = vector.shape_cast %broadcast_in_dim3A_48 : vector<16xf32> to vector<1x16xf32>
    tpu.vector_store %arg6[%swap3A_133, %swap3A_134], %swap3A_137 {strides = array<i32>} : memref<128x16xf32, #tpu.memory_space<vmem>>, vector<1x16xf32>,
    %swap3A_138 = arith.constant 15 : i32
    %swap3A_139 = arith.index_cast %swap3A_138 : i32 to index
    %swap3A_140 = arith.constant 0 : index
    %swap3A_141 = tpu.vector_load %arg6[%swap3A_139, %swap3A_140] {strides = array<i32>} : memref<128x16xf32, #tpu.memory_space<vmem>>, vector<1x16xf32>,
    %swap3A_142 = vector.shape_cast %swap3A_141 : vector<1x16xf32> to vector<16xf32>
    %swap3A_143 = vector.shape_cast %broadcast_in_dim3A_48 : vector<16xf32> to vector<1x16xf32>
    tpu.vector_store %arg6[%swap3A_139, %swap3A_140], %swap3A_143 {strides = array<i32>} : memref<128x16xf32, #tpu.memory_space<vmem>>, vector<1x16xf32>,
    %swap3A_144 = arith.constant 16 : i32
    %swap3A_145 = arith.index_cast %swap3A_144 : i32 to index
    %swap3A_146 = arith.constant 0 : index
    %swap3A_147 = tpu.vector_load %arg6[%swap3A_145, %swap3A_146] {strides = array<i32>} : memref<128x16xf32, #tpu.memory_space<vmem>>, vector<1x16xf32>,
    %swap3A_148 = vector.shape_cast %swap3A_147 : vector<1x16xf32> to vector<16xf32>
    %swap3A_149 = vector.shape_cast %broadcast_in_dim3A_48 : vector<16xf32> to vector<1x16xf32>
    tpu.vector_store %arg6[%swap3A_145, %swap3A_146], %swap3A_149 {strides = array<i32>} : memref<128x16xf32, #tpu.memory_space<vmem>>, vector<1x16xf32>,
    %swap3A_150 = arith.constant 17 : i32
    %swap3A_151 = arith.index_cast %swap3A_150 : i32 to index
    %swap3A_152 = arith.constant 0 : index
    %swap3A_153 = tpu.vector_load %arg6[%swap3A_151, %swap3A_152] {strides = array<i32>} : memref<128x16xf32, #tpu.memory_space<vmem>>, vector<1x16xf32>,
    %swap3A_154 = vector.shape_cast %swap3A_153 : vector<1x16xf32> to vector<16xf32>
    %swap3A_155 = vector.shape_cast %broadcast_in_dim3A_48 : vector<16xf32> to vector<1x16xf32>
    tpu.vector_store %arg6[%swap3A_151, %swap3A_152], %swap3A_155 {strides = array<i32>} : memref<128x16xf32, #tpu.memory_space<vmem>>, vector<1x16xf32>,
    %swap3A_156 = arith.constant 18 : i32
    %swap3A_157 = arith.index_cast %swap3A_156 : i32 to index
    %swap3A_158 = arith.constant 0 : index
    %swap3A_159 = tpu.vector_load %arg6[%swap3A_157, %swap3A_158] {strides = array<i32>} : memref<128x16xf32, #tpu.memory_space<vmem>>, vector<1x16xf32>,
    %swap3A_160 = vector.shape_cast %swap3A_159 : vector<1x16xf32> to vector<16xf32>
    %swap3A_161 = vector.shape_cast %broadcast_in_dim3A_48 : vector<16xf32> to vector<1x16xf32>
    tpu.vector_store %arg6[%swap3A_157, %swap3A_158], %swap3A_161 {strides = array<i32>} : memref<128x16xf32, #tpu.memory_space<vmem>>, vector<1x16xf32>,
    %swap3A_162 = arith.constant 19 : i32
    %swap3A_163 = arith.index_cast %swap3A_162 : i32 to index
    %swap3A_164 = arith.constant 0 : index
    %swap3A_165 = tpu.vector_load %arg6[%swap3A_163, %swap3A_164] {strides = array<i32>} : memref<128x16xf32, #tpu.memory_space<vmem>>, vector<1x16xf32>,
    %swap3A_166 = vector.shape_cast %swap3A_165 : vector<1x16xf32> to vector<16xf32>
    %swap3A_167 = vector.shape_cast %broadcast_in_dim3A_48 : vector<16xf32> to vector<1x16xf32>
    tpu.vector_store %arg6[%swap3A_163, %swap3A_164], %swap3A_167 {strides = array<i32>} : memref<128x16xf32, #tpu.memory_space<vmem>>, vector<1x16xf32>,
    %swap3A_168 = arith.constant 20 : i32
    %swap3A_169 = arith.index_cast %swap3A_168 : i32 to index
    %swap3A_170 = arith.constant 0 : index
    %swap3A_171 = tpu.vector_load %arg6[%swap3A_169, %swap3A_170] {strides = array<i32>} : memref<128x16xf32, #tpu.memory_space<vmem>>, vector<1x16xf32>,
    %swap3A_172 = vector.shape_cast %swap3A_171 : vector<1x16xf32> to vector<16xf32>
    %swap3A_173 = vector.shape_cast %broadcast_in_dim3A_48 : vector<16xf32> to vector<1x16xf32>
    tpu.vector_store %arg6[%swap3A_169, %swap3A_170], %swap3A_173 {strides = array<i32>} : memref<128x16xf32, #tpu.memory_space<vmem>>, vector<1x16xf32>,
    %swap3A_174 = arith.constant 21 : i32
    %swap3A_175 = arith.index_cast %swap3A_174 : i32 to index
    %swap3A_176 = arith.constant 0 : index
    %swap3A_177 = tpu.vector_load %arg6[%swap3A_175, %swap3A_176] {strides = array<i32>} : memref<128x16xf32, #tpu.memory_space<vmem>>, vector<1x16xf32>,
    %swap3A_178 = vector.shape_cast %swap3A_177 : vector<1x16xf32> to vector<16xf32>
    %swap3A_179 = vector.shape_cast %broadcast_in_dim3A_48 : vector<16xf32> to vector<1x16xf32>
    tpu.vector_store %arg6[%swap3A_175, %swap3A_176], %swap3A_179 {strides = array<i32>} : memref<128x16xf32, #tpu.memory_space<vmem>>, vector<1x16xf32>,
    %swap3A_180 = arith.constant 22 : i32
    %swap3A_181 = arith.index_cast %swap3A_180 : i32 to index
    %swap3A_182 = arith.constant 0 : index
    %swap3A_183 = tpu.vector_load %arg6[%swap3A_181, %swap3A_182] {strides = array<i32>} : memref<128x16xf32, #tpu.memory_space<vmem>>, vector<1x16xf32>,
    %swap3A_184 = vector.shape_cast %swap3A_183 : vector<1x16xf32> to vector<16xf32>
    %swap3A_185 = vector.shape_cast %broadcast_in_dim3A_48 : vector<16xf32> to vector<1x16xf32>
    tpu.vector_store %arg6[%swap3A_181, %swap3A_182], %swap3A_185 {strides = array<i32>} : memref<128x16xf32, #tpu.memory_space<vmem>>, vector<1x16xf32>,
    %swap3A_186 = arith.constant 23 : i32
    %swap3A_187 = arith.index_cast %swap3A_186 : i32 to index
    %swap3A_188 = arith.constant 0 : index
    %swap3A_189 = tpu.vector_load %arg6[%swap3A_187, %swap3A_188] {strides = array<i32>} : memref<128x16xf32, #tpu.memory_space<vmem>>, vector<1x16xf32>,
    %swap3A_190 = vector.shape_cast %swap3A_189 : vector<1x16xf32> to vector<16xf32>
    %swap3A_191 = vector.shape_cast %broadcast_in_dim3A_48 : vector<16xf32> to vector<1x16xf32>
    tpu.vector_store %arg6[%swap3A_187, %swap3A_188], %swap3A_191 {strides = array<i32>} : memref<128x16xf32, #tpu.memory_space<vmem>>, vector<1x16xf32>,
    %swap3A_192 = arith.constant 24 : i32
    %swap3A_193 = arith.index_cast %swap3A_192 : i32 to index
    %swap3A_194 = arith.constant 0 : index
    %swap3A_195 = tpu.vector_load %arg6[%swap3A_193, %swap3A_194] {strides = array<i32>} : memref<128x16xf32, #tpu.memory_space<vmem>>, vector<1x16xf32>,
    %swap3A_196 = vector.shape_cast %swap3A_195 : vector<1x16xf32> to vector<16xf32>
    %swap3A_197 = vector.shape_cast %broadcast_in_dim3A_48 : vector<16xf32> to vector<1x16xf32>
    tpu.vector_store %arg6[%swap3A_193, %swap3A_194], %swap3A_197 {strides = array<i32>} : memref<128x16xf32, #tpu.memory_space<vmem>>, vector<1x16xf32>,
    %swap3A_198 = arith.constant 25 : i32
    %swap3A_199 = arith.index_cast %swap3A_198 : i32 to index
    %swap3A_200 = arith.constant 0 : index
    %swap3A_201 = tpu.vector_load %arg6[%swap3A_199, %swap3A_200] {strides = array<i32>} : memref<128x16xf32, #tpu.memory_space<vmem>>, vector<1x16xf32>,
    %swap3A_202 = vector.shape_cast %swap3A_201 : vector<1x16xf32> to vector<16xf32>
    %swap3A_203 = vector.shape_cast %broadcast_in_dim3A_48 : vector<16xf32> to vector<1x16xf32>
    tpu.vector_store %arg6[%swap3A_199, %swap3A_200], %swap3A_203 {strides = array<i32>} : memref<128x16xf32, #tpu.memory_space<vmem>>, vector<1x16xf32>,
    %swap3A_204 = arith.constant 26 : i32
    %swap3A_205 = arith.index_cast %swap3A_204 : i32 to index
    %swap3A_206 = arith.constant 0 : index
    %swap3A_207 = tpu.vector_load %arg6[%swap3A_205, %swap3A_206] {strides = array<i32>} : memref<128x16xf32, #tpu.memory_space<vmem>>, vector<1x16xf32>,
    %swap3A_208 = vector.shape_cast %swap3A_207 : vector<1x16xf32> to vector<16xf32>
    %swap3A_209 = vector.shape_cast %broadcast_in_dim3A_48 : vector<16xf32> to vector<1x16xf32>
    tpu.vector_store %arg6[%swap3A_205, %swap3A_206], %swap3A_209 {strides = array<i32>} : memref<128x16xf32, #tpu.memory_space<vmem>>, vector<1x16xf32>,
    %swap3A_210 = arith.constant 27 : i32
    %swap3A_211 = arith.index_cast %swap3A_210 : i32 to index
    %swap3A_212 = arith.constant 0 : index
    %swap3A_213 = tpu.vector_load %arg6[%swap3A_211, %swap3A_212] {strides = array<i32>} : memref<128x16xf32, #tpu.memory_space<vmem>>, vector<1x16xf32>,
    %swap3A_214 = vector.shape_cast %swap3A_213 : vector<1x16xf32> to vector<16xf32>
    %swap3A_215 = vector.shape_cast %broadcast_in_dim3A_48 : vector<16xf32> to vector<1x16xf32>
    tpu.vector_store %arg6[%swap3A_211, %swap3A_212], %swap3A_215 {strides = array<i32>} : memref<128x16xf32, #tpu.memory_space<vmem>>, vector<1x16xf32>,
    %swap3A_216 = arith.constant 28 : i32
    %swap3A_217 = arith.index_cast %swap3A_216 : i32 to index
    %swap3A_218 = arith.constant 0 : index
    %swap3A_219 = tpu.vector_load %arg6[%swap3A_217, %swap3A_218] {strides = array<i32>} : memref<128x16xf32, #tpu.memory_space<vmem>>, vector<1x16xf32>,
    %swap3A_220 = vector.shape_cast %swap3A_219 : vector<1x16xf32> to vector<16xf32>
    %swap3A_221 = vector.shape_cast %broadcast_in_dim3A_48 : vector<16xf32> to vector<1x16xf32>
    tpu.vector_store %arg6[%swap3A_217, %swap3A_218], %swap3A_221 {strides = array<i32>} : memref<128x16xf32, #tpu.memory_space<vmem>>, vector<1x16xf32>,
    %swap3A_222 = arith.constant 29 : i32
    %swap3A_223 = arith.index_cast %swap3A_222 : i32 to index
    %swap3A_224 = arith.constant 0 : index
    %swap3A_225 = tpu.vector_load %arg6[%swap3A_223, %swap3A_224] {strides = array<i32>} : memref<128x16xf32, #tpu.memory_space<vmem>>, vector<1x16xf32>,
    %swap3A_226 = vector.shape_cast %swap3A_225 : vector<1x16xf32> to vector<16xf32>
    %swap3A_227 = vector.shape_cast %broadcast_in_dim3A_48 : vector<16xf32> to vector<1x16xf32>
    tpu.vector_store %arg6[%swap3A_223, %swap3A_224], %swap3A_227 {strides = array<i32>} : memref<128x16xf32, #tpu.memory_space<vmem>>, vector<1x16xf32>,
    %swap3A_228 = arith.constant 30 : i32
    %swap3A_229 = arith.index_cast %swap3A_228 : i32 to index
    %swap3A_230 = arith.constant 0 : index
    %swap3A_231 = tpu.vector_load %arg6[%swap3A_229, %swap3A_230] {strides = array<i32>} : memref<128x16xf32, #tpu.memory_space<vmem>>, vector<1x16xf32>,
    %swap3A_232 = vector.shape_cast %swap3A_231 : vector<1x16xf32> to vector<16xf32>
    %swap3A_233 = vector.shape_cast %broadcast_in_dim3A_48 : vector<16xf32> to vector<1x16xf32>
    tpu.vector_store %arg6[%swap3A_229, %swap3A_230], %swap3A_233 {strides = array<i32>} : memref<128x16xf32, #tpu.memory_space<vmem>>, vector<1x16xf32>,
    %swap3A_234 = arith.constant 31 : i32
    %swap3A_235 = arith.index_cast %swap3A_234 : i32 to index
    %swap3A_236 = arith.constant 0 : index
    %swap3A_237 = tpu.vector_load %arg6[%swap3A_235, %swap3A_236] {strides = array<i32>} : memref<128x16xf32, #tpu.memory_space<vmem>>, vector<1x16xf32>,
    %swap3A_238 = vector.shape_cast %swap3A_237 : vector<1x16xf32> to vector<16xf32>
    %swap3A_239 = vector.shape_cast %broadcast_in_dim3A_48 : vector<16xf32> to vector<1x16xf32>
    tpu.vector_store %arg6[%swap3A_235, %swap3A_236], %swap3A_239 {strides = array<i32>} : memref<128x16xf32, #tpu.memory_space<vmem>>, vector<1x16xf32>,
    %swap3A_240 = arith.constant 32 : i32
    %swap3A_241 = arith.index_cast %swap3A_240 : i32 to index
    %swap3A_242 = arith.constant 0 : index
    %swap3A_243 = tpu.vector_load %arg6[%swap3A_241, %swap3A_242] {strides = array<i32>} : memref<128x16xf32, #tpu.memory_space<vmem>>, vector<1x16xf32>,
    %swap3A_244 = vector.shape_cast %swap3A_243 : vector<1x16xf32> to vector<16xf32>
    %swap3A_245 = vector.shape_cast %broadcast_in_dim3A_48 : vector<16xf32> to vector<1x16xf32>
    tpu.vector_store %arg6[%swap3A_241, %swap3A_242], %swap3A_245 {strides = array<i32>} : memref<128x16xf32, #tpu.memory_space<vmem>>, vector<1x16xf32>,
    %swap3A_246 = arith.constant 33 : i32
    %swap3A_247 = arith.index_cast %swap3A_246 : i32 to index
    %swap3A_248 = arith.constant 0 : index
    %swap3A_249 = tpu.vector_load %arg6[%swap3A_247, %swap3A_248] {strides = array<i32>} : memref<128x16xf32, #tpu.memory_space<vmem>>, vector<1x16xf32>,
    %swap3A_250 = vector.shape_cast %swap3A_249 : vector<1x16xf32> to vector<16xf32>
    %swap3A_251 = vector.shape_cast %broadcast_in_dim3A_48 : vector<16xf32> to vector<1x16xf32>
    tpu.vector_store %arg6[%swap3A_247, %swap3A_248], %swap3A_251 {strides = array<i32>} : memref<128x16xf32, #tpu.memory_space<vmem>>, vector<1x16xf32>,
    %swap3A_252 = arith.constant 34 : i32
    %swap3A_253 = arith.index_cast %swap3A_252 : i32 to index
    %swap3A_254 = arith.constant 0 : index
    %swap3A_255 = tpu.vector_load %arg6[%swap3A_253, %swap3A_254] {strides = array<i32>} : memref<128x16xf32, #tpu.memory_space<vmem>>, vector<1x16xf32>,
    %swap3A_256 = vector.shape_cast %swap3A_255 : vector<1x16xf32> to vector<16xf32>
    %swap3A_257 = vector.shape_cast %broadcast_in_dim3A_48 : vector<16xf32> to vector<1x16xf32>
    tpu.vector_store %arg6[%swap3A_253, %swap3A_254], %swap3A_257 {strides = array<i32>} : memref<128x16xf32, #tpu.memory_space<vmem>>, vector<1x16xf32>,
    %swap3A_258 = arith.constant 35 : i32
    %swap3A_259 = arith.index_cast %swap3A_258 : i32 to index
    %swap3A_260 = arith.constant 0 : index
    %swap3A_261 = tpu.vector_load %arg6[%swap3A_259, %swap3A_260] {strides = array<i32>} : memref<128x16xf32, #tpu.memory_space<vmem>>, vector<1x16xf32>,
    %swap3A_262 = vector.shape_cast %swap3A_261 : vector<1x16xf32> to vector<16xf32>
    %swap3A_263 = vector.shape_cast %broadcast_in_dim3A_48 : vector<16xf32> to vector<1x16xf32>
    tpu.vector_store %arg6[%swap3A_259, %swap3A_260], %swap3A_263 {strides = array<i32>} : memref<128x16xf32, #tpu.memory_space<vmem>>, vector<1x16xf32>,
    %swap3A_264 = arith.constant 36 : i32
    %swap3A_265 = arith.index_cast %swap3A_264 : i32 to index
    %swap3A_266 = arith.constant 0 : index
    %swap3A_267 = tpu.vector_load %arg6[%swap3A_265, %swap3A_266] {strides = array<i32>} : memref<128x16xf32, #tpu.memory_space<vmem>>, vector<1x16xf32>,
    %swap3A_268 = vector.shape_cast %swap3A_267 : vector<1x16xf32> to vector<16xf32>
    %swap3A_269 = vector.shape_cast %broadcast_in_dim3A_48 : vector<16xf32> to vector<1x16xf32>
    tpu.vector_store %arg6[%swap3A_265, %swap3A_266], %swap3A_269 {strides = array<i32>} : memref<128x16xf32, #tpu.memory_space<vmem>>, vector<1x16xf32>,
    %swap3A_270 = arith.constant 37 : i32
    %swap3A_271 = arith.index_cast %swap3A_270 : i32 to index
    %swap3A_272 = arith.constant 0 : index
    %swap3A_273 = tpu.vector_load %arg6[%swap3A_271, %swap3A_272] {strides = array<i32>} : memref<128x16xf32, #tpu.memory_space<vmem>>, vector<1x16xf32>,
    %swap3A_274 = vector.shape_cast %swap3A_273 : vector<1x16xf32> to vector<16xf32>
    %swap3A_275 = vector.shape_cast %broadcast_in_dim3A_48 : vector<16xf32> to vector<1x16xf32>
    tpu.vector_store %arg6[%swap3A_271, %swap3A_272], %swap3A_275 {strides = array<i32>} : memref<128x16xf32, #tpu.memory_space<vmem>>, vector<1x16xf32>,
    %swap3A_276 = arith.constant 38 : i32
    %swap3A_277 = arith.index_cast %swap3A_276 : i32 to index
    %swap3A_278 = arith.constant 0 : index
    %swap3A_279 = tpu.vector_load %arg6[%swap3A_277, %swap3A_278] {strides = array<i32>} : memref<128x16xf32, #tpu.memory_space<vmem>>, vector<1x16xf32>,
    %swap3A_280 = vector.shape_cast %swap3A_279 : vector<1x16xf32> to vector<16xf32>
    %swap3A_281 = vector.shape_cast %broadcast_in_dim3A_48 : vector<16xf32> to vector<1x16xf32>
    tpu.vector_store %arg6[%swap3A_277, %swap3A_278], %swap3A_281 {strides = array<i32>} : memref<128x16xf32, #tpu.memory_space<vmem>>, vector<1x16xf32>,
    %swap3A_282 = arith.constant 39 : i32
    %swap3A_283 = arith.index_cast %swap3A_282 : i32 to index
    %swap3A_284 = arith.constant 0 : index
    %swap3A_285 = tpu.vector_load %arg6[%swap3A_283, %swap3A_284] {strides = array<i32>} : memref<128x16xf32, #tpu.memory_space<vmem>>, vector<1x16xf32>,
    %swap3A_286 = vector.shape_cast %swap3A_285 : vector<1x16xf32> to vector<16xf32>
    %swap3A_287 = vector.shape_cast %broadcast_in_dim3A_48 : vector<16xf32> to vector<1x16xf32>
    tpu.vector_store %arg6[%swap3A_283, %swap3A_284], %swap3A_287 {strides = array<i32>} : memref<128x16xf32, #tpu.memory_space<vmem>>, vector<1x16xf32>,
    %swap3A_288 = arith.constant 40 : i32
    %swap3A_289 = arith.index_cast %swap3A_288 : i32 to index
    %swap3A_290 = arith.constant 0 : index
    %swap3A_291 = tpu.vector_load %arg6[%swap3A_289, %swap3A_290] {strides = array<i32>} : memref<128x16xf32, #tpu.memory_space<vmem>>, vector<1x16xf32>,
    %swap3A_292 = vector.shape_cast %swap3A_291 : vector<1x16xf32> to vector<16xf32>
    %swap3A_293 = vector.shape_cast %broadcast_in_dim3A_48 : vector<16xf32> to vector<1x16xf32>
    tpu.vector_store %arg6[%swap3A_289, %swap3A_290], %swap3A_293 {strides = array<i32>} : memref<128x16xf32, #tpu.memory_space<vmem>>, vector<1x16xf32>,
    %swap3A_294 = arith.constant 41 : i32
    %swap3A_295 = arith.index_cast %swap3A_294 : i32 to index
    %swap3A_296 = arith.constant 0 : index
    %swap3A_297 = tpu.vector_load %arg6[%swap3A_295, %swap3A_296] {strides = array<i32>} : memref<128x16xf32, #tpu.memory_space<vmem>>, vector<1x16xf32>,
    %swap3A_298 = vector.shape_cast %swap3A_297 : vector<1x16xf32> to vector<16xf32>
    %swap3A_299 = vector.shape_cast %broadcast_in_dim3A_48 : vector<16xf32> to vector<1x16xf32>
    tpu.vector_store %arg6[%swap3A_295, %swap3A_296], %swap3A_299 {strides = array<i32>} : memref<128x16xf32, #tpu.memory_space<vmem>>, vector<1x16xf32>,
    %swap3A_300 = arith.constant 42 : i32
    %swap3A_301 = arith.index_cast %swap3A_300 : i32 to index
    %swap3A_302 = arith.constant 0 : index
    %swap3A_303 = tpu.vector_load %arg6[%swap3A_301, %swap3A_302] {strides = array<i32>} : memref<128x16xf32, #tpu.memory_space<vmem>>, vector<1x16xf32>,
    %swap3A_304 = vector.shape_cast %swap3A_303 : vector<1x16xf32> to vector<16xf32>
    %swap3A_305 = vector.shape_cast %broadcast_in_dim3A_48 : vector<16xf32> to vector<1x16xf32>
    tpu.vector_store %arg6[%swap3A_301, %swap3A_302], %swap3A_305 {strides = array<i32>} : memref<128x16xf32, #tpu.memory_space<vmem>>, vector<1x16xf32>,
    %swap3A_306 = arith.constant 43 : i32
    %swap3A_307 = arith.index_cast %swap3A_306 : i32 to index
    %swap3A_308 = arith.constant 0 : index
    %swap3A_309 = tpu.vector_load %arg6[%swap3A_307, %swap3A_308] {strides = array<i32>} : memref<128x16xf32, #tpu.memory_space<vmem>>, vector<1x16xf32>,
    %swap3A_310 = vector.shape_cast %swap3A_309 : vector<1x16xf32> to vector<16xf32>
    %swap3A_311 = vector.shape_cast %broadcast_in_dim3A_48 : vector<16xf32> to vector<1x16xf32>
    tpu.vector_store %arg6[%swap3A_307, %swap3A_308], %swap3A_311 {strides = array<i32>} : memref<128x16xf32, #tpu.memory_space<vmem>>, vector<1x16xf32>,
    %swap3A_312 = arith.constant 44 : i32
    %swap3A_313 = arith.index_cast %swap3A_312 : i32 to index
    %swap3A_314 = arith.constant 0 : index
    %swap3A_315 = tpu.vector_load %arg6[%swap3A_313, %swap3A_314] {strides = array<i32>} : memref<128x16xf32, #tpu.memory_space<vmem>>, vector<1x16xf32>,
    %swap3A_316 = vector.shape_cast %swap3A_315 : vector<1x16xf32> to vector<16xf32>
    %swap3A_317 = vector.shape_cast %broadcast_in_dim3A_48 : vector<16xf32> to vector<1x16xf32>
    tpu.vector_store %arg6[%swap3A_313, %swap3A_314], %swap3A_317 {strides = array<i32>} : memref<128x16xf32, #tpu.memory_space<vmem>>, vector<1x16xf32>,
    %swap3A_318 = arith.constant 45 : i32
    %swap3A_319 = arith.index_cast %swap3A_318 : i32 to index
    %swap3A_320 = arith.constant 0 : index
    %swap3A_321 = tpu.vector_load %arg6[%swap3A_319, %swap3A_320] {strides = array<i32>} : memref<128x16xf32, #tpu.memory_space<vmem>>, vector<1x16xf32>,
    %swap3A_322 = vector.shape_cast %swap3A_321 : vector<1x16xf32> to vector<16xf32>
    %swap3A_323 = vector.shape_cast %broadcast_in_dim3A_48 : vector<16xf32> to vector<1x16xf32>
    tpu.vector_store %arg6[%swap3A_319, %swap3A_320], %swap3A_323 {strides = array<i32>} : memref<128x16xf32, #tpu.memory_space<vmem>>, vector<1x16xf32>,
    %swap3A_324 = arith.constant 46 : i32
    %swap3A_325 = arith.index_cast %swap3A_324 : i32 to index
    %swap3A_326 = arith.constant 0 : index
    %swap3A_327 = tpu.vector_load %arg6[%swap3A_325, %swap3A_326] {strides = array<i32>} : memref<128x16xf32, #tpu.memory_space<vmem>>, vector<1x16xf32>,
    %swap3A_328 = vector.shape_cast %swap3A_327 : vector<1x16xf32> to vector<16xf32>
    %swap3A_329 = vector.shape_cast %broadcast_in_dim3A_48 : vector<16xf32> to vector<1x16xf32>
    tpu.vector_store %arg6[%swap3A_325, %swap3A_326], %swap3A_329 {strides = array<i32>} : memref<128x16xf32, #tpu.memory_space<vmem>>, vector<1x16xf32>,
    %swap3A_330 = arith.constant 47 : i32
    %swap3A_331 = arith.index_cast %swap3A_330 : i32 to index
    %swap3A_332 = arith.constant 0 : index
    %swap3A_333 = tpu.vector_load %arg6[%swap3A_331, %swap3A_332] {strides = array<i32>} : memref<128x16xf32, #tpu.memory_space<vmem>>, vector<1x16xf32>,
    %swap3A_334 = vector.shape_cast %swap3A_333 : vector<1x16xf32> to vector<16xf32>
    %swap3A_335 = vector.shape_cast %broadcast_in_dim3A_48 : vector<16xf32> to vector<1x16xf32>
    tpu.vector_store %arg6[%swap3A_331, %swap3A_332], %swap3A_335 {strides = array<i32>} : memref<128x16xf32, #tpu.memory_space<vmem>>, vector<1x16xf32>,
    %swap3A_336 = arith.constant 48 : i32
    %swap3A_337 = arith.index_cast %swap3A_336 : i32 to index
    %swap3A_338 = arith.constant 0 : index
    %swap3A_339 = tpu.vector_load %arg6[%swap3A_337, %swap3A_338] {strides = array<i32>} : memref<128x16xf32, #tpu.memory_space<vmem>>, vector<1x16xf32>,
    %swap3A_340 = vector.shape_cast %swap3A_339 : vector<1x16xf32> to vector<16xf32>
    %swap3A_341 = vector.shape_cast %broadcast_in_dim3A_48 : vector<16xf32> to vector<1x16xf32>
    tpu.vector_store %arg6[%swap3A_337, %swap3A_338], %swap3A_341 {strides = array<i32>} : memref<128x16xf32, #tpu.memory_space<vmem>>, vector<1x16xf32>,
    %swap3A_342 = arith.constant 49 : i32
    %swap3A_343 = arith.index_cast %swap3A_342 : i32 to index
    %swap3A_344 = arith.constant 0 : index
    %swap3A_345 = tpu.vector_load %arg6[%swap3A_343, %swap3A_344] {strides = array<i32>} : memref<128x16xf32, #tpu.memory_space<vmem>>, vector<1x16xf32>,
    %swap3A_346 = vector.shape_cast %swap3A_345 : vector<1x16xf32> to vector<16xf32>
    %swap3A_347 = vector.shape_cast %broadcast_in_dim3A_48 : vector<16xf32> to vector<1x16xf32>
    tpu.vector_store %arg6[%swap3A_343, %swap3A_344], %swap3A_347 {strides = array<i32>} : memref<128x16xf32, #tpu.memory_space<vmem>>, vector<1x16xf32>,
    %swap3A_348 = arith.constant 50 : i32
    %swap3A_349 = arith.index_cast %swap3A_348 : i32 to index
    %swap3A_350 = arith.constant 0 : index
    %swap3A_351 = tpu.vector_load %arg6[%swap3A_349, %swap3A_350] {strides = array<i32>} : memref<128x16xf32, #tpu.memory_space<vmem>>, vector<1x16xf32>,
    %swap3A_352 = vector.shape_cast %swap3A_351 : vector<1x16xf32> to vector<16xf32>
    %swap3A_353 = vector.shape_cast %broadcast_in_dim3A_48 : vector<16xf32> to vector<1x16xf32>
    tpu.vector_store %arg6[%swap3A_349, %swap3A_350], %swap3A_353 {strides = array<i32>} : memref<128x16xf32, #tpu.memory_space<vmem>>, vector<1x16xf32>,
    %swap3A_354 = arith.constant 51 : i32
    %swap3A_355 = arith.index_cast %swap3A_354 : i32 to index
    %swap3A_356 = arith.constant 0 : index
    %swap3A_357 = tpu.vector_load %arg6[%swap3A_355, %swap3A_356] {strides = array<i32>} : memref<128x16xf32, #tpu.memory_space<vmem>>, vector<1x16xf32>,
    %swap3A_358 = vector.shape_cast %swap3A_357 : vector<1x16xf32> to vector<16xf32>
    %swap3A_359 = vector.shape_cast %broadcast_in_dim3A_48 : vector<16xf32> to vector<1x16xf32>
    tpu.vector_store %arg6[%swap3A_355, %swap3A_356], %swap3A_359 {strides = array<i32>} : memref<128x16xf32, #tpu.memory_space<vmem>>, vector<1x16xf32>,
    %swap3A_360 = arith.constant 52 : i32
    %swap3A_361 = arith.index_cast %swap3A_360 : i32 to index
    %swap3A_362 = arith.constant 0 : index
    %swap3A_363 = tpu.vector_load %arg6[%swap3A_361, %swap3A_362] {strides = array<i32>} : memref<128x16xf32, #tpu.memory_space<vmem>>, vector<1x16xf32>,
    %swap3A_364 = vector.shape_cast %swap3A_363 : vector<1x16xf32> to vector<16xf32>
    %swap3A_365 = vector.shape_cast %broadcast_in_dim3A_48 : vector<16xf32> to vector<1x16xf32>
    tpu.vector_store %arg6[%swap3A_361, %swap3A_362], %swap3A_365 {strides = array<i32>} : memref<128x16xf32, #tpu.memory_space<vmem>>, vector<1x16xf32>,
    %swap3A_366 = arith.constant 53 : i32
    %swap3A_367 = arith.index_cast %swap3A_366 : i32 to index
    %swap3A_368 = arith.constant 0 : index
    %swap3A_369 = tpu.vector_load %arg6[%swap3A_367, %swap3A_368] {strides = array<i32>} : memref<128x16xf32, #tpu.memory_space<vmem>>, vector<1x16xf32>,
    %swap3A_370 = vector.shape_cast %swap3A_369 : vector<1x16xf32> to vector<16xf32>
    %swap3A_371 = vector.shape_cast %broadcast_in_dim3A_48 : vector<16xf32> to vector<1x16xf32>
    tpu.vector_store %arg6[%swap3A_367, %swap3A_368], %swap3A_371 {strides = array<i32>} : memref<128x16xf32, #tpu.memory_space<vmem>>, vector<1x16xf32>,
    %swap3A_372 = arith.constant 54 : i32
    %swap3A_373 = arith.index_cast %swap3A_372 : i32 to index
    %swap3A_374 = arith.constant 0 : index
    %swap3A_375 = tpu.vector_load %arg6[%swap3A_373, %swap3A_374] {strides = array<i32>} : memref<128x16xf32, #tpu.memory_space<vmem>>, vector<1x16xf32>,
    %swap3A_376 = vector.shape_cast %swap3A_375 : vector<1x16xf32> to vector<16xf32>
    %swap3A_377 = vector.shape_cast %broadcast_in_dim3A_48 : vector<16xf32> to vector<1x16xf32>
    tpu.vector_store %arg6[%swap3A_373, %swap3A_374], %swap3A_377 {strides = array<i32>} : memref<128x16xf32, #tpu.memory_space<vmem>>, vector<1x16xf32>,
    %swap3A_378 = arith.constant 55 : i32
    %swap3A_379 = arith.index_cast %swap3A_378 : i32 to index
    %swap3A_380 = arith.constant 0 : index
    %swap3A_381 = tpu.vector_load %arg6[%swap3A_379, %swap3A_380] {strides = array<i32>} : memref<128x16xf32, #tpu.memory_space<vmem>>, vector<1x16xf32>,
    %swap3A_382 = vector.shape_cast %swap3A_381 : vector<1x16xf32> to vector<16xf32>
    %swap3A_383 = vector.shape_cast %broadcast_in_dim3A_48 : vector<16xf32> to vector<1x16xf32>
    tpu.vector_store %arg6[%swap3A_379, %swap3A_380], %swap3A_383 {strides = array<i32>} : memref<128x16xf32, #tpu.memory_space<vmem>>, vector<1x16xf32>,
    %swap3A_384 = arith.constant 56 : i32
    %swap3A_385 = arith.index_cast %swap3A_384 : i32 to index
    %swap3A_386 = arith.constant 0 : index
    %swap3A_387 = tpu.vector_load %arg6[%swap3A_385, %swap3A_386] {strides = array<i32>} : memref<128x16xf32, #tpu.memory_space<vmem>>, vector<1x16xf32>,
    %swap3A_388 = vector.shape_cast %swap3A_387 : vector<1x16xf32> to vector<16xf32>
    %swap3A_389 = vector.shape_cast %broadcast_in_dim3A_48 : vector<16xf32> to vector<1x16xf32>
    tpu.vector_store %arg6[%swap3A_385, %swap3A_386], %swap3A_389 {strides = array<i32>} : memref<128x16xf32, #tpu.memory_space<vmem>>, vector<1x16xf32>,
    %swap3A_390 = arith.constant 57 : i32
    %swap3A_391 = arith.index_cast %swap3A_390 : i32 to index
    %swap3A_392 = arith.constant 0 : index
    %swap3A_393 = tpu.vector_load %arg6[%swap3A_391, %swap3A_392] {strides = array<i32>} : memref<128x16xf32, #tpu.memory_space<vmem>>, vector<1x16xf32>,
    %swap3A_394 = vector.shape_cast %swap3A_393 : vector<1x16xf32> to vector<16xf32>
    %swap3A_395 = vector.shape_cast %broadcast_in_dim3A_48 : vector<16xf32> to vector<1x16xf32>
    tpu.vector_store %arg6[%swap3A_391, %swap3A_392], %swap3A_395 {strides = array<i32>} : memref<128x16xf32, #tpu.memory_space<vmem>>, vector<1x16xf32>,
    %swap3A_396 = arith.constant 58 : i32
    %swap3A_397 = arith.index_cast %swap3A_396 : i32 to index
    %swap3A_398 = arith.constant 0 : index
    %swap3A_399 = tpu.vector_load %arg6[%swap3A_397, %swap3A_398] {strides = array<i32>} : memref<128x16xf32, #tpu.memory_space<vmem>>, vector<1x16xf32>,
    %swap3A_400 = vector.shape_cast %swap3A_399 : vector<1x16xf32> to vector<16xf32>
    %swap3A_401 = vector.shape_cast %broadcast_in_dim3A_48 : vector<16xf32> to vector<1x16xf32>
    tpu.vector_store %arg6[%swap3A_397, %swap3A_398], %swap3A_401 {strides = array<i32>} : memref<128x16xf32, #tpu.memory_space<vmem>>, vector<1x16xf32>,
    %swap3A_402 = arith.constant 59 : i32
    %swap3A_403 = arith.index_cast %swap3A_402 : i32 to index
    %swap3A_404 = arith.constant 0 : index
    %swap3A_405 = tpu.vector_load %arg6[%swap3A_403, %swap3A_404] {strides = array<i32>} : memref<128x16xf32, #tpu.memory_space<vmem>>, vector<1x16xf32>,
    %swap3A_406 = vector.shape_cast %swap3A_405 : vector<1x16xf32> to vector<16xf32>
    %swap3A_407 = vector.shape_cast %broadcast_in_dim3A_48 : vector<16xf32> to vector<1x16xf32>
    tpu.vector_store %arg6[%swap3A_403, %swap3A_404], %swap3A_407 {strides = array<i32>} : memref<128x16xf32, #tpu.memory_space<vmem>>, vector<1x16xf32>,
    %swap3A_408 = arith.constant 60 : i32
    %swap3A_409 = arith.index_cast %swap3A_408 : i32 to index
    %swap3A_410 = arith.constant 0 : index
    %swap3A_411 = tpu.vector_load %arg6[%swap3A_409, %swap3A_410] {strides = array<i32>} : memref<128x16xf32, #tpu.memory_space<vmem>>, vector<1x16xf32>,
    %swap3A_412 = vector.shape_cast %swap3A_411 : vector<1x16xf32> to vector<16xf32>
    %swap3A_413 = vector.shape_cast %broadcast_in_dim3A_48 : vector<16xf32> to vector<1x16xf32>
    tpu.vector_store %arg6[%swap3A_409, %swap3A_410], %swap3A_413 {strides = array<i32>} : memref<128x16xf32, #tpu.memory_space<vmem>>, vector<1x16xf32>,
    %swap3A_414 = arith.constant 61 : i32
    %swap3A_415 = arith.index_cast %swap3A_414 : i32 to index
    %swap3A_416 = arith.constant 0 : index
    %swap3A_417 = tpu.vector_load %arg6[%swap3A_415, %swap3A_416] {strides = array<i32>} : memref<128x16xf32, #tpu.memory_space<vmem>>, vector<1x16xf32>,
    %swap3A_418 = vector.shape_cast %swap3A_417 : vector<1x16xf32> to vector<16xf32>
    %swap3A_419 = vector.shape_cast %broadcast_in_dim3A_48 : vector<16xf32> to vector<1x16xf32>
    tpu.vector_store %arg6[%swap3A_415, %swap3A_416], %swap3A_419 {strides = array<i32>} : memref<128x16xf32, #tpu.memory_space<vmem>>, vector<1x16xf32>,
    %swap3A_420 = arith.constant 62 : i32
    %swap3A_421 = arith.index_cast %swap3A_420 : i32 to index
    %swap3A_422 = arith.constant 0 : index
    %swap3A_423 = tpu.vector_load %arg6[%swap3A_421, %swap3A_422] {strides = array<i32>} : memref<128x16xf32, #tpu.memory_space<vmem>>, vector<1x16xf32>,
    %swap3A_424 = vector.shape_cast %swap3A_423 : vector<1x16xf32> to vector<16xf32>
    %swap3A_425 = vector.shape_cast %broadcast_in_dim3A_48 : vector<16xf32> to vector<1x16xf32>
    tpu.vector_store %arg6[%swap3A_421, %swap3A_422], %swap3A_425 {strides = array<i32>} : memref<128x16xf32, #tpu.memory_space<vmem>>, vector<1x16xf32>,
    %swap3A_426 = arith.constant 63 : i32
    %swap3A_427 = arith.index_cast %swap3A_426 : i32 to index
    %swap3A_428 = arith.constant 0 : index
    %swap3A_429 = tpu.vector_load %arg6[%swap3A_427, %swap3A_428] {strides = array<i32>} : memref<128x16xf32, #tpu.memory_space<vmem>>, vector<1x16xf32>,
    %swap3A_430 = vector.shape_cast %swap3A_429 : vector<1x16xf32> to vector<16xf32>
    %swap3A_431 = vector.shape_cast %broadcast_in_dim3A_48 : vector<16xf32> to vector<1x16xf32>
    tpu.vector_store %arg6[%swap3A_427, %swap3A_428], %swap3A_431 {strides = array<i32>} : memref<128x16xf32, #tpu.memory_space<vmem>>, vector<1x16xf32>,
    %swap3A_432 = arith.constant 64 : i32
    %swap3A_433 = arith.index_cast %swap3A_432 : i32 to index
    %swap3A_434 = arith.constant 0 : index
    %swap3A_435 = tpu.vector_load %arg6[%swap3A_433, %swap3A_434] {strides = array<i32>} : memref<128x16xf32, #tpu.memory_space<vmem>>, vector<1x16xf32>,
    %swap3A_436 = vector.shape_cast %swap3A_435 : vector<1x16xf32> to vector<16xf32>
    %swap3A_437 = vector.shape_cast %broadcast_in_dim3A_48 : vector<16xf32> to vector<1x16xf32>
    tpu.vector_store %arg6[%swap3A_433, %swap3A_434], %swap3A_437 {strides = array<i32>} : memref<128x16xf32, #tpu.memory_space<vmem>>, vector<1x16xf32>,
    %swap3A_438 = arith.constant 65 : i32
    %swap3A_439 = arith.index_cast %swap3A_438 : i32 to index
    %swap3A_440 = arith.constant 0 : index
    %swap3A_441 = tpu.vector_load %arg6[%swap3A_439, %swap3A_440] {strides = array<i32>} : memref<128x16xf32, #tpu.memory_space<vmem>>, vector<1x16xf32>,
    %swap3A_442 = vector.shape_cast %swap3A_441 : vector<1x16xf32> to vector<16xf32>
    %swap3A_443 = vector.shape_cast %broadcast_in_dim3A_48 : vector<16xf32> to vector<1x16xf32>
    tpu.vector_store %arg6[%swap3A_439, %swap3A_440], %swap3A_443 {strides = array<i32>} : memref<128x16xf32, #tpu.memory_space<vmem>>, vector<1x16xf32>,
    %swap3A_444 = arith.constant 66 : i32
    %swap3A_445 = arith.index_cast %swap3A_444 : i32 to index
    %swap3A_446 = arith.constant 0 : index
    %swap3A_447 = tpu.vector_load %arg6[%swap3A_445, %swap3A_446] {strides = array<i32>} : memref<128x16xf32, #tpu.memory_space<vmem>>, vector<1x16xf32>,
    %swap3A_448 = vector.shape_cast %swap3A_447 : vector<1x16xf32> to vector<16xf32>
    %swap3A_449 = vector.shape_cast %broadcast_in_dim3A_48 : vector<16xf32> to vector<1x16xf32>
    tpu.vector_store %arg6[%swap3A_445, %swap3A_446], %swap3A_449 {strides = array<i32>} : memref<128x16xf32, #tpu.memory_space<vmem>>, vector<1x16xf32>,
    %swap3A_450 = arith.constant 67 : i32
    %swap3A_451 = arith.index_cast %swap3A_450 : i32 to index
    %swap3A_452 = arith.constant 0 : index
    %swap3A_453 = tpu.vector_load %arg6[%swap3A_451, %swap3A_452] {strides = array<i32>} : memref<128x16xf32, #tpu.memory_space<vmem>>, vector<1x16xf32>,
    %swap3A_454 = vector.shape_cast %swap3A_453 : vector<1x16xf32> to vector<16xf32>
    %swap3A_455 = vector.shape_cast %broadcast_in_dim3A_48 : vector<16xf32> to vector<1x16xf32>
    tpu.vector_store %arg6[%swap3A_451, %swap3A_452], %swap3A_455 {strides = array<i32>} : memref<128x16xf32, #tpu.memory_space<vmem>>, vector<1x16xf32>,
    %swap3A_456 = arith.constant 68 : i32
    %swap3A_457 = arith.index_cast %swap3A_456 : i32 to index
    %swap3A_458 = arith.constant 0 : index
    %swap3A_459 = tpu.vector_load %arg6[%swap3A_457, %swap3A_458] {strides = array<i32>} : memref<128x16xf32, #tpu.memory_space<vmem>>, vector<1x16xf32>,
    %swap3A_460 = vector.shape_cast %swap3A_459 : vector<1x16xf32> to vector<16xf32>
    %swap3A_461 = vector.shape_cast %broadcast_in_dim3A_48 : vector<16xf32> to vector<1x16xf32>
    tpu.vector_store %arg6[%swap3A_457, %swap3A_458], %swap3A_461 {strides = array<i32>} : memref<128x16xf32, #tpu.memory_space<vmem>>, vector<1x16xf32>,
    %swap3A_462 = arith.constant 69 : i32
    %swap3A_463 = arith.index_cast %swap3A_462 : i32 to index
    %swap3A_464 = arith.constant 0 : index
    %swap3A_465 = tpu.vector_load %arg6[%swap3A_463, %swap3A_464] {strides = array<i32>} : memref<128x16xf32, #tpu.memory_space<vmem>>, vector<1x16xf32>,
    %swap3A_466 = vector.shape_cast %swap3A_465 : vector<1x16xf32> to vector<16xf32>
    %swap3A_467 = vector.shape_cast %broadcast_in_dim3A_48 : vector<16xf32> to vector<1x16xf32>
    tpu.vector_store %arg6[%swap3A_463, %swap3A_464], %swap3A_467 {strides = array<i32>} : memref<128x16xf32, #tpu.memory_space<vmem>>, vector<1x16xf32>,
    %swap3A_468 = arith.constant 70 : i32
    %swap3A_469 = arith.index_cast %swap3A_468 : i32 to index
    %swap3A_470 = arith.constant 0 : index
    %swap3A_471 = tpu.vector_load %arg6[%swap3A_469, %swap3A_470] {strides = array<i32>} : memref<128x16xf32, #tpu.memory_space<vmem>>, vector<1x16xf32>,
    %swap3A_472 = vector.shape_cast %swap3A_471 : vector<1x16xf32> to vector<16xf32>
    %swap3A_473 = vector.shape_cast %broadcast_in_dim3A_48 : vector<16xf32> to vector<1x16xf32>
    tpu.vector_store %arg6[%swap3A_469, %swap3A_470], %swap3A_473 {strides = array<i32>} : memref<128x16xf32, #tpu.memory_space<vmem>>, vector<1x16xf32>,
    %swap3A_474 = arith.constant 71 : i32
    %swap3A_475 = arith.index_cast %swap3A_474 : i32 to index
    %swap3A_476 = arith.constant 0 : index
    %swap3A_477 = tpu.vector_load %arg6[%swap3A_475, %swap3A_476] {strides = array<i32>} : memref<128x16xf32, #tpu.memory_space<vmem>>, vector<1x16xf32>,
    %swap3A_478 = vector.shape_cast %swap3A_477 : vector<1x16xf32> to vector<16xf32>
    %swap3A_479 = vector.shape_cast %broadcast_in_dim3A_48 : vector<16xf32> to vector<1x16xf32>
    tpu.vector_store %arg6[%swap3A_475, %swap3A_476], %swap3A_479 {strides = array<i32>} : memref<128x16xf32, #tpu.memory_space<vmem>>, vector<1x16xf32>,
    %swap3A_480 = arith.constant 72 : i32
    %swap3A_481 = arith.index_cast %swap3A_480 : i32 to index
    %swap3A_482 = arith.constant 0 : index
    %swap3A_483 = tpu.vector_load %arg6[%swap3A_481, %swap3A_482] {strides = array<i32>} : memref<128x16xf32, #tpu.memory_space<vmem>>, vector<1x16xf32>,
    %swap3A_484 = vector.shape_cast %swap3A_483 : vector<1x16xf32> to vector<16xf32>
    %swap3A_485 = vector.shape_cast %broadcast_in_dim3A_48 : vector<16xf32> to vector<1x16xf32>
    tpu.vector_store %arg6[%swap3A_481, %swap3A_482], %swap3A_485 {strides = array<i32>} : memref<128x16xf32, #tpu.memory_space<vmem>>, vector<1x16xf32>,
    %swap3A_486 = arith.constant 73 : i32
    %swap3A_487 = arith.index_cast %swap3A_486 : i32 to index
    %swap3A_488 = arith.constant 0 : index
    %swap3A_489 = tpu.vector_load %arg6[%swap3A_487, %swap3A_488] {strides = array<i32>} : memref<128x16xf32, #tpu.memory_space<vmem>>, vector<1x16xf32>,
    %swap3A_490 = vector.shape_cast %swap3A_489 : vector<1x16xf32> to vector<16xf32>
    %swap3A_491 = vector.shape_cast %broadcast_in_dim3A_48 : vector<16xf32> to vector<1x16xf32>
    tpu.vector_store %arg6[%swap3A_487, %swap3A_488], %swap3A_491 {strides = array<i32>} : memref<128x16xf32, #tpu.memory_space<vmem>>, vector<1x16xf32>,
    %swap3A_492 = arith.constant 74 : i32
    %swap3A_493 = arith.index_cast %swap3A_492 : i32 to index
    %swap3A_494 = arith.constant 0 : index
    %swap3A_495 = tpu.vector_load %arg6[%swap3A_493, %swap3A_494] {strides = array<i32>} : memref<128x16xf32, #tpu.memory_space<vmem>>, vector<1x16xf32>,
    %swap3A_496 = vector.shape_cast %swap3A_495 : vector<1x16xf32> to vector<16xf32>
    %swap3A_497 = vector.shape_cast %broadcast_in_dim3A_48 : vector<16xf32> to vector<1x16xf32>
    tpu.vector_store %arg6[%swap3A_493, %swap3A_494], %swap3A_497 {strides = array<i32>} : memref<128x16xf32, #tpu.memory_space<vmem>>, vector<1x16xf32>,
    %swap3A_498 = arith.constant 75 : i32
    %swap3A_499 = arith.index_cast %swap3A_498 : i32 to index
    %swap3A_500 = arith.constant 0 : index
    %swap3A_501 = tpu.vector_load %arg6[%swap3A_499, %swap3A_500] {strides = array<i32>} : memref<128x16xf32, #tpu.memory_space<vmem>>, vector<1x16xf32>,
    %swap3A_502 = vector.shape_cast %swap3A_501 : vector<1x16xf32> to vector<16xf32>
    %swap3A_503 = vector.shape_cast %broadcast_in_dim3A_48 : vector<16xf32> to vector<1x16xf32>
    tpu.vector_store %arg6[%swap3A_499, %swap3A_500], %swap3A_503 {strides = array<i32>} : memref<128x16xf32, #tpu.memory_space<vmem>>, vector<1x16xf32>,
    %swap3A_504 = arith.constant 76 : i32
    %swap3A_505 = arith.index_cast %swap3A_504 : i32 to index
    %swap3A_506 = arith.constant 0 : index
    %swap3A_507 = tpu.vector_load %arg6[%swap3A_505, %swap3A_506] {strides = array<i32>} : memref<128x16xf32, #tpu.memory_space<vmem>>, vector<1x16xf32>,
    %swap3A_508 = vector.shape_cast %swap3A_507 : vector<1x16xf32> to vector<16xf32>
    %swap3A_509 = vector.shape_cast %broadcast_in_dim3A_48 : vector<16xf32> to vector<1x16xf32>
    tpu.vector_store %arg6[%swap3A_505, %swap3A_506], %swap3A_509 {strides = array<i32>} : memref<128x16xf32, #tpu.memory_space<vmem>>, vector<1x16xf32>,
    %swap3A_510 = arith.constant 77 : i32
    %swap3A_511 = arith.index_cast %swap3A_510 : i32 to index
    %swap3A_512 = arith.constant 0 : index
    %swap3A_513 = tpu.vector_load %arg6[%swap3A_511, %swap3A_512] {strides = array<i32>} : memref<128x16xf32, #tpu.memory_space<vmem>>, vector<1x16xf32>,
    %swap3A_514 = vector.shape_cast %swap3A_513 : vector<1x16xf32> to vector<16xf32>
    %swap3A_515 = vector.shape_cast %broadcast_in_dim3A_48 : vector<16xf32> to vector<1x16xf32>
    tpu.vector_store %arg6[%swap3A_511, %swap3A_512], %swap3A_515 {strides = array<i32>} : memref<128x16xf32, #tpu.memory_space<vmem>>, vector<1x16xf32>,
    %swap3A_516 = arith.constant 78 : i32
    %swap3A_517 = arith.index_cast %swap3A_516 : i32 to index
    %swap3A_518 = arith.constant 0 : index
    %swap3A_519 = tpu.vector_load %arg6[%swap3A_517, %swap3A_518] {strides = array<i32>} : memref<128x16xf32, #tpu.memory_space<vmem>>, vector<1x16xf32>,
    %swap3A_520 = vector.shape_cast %swap3A_519 : vector<1x16xf32> to vector<16xf32>
    %swap3A_521 = vector.shape_cast %broadcast_in_dim3A_48 : vector<16xf32> to vector<1x16xf32>
    tpu.vector_store %arg6[%swap3A_517, %swap3A_518], %swap3A_521 {strides = array<i32>} : memref<128x16xf32, #tpu.memory_space<vmem>>, vector<1x16xf32>,
    %swap3A_522 = arith.constant 79 : i32
    %swap3A_523 = arith.index_cast %swap3A_522 : i32 to index
    %swap3A_524 = arith.constant 0 : index
    %swap3A_525 = tpu.vector_load %arg6[%swap3A_523, %swap3A_524] {strides = array<i32>} : memref<128x16xf32, #tpu.memory_space<vmem>>, vector<1x16xf32>,
    %swap3A_526 = vector.shape_cast %swap3A_525 : vector<1x16xf32> to vector<16xf32>
    %swap3A_527 = vector.shape_cast %broadcast_in_dim3A_48 : vector<16xf32> to vector<1x16xf32>
    tpu.vector_store %arg6[%swap3A_523, %swap3A_524], %swap3A_527 {strides = array<i32>} : memref<128x16xf32, #tpu.memory_space<vmem>>, vector<1x16xf32>,
    %swap3A_528 = arith.constant 80 : i32
    %swap3A_529 = arith.index_cast %swap3A_528 : i32 to index
    %swap3A_530 = arith.constant 0 : index
    %swap3A_531 = tpu.vector_load %arg6[%swap3A_529, %swap3A_530] {strides = array<i32>} : memref<128x16xf32, #tpu.memory_space<vmem>>, vector<1x16xf32>,
    %swap3A_532 = vector.shape_cast %swap3A_531 : vector<1x16xf32> to vector<16xf32>
    %swap3A_533 = vector.shape_cast %broadcast_in_dim3A_48 : vector<16xf32> to vector<1x16xf32>
    tpu.vector_store %arg6[%swap3A_529, %swap3A_530], %swap3A_533 {strides = array<i32>} : memref<128x16xf32, #tpu.memory_space<vmem>>, vector<1x16xf32>,
    %swap3A_534 = arith.constant 81 : i32
    %swap3A_535 = arith.index_cast %swap3A_534 : i32 to index
    %swap3A_536 = arith.constant 0 : index
    %swap3A_537 = tpu.vector_load %arg6[%swap3A_535, %swap3A_536] {strides = array<i32>} : memref<128x16xf32, #tpu.memory_space<vmem>>, vector<1x16xf32>,
    %swap3A_538 = vector.shape_cast %swap3A_537 : vector<1x16xf32> to vector<16xf32>
    %swap3A_539 = vector.shape_cast %broadcast_in_dim3A_48 : vector<16xf32> to vector<1x16xf32>
    tpu.vector_store %arg6[%swap3A_535, %swap3A_536], %swap3A_539 {strides = array<i32>} : memref<128x16xf32, #tpu.memory_space<vmem>>, vector<1x16xf32>,
    %swap3A_540 = arith.constant 82 : i32
    %swap3A_541 = arith.index_cast %swap3A_540 : i32 to index
    %swap3A_542 = arith.constant 0 : index
    %swap3A_543 = tpu.vector_load %arg6[%swap3A_541, %swap3A_542] {strides = array<i32>} : memref<128x16xf32, #tpu.memory_space<vmem>>, vector<1x16xf32>,
    %swap3A_544 = vector.shape_cast %swap3A_543 : vector<1x16xf32> to vector<16xf32>
    %swap3A_545 = vector.shape_cast %broadcast_in_dim3A_48 : vector<16xf32> to vector<1x16xf32>
    tpu.vector_store %arg6[%swap3A_541, %swap3A_542], %swap3A_545 {strides = array<i32>} : memref<128x16xf32, #tpu.memory_space<vmem>>, vector<1x16xf32>,
    %swap3A_546 = arith.constant 83 : i32
    %swap3A_547 = arith.index_cast %swap3A_546 : i32 to index
    %swap3A_548 = arith.constant 0 : index
    %swap3A_549 = tpu.vector_load %arg6[%swap3A_547, %swap3A_548] {strides = array<i32>} : memref<128x16xf32, #tpu.memory_space<vmem>>, vector<1x16xf32>,
    %swap3A_550 = vector.shape_cast %swap3A_549 : vector<1x16xf32> to vector<16xf32>
    %swap3A_551 = vector.shape_cast %broadcast_in_dim3A_48 : vector<16xf32> to vector<1x16xf32>
    tpu.vector_store %arg6[%swap3A_547, %swap3A_548], %swap3A_551 {strides = array<i32>} : memref<128x16xf32, #tpu.memory_space<vmem>>, vector<1x16xf32>,
    %swap3A_552 = arith.constant 84 : i32
    %swap3A_553 = arith.index_cast %swap3A_552 : i32 to index
    %swap3A_554 = arith.constant 0 : index
    %swap3A_555 = tpu.vector_load %arg6[%swap3A_553, %swap3A_554] {strides = array<i32>} : memref<128x16xf32, #tpu.memory_space<vmem>>, vector<1x16xf32>,
    %swap3A_556 = vector.shape_cast %swap3A_555 : vector<1x16xf32> to vector<16xf32>
    %swap3A_557 = vector.shape_cast %broadcast_in_dim3A_48 : vector<16xf32> to vector<1x16xf32>
    tpu.vector_store %arg6[%swap3A_553, %swap3A_554], %swap3A_557 {strides = array<i32>} : memref<128x16xf32, #tpu.memory_space<vmem>>, vector<1x16xf32>,
    %swap3A_558 = arith.constant 85 : i32
    %swap3A_559 = arith.index_cast %swap3A_558 : i32 to index
    %swap3A_560 = arith.constant 0 : index
    %swap3A_561 = tpu.vector_load %arg6[%swap3A_559, %swap3A_560] {strides = array<i32>} : memref<128x16xf32, #tpu.memory_space<vmem>>, vector<1x16xf32>,
    %swap3A_562 = vector.shape_cast %swap3A_561 : vector<1x16xf32> to vector<16xf32>
    %swap3A_563 = vector.shape_cast %broadcast_in_dim3A_48 : vector<16xf32> to vector<1x16xf32>
    tpu.vector_store %arg6[%swap3A_559, %swap3A_560], %swap3A_563 {strides = array<i32>} : memref<128x16xf32, #tpu.memory_space<vmem>>, vector<1x16xf32>,
    %swap3A_564 = arith.constant 86 : i32
    %swap3A_565 = arith.index_cast %swap3A_564 : i32 to index
    %swap3A_566 = arith.constant 0 : index
    %swap3A_567 = tpu.vector_load %arg6[%swap3A_565, %swap3A_566] {strides = array<i32>} : memref<128x16xf32, #tpu.memory_space<vmem>>, vector<1x16xf32>,
    %swap3A_568 = vector.shape_cast %swap3A_567 : vector<1x16xf32> to vector<16xf32>
    %swap3A_569 = vector.shape_cast %broadcast_in_dim3A_48 : vector<16xf32> to vector<1x16xf32>
    tpu.vector_store %arg6[%swap3A_565, %swap3A_566], %swap3A_569 {strides = array<i32>} : memref<128x16xf32, #tpu.memory_space<vmem>>, vector<1x16xf32>,
    %swap3A_570 = arith.constant 87 : i32
    %swap3A_571 = arith.index_cast %swap3A_570 : i32 to index
    %swap3A_572 = arith.constant 0 : index
    %swap3A_573 = tpu.vector_load %arg6[%swap3A_571, %swap3A_572] {strides = array<i32>} : memref<128x16xf32, #tpu.memory_space<vmem>>, vector<1x16xf32>,
    %swap3A_574 = vector.shape_cast %swap3A_573 : vector<1x16xf32> to vector<16xf32>
    %swap3A_575 = vector.shape_cast %broadcast_in_dim3A_48 : vector<16xf32> to vector<1x16xf32>
    tpu.vector_store %arg6[%swap3A_571, %swap3A_572], %swap3A_575 {strides = array<i32>} : memref<128x16xf32, #tpu.memory_space<vmem>>, vector<1x16xf32>,
    %swap3A_576 = arith.constant 88 : i32
    %swap3A_577 = arith.index_cast %swap3A_576 : i32 to index
    %swap3A_578 = arith.constant 0 : index
    %swap3A_579 = tpu.vector_load %arg6[%swap3A_577, %swap3A_578] {strides = array<i32>} : memref<128x16xf32, #tpu.memory_space<vmem>>, vector<1x16xf32>,
    %swap3A_580 = vector.shape_cast %swap3A_579 : vector<1x16xf32> to vector<16xf32>
    %swap3A_581 = vector.shape_cast %broadcast_in_dim3A_48 : vector<16xf32> to vector<1x16xf32>
    tpu.vector_store %arg6[%swap3A_577, %swap3A_578], %swap3A_581 {strides = array<i32>} : memref<128x16xf32, #tpu.memory_space<vmem>>, vector<1x16xf32>,
    %swap3A_582 = arith.constant 89 : i32
    %swap3A_583 = arith.index_cast %swap3A_582 : i32 to index
    %swap3A_584 = arith.constant 0 : index
    %swap3A_585 = tpu.vector_load %arg6[%swap3A_583, %swap3A_584] {strides = array<i32>} : memref<128x16xf32, #tpu.memory_space<vmem>>, vector<1x16xf32>,
    %swap3A_586 = vector.shape_cast %swap3A_585 : vector<1x16xf32> to vector<16xf32>
    %swap3A_587 = vector.shape_cast %broadcast_in_dim3A_48 : vector<16xf32> to vector<1x16xf32>
    tpu.vector_store %arg6[%swap3A_583, %swap3A_584], %swap3A_587 {strides = array<i32>} : memref<128x16xf32, #tpu.memory_space<vmem>>, vector<1x16xf32>,
    %swap3A_588 = arith.constant 90 : i32
    %swap3A_589 = arith.index_cast %swap3A_588 : i32 to index
    %swap3A_590 = arith.constant 0 : index
    %swap3A_591 = tpu.vector_load %arg6[%swap3A_589, %swap3A_590] {strides = array<i32>} : memref<128x16xf32, #tpu.memory_space<vmem>>, vector<1x16xf32>,
    %swap3A_592 = vector.shape_cast %swap3A_591 : vector<1x16xf32> to vector<16xf32>
    %swap3A_593 = vector.shape_cast %broadcast_in_dim3A_48 : vector<16xf32> to vector<1x16xf32>
    tpu.vector_store %arg6[%swap3A_589, %swap3A_590], %swap3A_593 {strides = array<i32>} : memref<128x16xf32, #tpu.memory_space<vmem>>, vector<1x16xf32>,
    %swap3A_594 = arith.constant 91 : i32
    %swap3A_595 = arith.index_cast %swap3A_594 : i32 to index
    %swap3A_596 = arith.constant 0 : index
    %swap3A_597 = tpu.vector_load %arg6[%swap3A_595, %swap3A_596] {strides = array<i32>} : memref<128x16xf32, #tpu.memory_space<vmem>>, vector<1x16xf32>,
    %swap3A_598 = vector.shape_cast %swap3A_597 : vector<1x16xf32> to vector<16xf32>
    %swap3A_599 = vector.shape_cast %broadcast_in_dim3A_48 : vector<16xf32> to vector<1x16xf32>
    tpu.vector_store %arg6[%swap3A_595, %swap3A_596], %swap3A_599 {strides = array<i32>} : memref<128x16xf32, #tpu.memory_space<vmem>>, vector<1x16xf32>,
    %swap3A_600 = arith.constant 92 : i32
    %swap3A_601 = arith.index_cast %swap3A_600 : i32 to index
    %swap3A_602 = arith.constant 0 : index
    %swap3A_603 = tpu.vector_load %arg6[%swap3A_601, %swap3A_602] {strides = array<i32>} : memref<128x16xf32, #tpu.memory_space<vmem>>, vector<1x16xf32>,
    %swap3A_604 = vector.shape_cast %swap3A_603 : vector<1x16xf32> to vector<16xf32>
    %swap3A_605 = vector.shape_cast %broadcast_in_dim3A_48 : vector<16xf32> to vector<1x16xf32>
    tpu.vector_store %arg6[%swap3A_601, %swap3A_602], %swap3A_605 {strides = array<i32>} : memref<128x16xf32, #tpu.memory_space<vmem>>, vector<1x16xf32>,
    %swap3A_606 = arith.constant 93 : i32
    %swap3A_607 = arith.index_cast %swap3A_606 : i32 to index
    %swap3A_608 = arith.constant 0 : index
    %swap3A_609 = tpu.vector_load %arg6[%swap3A_607, %swap3A_608] {strides = array<i32>} : memref<128x16xf32, #tpu.memory_space<vmem>>, vector<1x16xf32>,
    %swap3A_610 = vector.shape_cast %swap3A_609 : vector<1x16xf32> to vector<16xf32>
    %swap3A_611 = vector.shape_cast %broadcast_in_dim3A_48 : vector<16xf32> to vector<1x16xf32>
    tpu.vector_store %arg6[%swap3A_607, %swap3A_608], %swap3A_611 {strides = array<i32>} : memref<128x16xf32, #tpu.memory_space<vmem>>, vector<1x16xf32>,
    %swap3A_612 = arith.constant 94 : i32
    %swap3A_613 = arith.index_cast %swap3A_612 : i32 to index
    %swap3A_614 = arith.constant 0 : index
    %swap3A_615 = tpu.vector_load %arg6[%swap3A_613, %swap3A_614] {strides = array<i32>} : memref<128x16xf32, #tpu.memory_space<vmem>>, vector<1x16xf32>,
    %swap3A_616 = vector.shape_cast %swap3A_615 : vector<1x16xf32> to vector<16xf32>
    %swap3A_617 = vector.shape_cast %broadcast_in_dim3A_48 : vector<16xf32> to vector<1x16xf32>
    tpu.vector_store %arg6[%swap3A_613, %swap3A_614], %swap3A_617 {strides = array<i32>} : memref<128x16xf32, #tpu.memory_space<vmem>>, vector<1x16xf32>,
    %swap3A_618 = arith.constant 95 : i32
    %swap3A_619 = arith.index_cast %swap3A_618 : i32 to index
    %swap3A_620 = arith.constant 0 : index
    %swap3A_621 = tpu.vector_load %arg6[%swap3A_619, %swap3A_620] {strides = array<i32>} : memref<128x16xf32, #tpu.memory_space<vmem>>, vector<1x16xf32>,
    %swap3A_622 = vector.shape_cast %swap3A_621 : vector<1x16xf32> to vector<16xf32>
    %swap3A_623 = vector.shape_cast %broadcast_in_dim3A_48 : vector<16xf32> to vector<1x16xf32>
    tpu.vector_store %arg6[%swap3A_619, %swap3A_620], %swap3A_623 {strides = array<i32>} : memref<128x16xf32, #tpu.memory_space<vmem>>, vector<1x16xf32>,
    %swap3A_624 = arith.constant 96 : i32
    %swap3A_625 = arith.index_cast %swap3A_624 : i32 to index
    %swap3A_626 = arith.constant 0 : index
    %swap3A_627 = tpu.vector_load %arg6[%swap3A_625, %swap3A_626] {strides = array<i32>} : memref<128x16xf32, #tpu.memory_space<vmem>>, vector<1x16xf32>,
    %swap3A_628 = vector.shape_cast %swap3A_627 : vector<1x16xf32> to vector<16xf32>
    %swap3A_629 = vector.shape_cast %broadcast_in_dim3A_48 : vector<16xf32> to vector<1x16xf32>
    tpu.vector_store %arg6[%swap3A_625, %swap3A_626], %swap3A_629 {strides = array<i32>} : memref<128x16xf32, #tpu.memory_space<vmem>>, vector<1x16xf32>,
    %swap3A_630 = arith.constant 97 : i32
    %swap3A_631 = arith.index_cast %swap3A_630 : i32 to index
    %swap3A_632 = arith.constant 0 : index
    %swap3A_633 = tpu.vector_load %arg6[%swap3A_631, %swap3A_632] {strides = array<i32>} : memref<128x16xf32, #tpu.memory_space<vmem>>, vector<1x16xf32>,
    %swap3A_634 = vector.shape_cast %swap3A_633 : vector<1x16xf32> to vector<16xf32>
    %swap3A_635 = vector.shape_cast %broadcast_in_dim3A_48 : vector<16xf32> to vector<1x16xf32>
    tpu.vector_store %arg6[%swap3A_631, %swap3A_632], %swap3A_635 {strides = array<i32>} : memref<128x16xf32, #tpu.memory_space<vmem>>, vector<1x16xf32>,
    %swap3A_636 = arith.constant 98 : i32
    %swap3A_637 = arith.index_cast %swap3A_636 : i32 to index
    %swap3A_638 = arith.constant 0 : index
    %swap3A_639 = tpu.vector_load %arg6[%swap3A_637, %swap3A_638] {strides = array<i32>} : memref<128x16xf32, #tpu.memory_space<vmem>>, vector<1x16xf32>,
    %swap3A_640 = vector.shape_cast %swap3A_639 : vector<1x16xf32> to vector<16xf32>
    %swap3A_641 = vector.shape_cast %broadcast_in_dim3A_48 : vector<16xf32> to vector<1x16xf32>
    tpu.vector_store %arg6[%swap3A_637, %swap3A_638], %swap3A_641 {strides = array<i32>} : memref<128x16xf32, #tpu.memory_space<vmem>>, vector<1x16xf32>,
    %swap3A_642 = arith.constant 99 : i32
    %swap3A_643 = arith.index_cast %swap3A_642 : i32 to index
    %swap3A_644 = arith.constant 0 : index
    %swap3A_645 = tpu.vector_load %arg6[%swap3A_643, %swap3A_644] {strides = array<i32>} : memref<128x16xf32, #tpu.memory_space<vmem>>, vector<1x16xf32>,
    %swap3A_646 = vector.shape_cast %swap3A_645 : vector<1x16xf32> to vector<16xf32>
    %swap3A_647 = vector.shape_cast %broadcast_in_dim3A_48 : vector<16xf32> to vector<1x16xf32>
    tpu.vector_store %arg6[%swap3A_643, %swap3A_644], %swap3A_647 {strides = array<i32>} : memref<128x16xf32, #tpu.memory_space<vmem>>, vector<1x16xf32>,
    %swap3A_648 = arith.constant 100 : i32
    %swap3A_649 = arith.index_cast %swap3A_648 : i32 to index
    %swap3A_650 = arith.constant 0 : index
    %swap3A_651 = tpu.vector_load %arg6[%swap3A_649, %swap3A_650] {strides = array<i32>} : memref<128x16xf32, #tpu.memory_space<vmem>>, vector<1x16xf32>,
    %swap3A_652 = vector.shape_cast %swap3A_651 : vector<1x16xf32> to vector<16xf32>
    %swap3A_653 = vector.shape_cast %broadcast_in_dim3A_48 : vector<16xf32> to vector<1x16xf32>
    tpu.vector_store %arg6[%swap3A_649, %swap3A_650], %swap3A_653 {strides = array<i32>} : memref<128x16xf32, #tpu.memory_space<vmem>>, vector<1x16xf32>,
    %swap3A_654 = arith.constant 101 : i32
    %swap3A_655 = arith.index_cast %swap3A_654 : i32 to index
    %swap3A_656 = arith.constant 0 : index
    %swap3A_657 = tpu.vector_load %arg6[%swap3A_655, %swap3A_656] {strides = array<i32>} : memref<128x16xf32, #tpu.memory_space<vmem>>, vector<1x16xf32>,
    %swap3A_658 = vector.shape_cast %swap3A_657 : vector<1x16xf32> to vector<16xf32>
    %swap3A_659 = vector.shape_cast %broadcast_in_dim3A_48 : vector<16xf32> to vector<1x16xf32>
    tpu.vector_store %arg6[%swap3A_655, %swap3A_656], %swap3A_659 {strides = array<i32>} : memref<128x16xf32, #tpu.memory_space<vmem>>, vector<1x16xf32>,
    %swap3A_660 = arith.constant 102 : i32
    %swap3A_661 = arith.index_cast %swap3A_660 : i32 to index
    %swap3A_662 = arith.constant 0 : index
    %swap3A_663 = tpu.vector_load %arg6[%swap3A_661, %swap3A_662] {strides = array<i32>} : memref<128x16xf32, #tpu.memory_space<vmem>>, vector<1x16xf32>,
    %swap3A_664 = vector.shape_cast %swap3A_663 : vector<1x16xf32> to vector<16xf32>
    %swap3A_665 = vector.shape_cast %broadcast_in_dim3A_48 : vector<16xf32> to vector<1x16xf32>
    tpu.vector_store %arg6[%swap3A_661, %swap3A_662], %swap3A_665 {strides = array<i32>} : memref<128x16xf32, #tpu.memory_space<vmem>>, vector<1x16xf32>,
    %swap3A_666 = arith.constant 103 : i32
    %swap3A_667 = arith.index_cast %swap3A_666 : i32 to index
    %swap3A_668 = arith.constant 0 : index
    %swap3A_669 = tpu.vector_load %arg6[%swap3A_667, %swap3A_668] {strides = array<i32>} : memref<128x16xf32, #tpu.memory_space<vmem>>, vector<1x16xf32>,
    %swap3A_670 = vector.shape_cast %swap3A_669 : vector<1x16xf32> to vector<16xf32>
    %swap3A_671 = vector.shape_cast %broadcast_in_dim3A_48 : vector<16xf32> to vector<1x16xf32>
    tpu.vector_store %arg6[%swap3A_667, %swap3A_668], %swap3A_671 {strides = array<i32>} : memref<128x16xf32, #tpu.memory_space<vmem>>, vector<1x16xf32>,
    %swap3A_672 = arith.constant 104 : i32
    %swap3A_673 = arith.index_cast %swap3A_672 : i32 to index
    %swap3A_674 = arith.constant 0 : index
    %swap3A_675 = tpu.vector_load %arg6[%swap3A_673, %swap3A_674] {strides = array<i32>} : memref<128x16xf32, #tpu.memory_space<vmem>>, vector<1x16xf32>,
    %swap3A_676 = vector.shape_cast %swap3A_675 : vector<1x16xf32> to vector<16xf32>
    %swap3A_677 = vector.shape_cast %broadcast_in_dim3A_48 : vector<16xf32> to vector<1x16xf32>
    tpu.vector_store %arg6[%swap3A_673, %swap3A_674], %swap3A_677 {strides = array<i32>} : memref<128x16xf32, #tpu.memory_space<vmem>>, vector<1x16xf32>,
    %swap3A_678 = arith.constant 105 : i32
    %swap3A_679 = arith.index_cast %swap3A_678 : i32 to index
    %swap3A_680 = arith.constant 0 : index
    %swap3A_681 = tpu.vector_load %arg6[%swap3A_679, %swap3A_680] {strides = array<i32>} : memref<128x16xf32, #tpu.memory_space<vmem>>, vector<1x16xf32>,
    %swap3A_682 = vector.shape_cast %swap3A_681 : vector<1x16xf32> to vector<16xf32>
    %swap3A_683 = vector.shape_cast %broadcast_in_dim3A_48 : vector<16xf32> to vector<1x16xf32>
    tpu.vector_store %arg6[%swap3A_679, %swap3A_680], %swap3A_683 {strides = array<i32>} : memref<128x16xf32, #tpu.memory_space<vmem>>, vector<1x16xf32>,
    %swap3A_684 = arith.constant 106 : i32
    %swap3A_685 = arith.index_cast %swap3A_684 : i32 to index
    %swap3A_686 = arith.constant 0 : index
    %swap3A_687 = tpu.vector_load %arg6[%swap3A_685, %swap3A_686] {strides = array<i32>} : memref<128x16xf32, #tpu.memory_space<vmem>>, vector<1x16xf32>,
    %swap3A_688 = vector.shape_cast %swap3A_687 : vector<1x16xf32> to vector<16xf32>
    %swap3A_689 = vector.shape_cast %broadcast_in_dim3A_48 : vector<16xf32> to vector<1x16xf32>
    tpu.vector_store %arg6[%swap3A_685, %swap3A_686], %swap3A_689 {strides = array<i32>} : memref<128x16xf32, #tpu.memory_space<vmem>>, vector<1x16xf32>,
    %swap3A_690 = arith.constant 107 : i32
    %swap3A_691 = arith.index_cast %swap3A_690 : i32 to index
    %swap3A_692 = arith.constant 0 : index
    %swap3A_693 = tpu.vector_load %arg6[%swap3A_691, %swap3A_692] {strides = array<i32>} : memref<128x16xf32, #tpu.memory_space<vmem>>, vector<1x16xf32>,
    %swap3A_694 = vector.shape_cast %swap3A_693 : vector<1x16xf32> to vector<16xf32>
    %swap3A_695 = vector.shape_cast %broadcast_in_dim3A_48 : vector<16xf32> to vector<1x16xf32>
    tpu.vector_store %arg6[%swap3A_691, %swap3A_692], %swap3A_695 {strides = array<i32>} : memref<128x16xf32, #tpu.memory_space<vmem>>, vector<1x16xf32>,
    %swap3A_696 = arith.constant 108 : i32
    %swap3A_697 = arith.index_cast %swap3A_696 : i32 to index
    %swap3A_698 = arith.constant 0 : index
    %swap3A_699 = tpu.vector_load %arg6[%swap3A_697, %swap3A_698] {strides = array<i32>} : memref<128x16xf32, #tpu.memory_space<vmem>>, vector<1x16xf32>,
    %swap3A_700 = vector.shape_cast %swap3A_699 : vector<1x16xf32> to vector<16xf32>
    %swap3A_701 = vector.shape_cast %broadcast_in_dim3A_48 : vector<16xf32> to vector<1x16xf32>
    tpu.vector_store %arg6[%swap3A_697, %swap3A_698], %swap3A_701 {strides = array<i32>} : memref<128x16xf32, #tpu.memory_space<vmem>>, vector<1x16xf32>,
    %swap3A_702 = arith.constant 109 : i32
    %swap3A_703 = arith.index_cast %swap3A_702 : i32 to index
    %swap3A_704 = arith.constant 0 : index
    %swap3A_705 = tpu.vector_load %arg6[%swap3A_703, %swap3A_704] {strides = array<i32>} : memref<128x16xf32, #tpu.memory_space<vmem>>, vector<1x16xf32>,
    %swap3A_706 = vector.shape_cast %swap3A_705 : vector<1x16xf32> to vector<16xf32>
    %swap3A_707 = vector.shape_cast %broadcast_in_dim3A_48 : vector<16xf32> to vector<1x16xf32>
    tpu.vector_store %arg6[%swap3A_703, %swap3A_704], %swap3A_707 {strides = array<i32>} : memref<128x16xf32, #tpu.memory_space<vmem>>, vector<1x16xf32>,
    %swap3A_708 = arith.constant 110 : i32
    %swap3A_709 = arith.index_cast %swap3A_708 : i32 to index
    %swap3A_710 = arith.constant 0 : index
    %swap3A_711 = tpu.vector_load %arg6[%swap3A_709, %swap3A_710] {strides = array<i32>} : memref<128x16xf32, #tpu.memory_space<vmem>>, vector<1x16xf32>,
    %swap3A_712 = vector.shape_cast %swap3A_711 : vector<1x16xf32> to vector<16xf32>
    %swap3A_713 = vector.shape_cast %broadcast_in_dim3A_48 : vector<16xf32> to vector<1x16xf32>
    tpu.vector_store %arg6[%swap3A_709, %swap3A_710], %swap3A_713 {strides = array<i32>} : memref<128x16xf32, #tpu.memory_space<vmem>>, vector<1x16xf32>,
    %swap3A_714 = arith.constant 111 : i32
    %swap3A_715 = arith.index_cast %swap3A_714 : i32 to index
    %swap3A_716 = arith.constant 0 : index
    %swap3A_717 = tpu.vector_load %arg6[%swap3A_715, %swap3A_716] {strides = array<i32>} : memref<128x16xf32, #tpu.memory_space<vmem>>, vector<1x16xf32>,
    %swap3A_718 = vector.shape_cast %swap3A_717 : vector<1x16xf32> to vector<16xf32>
    %swap3A_719 = vector.shape_cast %broadcast_in_dim3A_48 : vector<16xf32> to vector<1x16xf32>
    tpu.vector_store %arg6[%swap3A_715, %swap3A_716], %swap3A_719 {strides = array<i32>} : memref<128x16xf32, #tpu.memory_space<vmem>>, vector<1x16xf32>,
    %swap3A_720 = arith.constant 112 : i32
    %swap3A_721 = arith.index_cast %swap3A_720 : i32 to index
    %swap3A_722 = arith.constant 0 : index
    %swap3A_723 = tpu.vector_load %arg6[%swap3A_721, %swap3A_722] {strides = array<i32>} : memref<128x16xf32, #tpu.memory_space<vmem>>, vector<1x16xf32>,
    %swap3A_724 = vector.shape_cast %swap3A_723 : vector<1x16xf32> to vector<16xf32>
    %swap3A_725 = vector.shape_cast %broadcast_in_dim3A_48 : vector<16xf32> to vector<1x16xf32>
    tpu.vector_store %arg6[%swap3A_721, %swap3A_722], %swap3A_725 {strides = array<i32>} : memref<128x16xf32, #tpu.memory_space<vmem>>, vector<1x16xf32>,
    %swap3A_726 = arith.constant 113 : i32
    %swap3A_727 = arith.index_cast %swap3A_726 : i32 to index
    %swap3A_728 = arith.constant 0 : index
    %swap3A_729 = tpu.vector_load %arg6[%swap3A_727, %swap3A_728] {strides = array<i32>} : memref<128x16xf32, #tpu.memory_space<vmem>>, vector<1x16xf32>,
    %swap3A_730 = vector.shape_cast %swap3A_729 : vector<1x16xf32> to vector<16xf32>
    %swap3A_731 = vector.shape_cast %broadcast_in_dim3A_48 : vector<16xf32> to vector<1x16xf32>
    tpu.vector_store %arg6[%swap3A_727, %swap3A_728], %swap3A_731 {strides = array<i32>} : memref<128x16xf32, #tpu.memory_space<vmem>>, vector<1x16xf32>,
    %swap3A_732 = arith.constant 114 : i32
    %swap3A_733 = arith.index_cast %swap3A_732 : i32 to index
    %swap3A_734 = arith.constant 0 : index
    %swap3A_735 = tpu.vector_load %arg6[%swap3A_733, %swap3A_734] {strides = array<i32>} : memref<128x16xf32, #tpu.memory_space<vmem>>, vector<1x16xf32>,
    %swap3A_736 = vector.shape_cast %swap3A_735 : vector<1x16xf32> to vector<16xf32>
    %swap3A_737 = vector.shape_cast %broadcast_in_dim3A_48 : vector<16xf32> to vector<1x16xf32>
    tpu.vector_store %arg6[%swap3A_733, %swap3A_734], %swap3A_737 {strides = array<i32>} : memref<128x16xf32, #tpu.memory_space<vmem>>, vector<1x16xf32>,
    %swap3A_738 = arith.constant 115 : i32
    %swap3A_739 = arith.index_cast %swap3A_738 : i32 to index
    %swap3A_740 = arith.constant 0 : index
    %swap3A_741 = tpu.vector_load %arg6[%swap3A_739, %swap3A_740] {strides = array<i32>} : memref<128x16xf32, #tpu.memory_space<vmem>>, vector<1x16xf32>,
    %swap3A_742 = vector.shape_cast %swap3A_741 : vector<1x16xf32> to vector<16xf32>
    %swap3A_743 = vector.shape_cast %broadcast_in_dim3A_48 : vector<16xf32> to vector<1x16xf32>
    tpu.vector_store %arg6[%swap3A_739, %swap3A_740], %swap3A_743 {strides = array<i32>} : memref<128x16xf32, #tpu.memory_space<vmem>>, vector<1x16xf32>,
    %swap3A_744 = arith.constant 116 : i32
    %swap3A_745 = arith.index_cast %swap3A_744 : i32 to index
    %swap3A_746 = arith.constant 0 : index
    %swap3A_747 = tpu.vector_load %arg6[%swap3A_745, %swap3A_746] {strides = array<i32>} : memref<128x16xf32, #tpu.memory_space<vmem>>, vector<1x16xf32>,
    %swap3A_748 = vector.shape_cast %swap3A_747 : vector<1x16xf32> to vector<16xf32>
    %swap3A_749 = vector.shape_cast %broadcast_in_dim3A_48 : vector<16xf32> to vector<1x16xf32>
    tpu.vector_store %arg6[%swap3A_745, %swap3A_746], %swap3A_749 {strides = array<i32>} : memref<128x16xf32, #tpu.memory_space<vmem>>, vector<1x16xf32>,
    %swap3A_750 = arith.constant 117 : i32
    %swap3A_751 = arith.index_cast %swap3A_750 : i32 to index
    %swap3A_752 = arith.constant 0 : index
    %swap3A_753 = tpu.vector_load %arg6[%swap3A_751, %swap3A_752] {strides = array<i32>} : memref<128x16xf32, #tpu.memory_space<vmem>>, vector<1x16xf32>,
    %swap3A_754 = vector.shape_cast %swap3A_753 : vector<1x16xf32> to vector<16xf32>
    %swap3A_755 = vector.shape_cast %broadcast_in_dim3A_48 : vector<16xf32> to vector<1x16xf32>
    tpu.vector_store %arg6[%swap3A_751, %swap3A_752], %swap3A_755 {strides = array<i32>} : memref<128x16xf32, #tpu.memory_space<vmem>>, vector<1x16xf32>,
    %swap3A_756 = arith.constant 118 : i32
    %swap3A_757 = arith.index_cast %swap3A_756 : i32 to index
    %swap3A_758 = arith.constant 0 : index
    %swap3A_759 = tpu.vector_load %arg6[%swap3A_757, %swap3A_758] {strides = array<i32>} : memref<128x16xf32, #tpu.memory_space<vmem>>, vector<1x16xf32>,
    %swap3A_760 = vector.shape_cast %swap3A_759 : vector<1x16xf32> to vector<16xf32>
    %swap3A_761 = vector.shape_cast %broadcast_in_dim3A_48 : vector<16xf32> to vector<1x16xf32>
    tpu.vector_store %arg6[%swap3A_757, %swap3A_758], %swap3A_761 {strides = array<i32>} : memref<128x16xf32, #tpu.memory_space<vmem>>, vector<1x16xf32>,
    %swap3A_762 = arith.constant 119 : i32
    %swap3A_763 = arith.index_cast %swap3A_762 : i32 to index
    %swap3A_764 = arith.constant 0 : index
    %swap3A_765 = tpu.vector_load %arg6[%swap3A_763, %swap3A_764] {strides = array<i32>} : memref<128x16xf32, #tpu.memory_space<vmem>>, vector<1x16xf32>,
    %swap3A_766 = vector.shape_cast %swap3A_765 : vector<1x16xf32> to vector<16xf32>
    %swap3A_767 = vector.shape_cast %broadcast_in_dim3A_48 : vector<16xf32> to vector<1x16xf32>
    tpu.vector_store %arg6[%swap3A_763, %swap3A_764], %swap3A_767 {strides = array<i32>} : memref<128x16xf32, #tpu.memory_space<vmem>>, vector<1x16xf32>,
    %swap3A_768 = arith.constant 120 : i32
    %swap3A_769 = arith.index_cast %swap3A_768 : i32 to index
    %swap3A_770 = arith.constant 0 : index
    %swap3A_771 = tpu.vector_load %arg6[%swap3A_769, %swap3A_770] {strides = array<i32>} : memref<128x16xf32, #tpu.memory_space<vmem>>, vector<1x16xf32>,
    %swap3A_772 = vector.shape_cast %swap3A_771 : vector<1x16xf32> to vector<16xf32>
    %swap3A_773 = vector.shape_cast %broadcast_in_dim3A_48 : vector<16xf32> to vector<1x16xf32>
    tpu.vector_store %arg6[%swap3A_769, %swap3A_770], %swap3A_773 {strides = array<i32>} : memref<128x16xf32, #tpu.memory_space<vmem>>, vector<1x16xf32>,
    %swap3A_774 = arith.constant 121 : i32
    %swap3A_775 = arith.index_cast %swap3A_774 : i32 to index
    %swap3A_776 = arith.constant 0 : index
    %swap3A_777 = tpu.vector_load %arg6[%swap3A_775, %swap3A_776] {strides = array<i32>} : memref<128x16xf32, #tpu.memory_space<vmem>>, vector<1x16xf32>,
    %swap3A_778 = vector.shape_cast %swap3A_777 : vector<1x16xf32> to vector<16xf32>
    %swap3A_779 = vector.shape_cast %broadcast_in_dim3A_48 : vector<16xf32> to vector<1x16xf32>
    tpu.vector_store %arg6[%swap3A_775, %swap3A_776], %swap3A_779 {strides = array<i32>} : memref<128x16xf32, #tpu.memory_space<vmem>>, vector<1x16xf32>,
    %swap3A_780 = arith.constant 122 : i32
    %swap3A_781 = arith.index_cast %swap3A_780 : i32 to index
    %swap3A_782 = arith.constant 0 : index
    %swap3A_783 = tpu.vector_load %arg6[%swap3A_781, %swap3A_782] {strides = array<i32>} : memref<128x16xf32, #tpu.memory_space<vmem>>, vector<1x16xf32>,
    %swap3A_784 = vector.shape_cast %swap3A_783 : vector<1x16xf32> to vector<16xf32>
    %swap3A_785 = vector.shape_cast %broadcast_in_dim3A_48 : vector<16xf32> to vector<1x16xf32>
    tpu.vector_store %arg6[%swap3A_781, %swap3A_782], %swap3A_785 {strides = array<i32>} : memref<128x16xf32, #tpu.memory_space<vmem>>, vector<1x16xf32>,
    %swap3A_786 = arith.constant 123 : i32
    %swap3A_787 = arith.index_cast %swap3A_786 : i32 to index
    %swap3A_788 = arith.constant 0 : index
    %swap3A_789 = tpu.vector_load %arg6[%swap3A_787, %swap3A_788] {strides = array<i32>} : memref<128x16xf32, #tpu.memory_space<vmem>>, vector<1x16xf32>,
    %swap3A_790 = vector.shape_cast %swap3A_789 : vector<1x16xf32> to vector<16xf32>
    %swap3A_791 = vector.shape_cast %broadcast_in_dim3A_48 : vector<16xf32> to vector<1x16xf32>
    tpu.vector_store %arg6[%swap3A_787, %swap3A_788], %swap3A_791 {strides = array<i32>} : memref<128x16xf32, #tpu.memory_space<vmem>>, vector<1x16xf32>,
    %swap3A_792 = arith.constant 124 : i32
    %swap3A_793 = arith.index_cast %swap3A_792 : i32 to index
    %swap3A_794 = arith.constant 0 : index
    %swap3A_795 = tpu.vector_load %arg6[%swap3A_793, %swap3A_794] {strides = array<i32>} : memref<128x16xf32, #tpu.memory_space<vmem>>, vector<1x16xf32>,
    %swap3A_796 = vector.shape_cast %swap3A_795 : vector<1x16xf32> to vector<16xf32>
    %swap3A_797 = vector.shape_cast %broadcast_in_dim3A_48 : vector<16xf32> to vector<1x16xf32>
    tpu.vector_store %arg6[%swap3A_793, %swap3A_794], %swap3A_797 {strides = array<i32>} : memref<128x16xf32, #tpu.memory_space<vmem>>, vector<1x16xf32>,
    %swap3A_798 = arith.constant 125 : i32
    %swap3A_799 = arith.index_cast %swap3A_798 : i32 to index
    %swap3A_800 = arith.constant 0 : index
    %swap3A_801 = tpu.vector_load %arg6[%swap3A_799, %swap3A_800] {strides = array<i32>} : memref<128x16xf32, #tpu.memory_space<vmem>>, vector<1x16xf32>,
    %swap3A_802 = vector.shape_cast %swap3A_801 : vector<1x16xf32> to vector<16xf32>
    %swap3A_803 = vector.shape_cast %broadcast_in_dim3A_48 : vector<16xf32> to vector<1x16xf32>
    tpu.vector_store %arg6[%swap3A_799, %swap3A_800], %swap3A_803 {strides = array<i32>} : memref<128x16xf32, #tpu.memory_space<vmem>>, vector<1x16xf32>,
    %swap3A_804 = arith.constant 126 : i32
    %swap3A_805 = arith.index_cast %swap3A_804 : i32 to index
    %swap3A_806 = arith.constant 0 : index
    %swap3A_807 = tpu.vector_load %arg6[%swap3A_805, %swap3A_806] {strides = array<i32>} : memref<128x16xf32, #tpu.memory_space<vmem>>, vector<1x16xf32>,
    %swap3A_808 = vector.shape_cast %swap3A_807 : vector<1x16xf32> to vector<16xf32>
    %swap3A_809 = vector.shape_cast %broadcast_in_dim3A_48 : vector<16xf32> to vector<1x16xf32>
    tpu.vector_store %arg6[%swap3A_805, %swap3A_806], %swap3A_809 {strides = array<i32>} : memref<128x16xf32, #tpu.memory_space<vmem>>, vector<1x16xf32>,
    %swap3A_810 = arith.constant 127 : i32
    %swap3A_811 = arith.index_cast %swap3A_810 : i32 to index
    %swap3A_812 = arith.constant 0 : index
    %swap3A_813 = tpu.vector_load %arg6[%swap3A_811, %swap3A_812] {strides = array<i32>} : memref<128x16xf32, #tpu.memory_space<vmem>>, vector<1x16xf32>,
    %swap3A_814 = vector.shape_cast %swap3A_813 : vector<1x16xf32> to vector<16xf32>
    %swap3A_815 = vector.shape_cast %broadcast_in_dim3A_48 : vector<16xf32> to vector<1x16xf32>
    tpu.vector_store %arg6[%swap3A_811, %swap3A_812], %swap3A_815 {strides = array<i32>} : memref<128x16xf32, #tpu.memory_space<vmem>>, vector<1x16xf32>,
    %barrier3A = arith.constant 0 : index
    tpu.barrier barrier_id(%barrier3A)
    %mul3A_816 = arith.constant 40 : i32
    %mul3A_817 = arith.muli %add3A, %mul3A_816 : i32
    %scan3A_818 = arith.constant 0 : i32
    %scan3A_819 = arith.constant 0 : i32
    %scan3A_820 = arith.constant 40 : i32
    %scan3A_821 = arith.addi %scan3A_819, %scan3A_820 : i32
    %scan3A_822 = arith.constant 1 : i32
    scf.for %scan3A_827 = %scan3A_819 to %scan3A_821 step %scan3A_822  : i32 {
      %add3A_828 = arith.addi %mul3A_817, %scan3A_827 : i32
      "tpu.region"() ({
        %run_scoped3A = tpu.sem_alloc : memref<!tpu.dma_semaphore, #tpu.memory_space<semaphore_mem>>
        %dma_start3A = arith.constant 0 : i32
        %dma_start3A_829 = tpu.memref_slice %arg2[%add3A_828, %dma_start3A] : memref<1282x128xi32, #tpu.memory_space<hbm>> -> memref<1x128xi32, #tpu.memory_space<hbm>>
        %dma_start3A_830 = tpu.memref_squeeze %dma_start3A_829 : memref<1x128xi32, #tpu.memory_space<hbm>> -> memref<128xi32, #tpu.memory_space<hbm>>
        %dma_start3A_831 = arith.constant 0 : i32
        %dma_start3A_832 = tpu.memref_slice %arg2[%add3A_828, %dma_start3A_831] : memref<1282x128xi32, #tpu.memory_space<hbm>> -> memref<1x128xi32, #tpu.memory_space<hbm>>
        %dma_start3A_833 = tpu.memref_squeeze %dma_start3A_832 : memref<1x128xi32, #tpu.memory_space<hbm>> -> memref<128xi32, #tpu.memory_space<hbm>>
        tpu.enqueue_dma source(%dma_start3A_833 : memref<128xi32, #tpu.memory_space<hbm>>) target(%arg7 : memref<128xi32, #tpu.memory_space<vmem>>) target_semaphore(%run_scoped3A : memref<!tpu.dma_semaphore, #tpu.memory_space<semaphore_mem>>)
        %dma_wait3A = arith.constant 0 : i32
        %dma_wait3A_834 = tpu.memref_slice %arg2[%add3A_828, %dma_wait3A] : memref<1282x128xi32, #tpu.memory_space<hbm>> -> memref<1x128xi32, #tpu.memory_space<hbm>>
        %dma_wait3A_835 = tpu.memref_squeeze %dma_wait3A_834 : memref<1x128xi32, #tpu.memory_space<hbm>> -> memref<128xi32, #tpu.memory_space<hbm>>
        %dma_wait3A_836 = arith.constant 0 : i32
        %dma_wait3A_837 = tpu.memref_slice %arg2[%add3A_828, %dma_wait3A_836] : memref<1282x128xi32, #tpu.memory_space<hbm>> -> memref<1x128xi32, #tpu.memory_space<hbm>>
        %dma_wait3A_838 = tpu.memref_squeeze %dma_wait3A_837 : memref<1x128xi32, #tpu.memory_space<hbm>> -> memref<128xi32, #tpu.memory_space<hbm>>
        tpu.wait_dma2 semaphore(%run_scoped3A : memref<!tpu.dma_semaphore, #tpu.memory_space<semaphore_mem>>) src(%dma_wait3A_838 : memref<128xi32, #tpu.memory_space<hbm>>) dst(%arg7 : memref<128xi32, #tpu.memory_space<vmem>>)
        tpu.yield
      }) : () -> ()
      "tpu.region"() ({
        %run_scoped3A = tpu.sem_alloc : memref<!tpu.dma_semaphore, #tpu.memory_space<semaphore_mem>>
        %dma_start3A = arith.constant 0 : i32
        %dma_start3A_829 = arith.constant 0 : i32
        %dma_start3A_830 = tpu.memref_slice %arg4[%dma_start3A, %dma_start3A_829] : memref<10240x16xf32, #tpu.memory_space<vmem_shared>> -> memref<10240x16xf32, #tpu.memory_space<vmem_shared>>
        tpu.enqueue_indirect_dma source(%arg6 : memref<128x16xf32, #tpu.memory_space<vmem>>) target(%dma_start3A_830 : memref<10240x16xf32, #tpu.memory_space<vmem_shared>>) offsets(%arg7 : memref<128xi32, #tpu.memory_space<vmem>>) semaphore(%run_scoped3A : memref<!tpu.dma_semaphore, #tpu.memory_space<semaphore_mem>>) {add = true}
        %dma_wait3A = arith.constant 0 : i32
        %dma_wait3A_831 = arith.constant 0 : i32
        %dma_wait3A_832 = tpu.memref_slice %arg4[%dma_wait3A, %dma_wait3A_831] : memref<10240x16xf32, #tpu.memory_space<vmem_shared>> -> memref<10240x16xf32, #tpu.memory_space<vmem_shared>>
        tpu.wait_indirect_dma semaphore(%run_scoped3A : memref<!tpu.dma_semaphore, #tpu.memory_space<semaphore_mem>>) src(%arg6 : memref<128x16xf32, #tpu.memory_space<vmem>>) dst(%dma_wait3A_832 : memref<10240x16xf32, #tpu.memory_space<vmem_shared>>)
        tpu.yield
      }) : () -> ()
    }
    %scan3A_823 = arith.constant 40 : i32
    %barrier3A_824 = arith.constant 0 : index
    tpu.barrier barrier_id(%barrier3A_824)
    %mul3A_825 = arith.constant 640 : i32
    %mul3A_826 = arith.muli %arg1, %mul3A_825 : i32
    "tpu.region"() ({
      %run_scoped3A = tpu.sem_alloc : memref<!tpu.dma_semaphore, #tpu.memory_space<semaphore_mem>>
      %dma_start3A = arith.constant 0 : i32
      %dma_start3A_827 = tpu.memref_slice %arg3[%arg0, %mul3A_826, %dma_start3A] : memref<2x10240x16xf32, #tpu.memory_space<hbm>> -> memref<1x640x16xf32, #tpu.memory_space<hbm>>
      %dma_start3A_828 = tpu.memref_squeeze %dma_start3A_827 : memref<1x640x16xf32, #tpu.memory_space<hbm>> -> memref<640x16xf32, #tpu.memory_space<hbm>>
      %dma_start3A_829 = arith.constant 0 : i32
      %dma_start3A_830 = tpu.memref_slice %arg4[%mul3A_826, %dma_start3A_829] : memref<10240x16xf32, #tpu.memory_space<vmem_shared>> -> memref<640x16xf32, #tpu.memory_space<vmem_shared>>
      tpu.enqueue_dma source(%dma_start3A_830 : memref<640x16xf32, #tpu.memory_space<vmem_shared>>) target(%dma_start3A_828 : memref<640x16xf32, #tpu.memory_space<hbm>>) target_semaphore(%run_scoped3A : memref<!tpu.dma_semaphore, #tpu.memory_space<semaphore_mem>>)
      %dma_wait3A = arith.constant 0 : i32
      %dma_wait3A_831 = tpu.memref_slice %arg3[%arg0, %mul3A_826, %dma_wait3A] : memref<2x10240x16xf32, #tpu.memory_space<hbm>> -> memref<1x640x16xf32, #tpu.memory_space<hbm>>
      %dma_wait3A_832 = tpu.memref_squeeze %dma_wait3A_831 : memref<1x640x16xf32, #tpu.memory_space<hbm>> -> memref<640x16xf32, #tpu.memory_space<hbm>>
      %dma_wait3A_833 = arith.constant 0 : i32
      %dma_wait3A_834 = tpu.memref_slice %arg4[%mul3A_826, %dma_wait3A_833] : memref<10240x16xf32, #tpu.memory_space<vmem_shared>> -> memref<640x16xf32, #tpu.memory_space<vmem_shared>>
      tpu.wait_dma2 semaphore(%run_scoped3A : memref<!tpu.dma_semaphore, #tpu.memory_space<semaphore_mem>>) src(%dma_wait3A_834 : memref<640x16xf32, #tpu.memory_space<vmem_shared>>) dst(%dma_wait3A_832 : memref<640x16xf32, #tpu.memory_space<hbm>>)
      tpu.yield
    }) : () -> ()
    return
  }
}

module attributes {stable_mosaic.version = 14 : i64} {
  func.func @_scale_body(%arg0: i32, %arg1: memref<400x256xf32, #tpu.memory_space<vmem>>, %arg2: memref<2x400x16xf32, #tpu.memory_space<vmem>>, %arg3: memref<2x400x128xf32, #tpu.memory_space<vmem>>) attributes {dimension_semantics = [#tpu.dimension_semantics<arbitrary>], iteration_bounds = array<i64: 25>, scalar_prefetch = 0 : i64, scratch_operands = 0 : i64, tpu.core_type = #tpu.core_type<tc>, window_params = [{transform_indices = @transform_0, window_bounds = array<i64: 400, 256>}, {transform_indices = @transform_1, window_bounds = array<i64: 2, 400, 16>}, {transform_indices = @transform_2, window_bounds = array<i64: 2, 400, 128>}]} {
    %get3A = arith.constant 0 : index
    %get3A_0 = arith.constant 0 : index
    %get3A_1 = arith.constant 0 : index
    %get3A_2 = vector.load %arg2[%get3A, %get3A_0, %get3A_1] : memref<2x400x16xf32, #tpu.memory_space<vmem>>, vector<2x400x16xf32>
    %slice3A = vector.extract_strided_slice %get3A_2 {offsets = [0, 0, 0], sizes = [1, 400, 16], strides = [1, 1, 1]} : vector<2x400x16xf32> to vector<1x400x16xf32>
    %squeeze3A = vector.shape_cast %slice3A : vector<1x400x16xf32> to vector<400x16xf32>
    %reduce_sum3A = arith.constant dense<0.000000e+00> : vector<400xf32>
    %reduce_sum3A_3 = vector.multi_reduction <add>, %squeeze3A, %reduce_sum3A [1] : vector<400x16xf32> to vector<400xf32>
    %slice3A_4 = vector.extract_strided_slice %get3A_2 {offsets = [1, 0, 0], sizes = [1, 400, 16], strides = [1, 1, 1]} : vector<2x400x16xf32> to vector<1x400x16xf32>
    %squeeze3A_5 = vector.shape_cast %slice3A_4 : vector<1x400x16xf32> to vector<400x16xf32>
    %reduce_sum3A_6 = arith.constant dense<0.000000e+00> : vector<400xf32>
    %reduce_sum3A_7 = vector.multi_reduction <add>, %squeeze3A_5, %reduce_sum3A_6 [1] : vector<400x16xf32> to vector<400xf32>
    %add3A = arith.addf %reduce_sum3A_3, %reduce_sum3A_7 : vector<400xf32>
    %mul3A = arith.constant 6.250000e-02 : f32
    %mul3A_8 = vector.broadcast %mul3A : f32 to vector<400xf32>
    %mul3A_9 = arith.mulf %add3A, %mul3A_8 : vector<400xf32>
    %eq3A = arith.constant 0.000000e+00 : f32
    %eq3A_10 = vector.broadcast %eq3A : f32 to vector<400xf32>
    %eq3A_11 = arith.cmpf oeq, %mul3A_9, %eq3A_10 : vector<400xf32>
    %rsqrt3A = math.rsqrt %mul3A_9 : vector<400xf32>
    %jit3A = arith.constant 0.000000e+00 : f32
    %broadcast_in_dim3A = vector.broadcast %jit3A : f32 to vector<400xf32>
    %select_n3A = arith.select %eq3A_11, %broadcast_in_dim3A, %rsqrt3A : vector<400xi1>, vector<400xf32>
    %get3A_12 = arith.constant 0 : index
    %get3A_13 = arith.constant 0 : index
    %get3A_14 = vector.load %arg1[%get3A_12, %get3A_13] : memref<400x256xf32, #tpu.memory_space<vmem>>, vector<400x256xf32>
    %broadcast_in_dim3A_15 = vector.shape_cast %select_n3A : vector<400xf32> to vector<400x1xf32>
    %mul3A_16 = vector.broadcast %broadcast_in_dim3A_15 : vector<400x1xf32> to vector<400x256xf32>
    %mul3A_17 = arith.mulf %get3A_14, %mul3A_16 : vector<400x256xf32>
    %slice3A_18 = vector.extract_strided_slice %mul3A_17 {offsets = [0, 0], sizes = [400, 128], strides = [1, 1]} : vector<400x256xf32> to vector<400x128xf32>
    %slice3A_19 = vector.extract_strided_slice %mul3A_17 {offsets = [0, 128], sizes = [400, 128], strides = [1, 1]} : vector<400x256xf32> to vector<400x128xf32>
    %stack3A = vector.shape_cast %slice3A_18 : vector<400x128xf32> to vector<1x400x128xf32>
    %stack3A_20 = vector.shape_cast %slice3A_19 : vector<400x128xf32> to vector<1x400x128xf32>
    %stack3A_21 = tpu.concatenate %stack3A, %stack3A_20 in 0 : vector<1x400x128xf32>, vector<1x400x128xf32> -> vector<2x400x128xf32>
    %swap3A = arith.constant 0 : index
    %swap3A_22 = arith.constant 0 : index
    %swap3A_23 = arith.constant 0 : index
    %swap3A_24 = vector.load %arg3[%swap3A, %swap3A_22, %swap3A_23] : memref<2x400x128xf32, #tpu.memory_space<vmem>>, vector<2x400x128xf32>
    tpu.vector_store %arg3[%swap3A, %swap3A_22, %swap3A_23], %stack3A_21 {strides = array<i32>} : memref<2x400x128xf32, #tpu.memory_space<vmem>>, vector<2x400x128xf32>,
    return
  }
  func.func @transform_0(%arg0: i32) -> (i32, i32) {
    %c0_i32 = arith.constant 0 : i32
    %c0_i32_0 = arith.constant 0 : i32
    return %arg0, %c0_i32 : i32, i32
  }
  func.func @transform_1(%arg0: i32) -> (i32, i32, i32) {
    %c0_i32 = arith.constant 0 : i32
    %c0_i32_0 = arith.constant 0 : i32
    %c0_i32_1 = arith.constant 0 : i32
    return %c0_i32, %arg0, %c0_i32_0 : i32, i32, i32
  }
  func.func @transform_2(%arg0: i32) -> (i32, i32, i32) {
    %c0_i32 = arith.constant 0 : i32
    %c0_i32_0 = arith.constant 0 : i32
    %c0_i32_1 = arith.constant 0 : i32
    return %c0_i32, %arg0, %c0_i32_0 : i32, i32, i32
  }
}

module attributes {stable_mosaic.version = 14 : i64} {
  func.func @_out_body(%arg0: i32, %arg1: memref<2x400x128xf32, #tpu.memory_space<vmem>>, %arg2: memref<2x400x16xf32, #tpu.memory_space<vmem>>, %arg3: memref<256x256xf32, #tpu.memory_space<vmem>>, %arg4: memref<1x256xf32, #tpu.memory_space<vmem>>, %arg5: memref<400x256xf32, #tpu.memory_space<vmem>>) attributes {dimension_semantics = [#tpu.dimension_semantics<arbitrary>], iteration_bounds = array<i64: 25>, scalar_prefetch = 0 : i64, scratch_operands = 0 : i64, tpu.core_type = #tpu.core_type<tc>, window_params = [{transform_indices = @transform_0, window_bounds = array<i64: 2, 400, 128>}, {transform_indices = @transform_1, window_bounds = array<i64: 2, 400, 16>}, {pipeline_mode = #tpu.pipeline_mode<synchronous>, transform_indices = @transform_2, window_bounds = array<i64: 256, 256>}, {pipeline_mode = #tpu.pipeline_mode<synchronous>, transform_indices = @transform_3, window_bounds = array<i64: 1, 256>}, {transform_indices = @transform_4, window_bounds = array<i64: 400, 256>}]} {
    %get3A = arith.constant 0 : index
    %get3A_0 = arith.constant 0 : index
    %get3A_1 = arith.constant 0 : index
    %get3A_2 = vector.load %arg2[%get3A, %get3A_0, %get3A_1] : memref<2x400x16xf32, #tpu.memory_space<vmem>>, vector<2x400x16xf32>
    %slice3A = vector.extract_strided_slice %get3A_2 {offsets = [0, 0, 0], sizes = [1, 400, 16], strides = [1, 1, 1]} : vector<2x400x16xf32> to vector<1x400x16xf32>
    %squeeze3A = vector.shape_cast %slice3A : vector<1x400x16xf32> to vector<400x16xf32>
    %reduce_sum3A = arith.constant dense<0.000000e+00> : vector<400xf32>
    %reduce_sum3A_3 = vector.multi_reduction <add>, %squeeze3A, %reduce_sum3A [1] : vector<400x16xf32> to vector<400xf32>
    %slice3A_4 = vector.extract_strided_slice %get3A_2 {offsets = [1, 0, 0], sizes = [1, 400, 16], strides = [1, 1, 1]} : vector<2x400x16xf32> to vector<1x400x16xf32>
    %squeeze3A_5 = vector.shape_cast %slice3A_4 : vector<1x400x16xf32> to vector<400x16xf32>
    %reduce_sum3A_6 = arith.constant dense<0.000000e+00> : vector<400xf32>
    %reduce_sum3A_7 = vector.multi_reduction <add>, %squeeze3A_5, %reduce_sum3A_6 [1] : vector<400x16xf32> to vector<400xf32>
    %add3A = arith.addf %reduce_sum3A_3, %reduce_sum3A_7 : vector<400xf32>
    %mul3A = arith.constant 6.250000e-02 : f32
    %mul3A_8 = vector.broadcast %mul3A : f32 to vector<400xf32>
    %mul3A_9 = arith.mulf %add3A, %mul3A_8 : vector<400xf32>
    %eq3A = arith.constant 0.000000e+00 : f32
    %eq3A_10 = vector.broadcast %eq3A : f32 to vector<400xf32>
    %eq3A_11 = arith.cmpf oeq, %mul3A_9, %eq3A_10 : vector<400xf32>
    %rsqrt3A = math.rsqrt %mul3A_9 : vector<400xf32>
    %jit3A = arith.constant 0.000000e+00 : f32
    %broadcast_in_dim3A = vector.broadcast %jit3A : f32 to vector<400xf32>
    %select_n3A = arith.select %eq3A_11, %broadcast_in_dim3A, %rsqrt3A : vector<400xi1>, vector<400xf32>
    %get3A_12 = arith.constant 0 : index
    %get3A_13 = arith.constant 0 : index
    %get3A_14 = arith.constant 0 : index
    %get3A_15 = vector.load %arg1[%get3A_12, %get3A_13, %get3A_14] : memref<2x400x128xf32, #tpu.memory_space<vmem>>, vector<2x400x128xf32>
    %slice3A_16 = vector.extract_strided_slice %get3A_15 {offsets = [0, 0, 0], sizes = [1, 400, 128], strides = [1, 1, 1]} : vector<2x400x128xf32> to vector<1x400x128xf32>
    %squeeze3A_17 = vector.shape_cast %slice3A_16 : vector<1x400x128xf32> to vector<400x128xf32>
    %slice3A_18 = vector.extract_strided_slice %get3A_15 {offsets = [1, 0, 0], sizes = [1, 400, 128], strides = [1, 1, 1]} : vector<2x400x128xf32> to vector<1x400x128xf32>
    %squeeze3A_19 = vector.shape_cast %slice3A_18 : vector<1x400x128xf32> to vector<400x128xf32>
    %concatenate3A = tpu.concatenate %squeeze3A_17, %squeeze3A_19 in 1 : vector<400x128xf32>, vector<400x128xf32> -> vector<400x256xf32>
    %broadcast_in_dim3A_20 = vector.shape_cast %select_n3A : vector<400xf32> to vector<400x1xf32>
    %mul3A_21 = vector.broadcast %broadcast_in_dim3A_20 : vector<400x1xf32> to vector<400x256xf32>
    %mul3A_22 = arith.mulf %concatenate3A, %mul3A_21 : vector<400x256xf32>
    %get3A_23 = arith.constant 0 : index
    %get3A_24 = arith.constant 0 : index
    %get3A_25 = vector.load %arg3[%get3A_23, %get3A_24] : memref<256x256xf32, #tpu.memory_space<vmem>>, vector<256x256xf32>
    %dot_general3A = arith.constant dense<0.000000e+00> : vector<400x256xf32>
    %dot_general3A_26 = tpu.matmul %mul3A_22, %get3A_25, %dot_general3A {dimension_numbers = #tpu.dot_dimension_numbers<[1], [1], [0], [0], [0, 0, 1, 0], [], []>, transpose_lhs_hint = false} : vector<400x256xf32>, vector<256x256xf32>, vector<400x256xf32> -> vector<400x256xf32>
    %get3A_27 = arith.constant 0 : index
    %get3A_28 = arith.constant 0 : index
    %get3A_29 = vector.load %arg4[%get3A_27, %get3A_28] : memref<1x256xf32, #tpu.memory_space<vmem>>, vector<1x256xf32>
    %add3A_30 = vector.broadcast %get3A_29 : vector<1x256xf32> to vector<400x256xf32>
    %add3A_31 = arith.addf %dot_general3A_26, %add3A_30 : vector<400x256xf32>
    %swap3A = arith.constant 0 : index
    %swap3A_32 = arith.constant 0 : index
    %swap3A_33 = vector.load %arg5[%swap3A, %swap3A_32] : memref<400x256xf32, #tpu.memory_space<vmem>>, vector<400x256xf32>
    tpu.vector_store %arg5[%swap3A, %swap3A_32], %add3A_31 {strides = array<i32>} : memref<400x256xf32, #tpu.memory_space<vmem>>, vector<400x256xf32>,
    return
  }
  func.func @transform_0(%arg0: i32) -> (i32, i32, i32) {
    %c0_i32 = arith.constant 0 : i32
    %c0_i32_0 = arith.constant 0 : i32
    %c0_i32_1 = arith.constant 0 : i32
    return %c0_i32, %arg0, %c0_i32_0 : i32, i32, i32
  }
  func.func @transform_1(%arg0: i32) -> (i32, i32, i32) {
    %c0_i32 = arith.constant 0 : i32
    %c0_i32_0 = arith.constant 0 : i32
    %c0_i32_1 = arith.constant 0 : i32
    return %c0_i32, %arg0, %c0_i32_0 : i32, i32, i32
  }
  func.func @transform_2(%arg0: i32) -> (i32, i32) {
    %c0_i32 = arith.constant 0 : i32
    %c0_i32_0 = arith.constant 0 : i32
    %c0_i32_1 = arith.constant 0 : i32
    return %c0_i32, %c0_i32_0 : i32, i32
  }
  func.func @transform_3(%arg0: i32) -> (i32, i32) {
    %c0_i32 = arith.constant 0 : i32
    %c0_i32_0 = arith.constant 0 : i32
    %c0_i32_1 = arith.constant 0 : i32
    return %c0_i32, %c0_i32_0 : i32, i32
  }
  func.func @transform_4(%arg0: i32) -> (i32, i32) {
    %c0_i32 = arith.constant 0 : i32
    %c0_i32_0 = arith.constant 0 : i32
    return %arg0, %c0_i32 : i32, i32
  }
}

</mosaic_0001>

<sc_bundles>
// kernel: kernel.6.cloned.1.call-start
scs
__scs_entry_jumppad:
0x0: {  	(pc) =	sbr.rel $0x88, $3  }
0x1: {  	(tag) =	ssettag $0x0;
	lr =	simm.s32 $0x1  }
0x2: {  	[smem:$0x3F9D] =	sst lr;
	_ =	strace $0xD0000000  }
0x3: {  	_ = 	snop  }
0x4: {  	_ = 	snop  }
0x5: {  	_ = 	snop  }
0x6: {  	_ = 	snop  }
0x7: {  	_ = 	snop  }
__scs_overlays_trampoline_lowered:
0x8: {  	[smem:$0x3FAC] =	sst s0  }
0x9: {  	[smem:$0x3FAD] =	sst s1  }
0xa: {  	[smem:$0x3FAE] =	sst s2  }
0xb: {  	[smem:$0x3FAF] =	sst s3  }
0xc: {  	[smem:$0x3FB0] =	sst s4  }
0xd: {  	[smem:$0x3FB1] =	sst s5  }
0xe: {  	[smem:$0x3FB2] =	sst s6  }
0xf: {  	[smem:$0x3FB3] =	sst s7  }
0x10: {  	[smem:$0x3FB4] =	sst s8  }
0x11: {  	[smem:$0x3FB5] =	sst s9;
	s0 =	simm.s32 @!p0 $0x0  }
0x12: {  	s1 =	sld [smem:$0x3F9B];
	s0 =	simm.s32 @p0 $0x1  }
0x13: {  	[smem:$0x3FB6] =	sst s0;
	s0 =	simm.s32 @!p1 $0x0  }
0x14: {  	s2 =	sld [smem:$0x3F9A];
	s0 =	simm.s32 @p1 $0x1  }
0x15: {  	[smem:$0x3FB7] =	sst s0;
	s0 =	simm.s32 @!p2 $0x0  }
0x16: {  	s3 =	sld [smem:$0x3FDB];
	s0 =	simm.s32 @p2 $0x1  }
0x17: {  	s4 =	simm.s32 $0x1BF5;
	[smem:$0x3FB9] =	sst s0  }
0x18: {  	s0 =	sld [smem:$0x3F9C];
	_ =	swait.ge [sflag:s4], $0x0  }
0x19: {  	s7 =	sld [smem:$0x3F9D]  }
0x1a: {  	s8 =	sadd.s32 $0xFFFFE003, lr  }
0x1b: {  	s9 =	sadd.s32 $0xFFFFFEF7, lr;
	s5 =	simm.s32 $0xFFFFFFFF;
	p2 =	slt.u32 s8, $0xFFFFF086  }
0x1c: {  	p1 =	slt.u32 s9, $0xF7A;
	s5 =	simm.s32 @!p2 $0x0  }
0x1d: {  	s5 =	simm.s32 @p1 $0x1;
	p0 =	seq.s32 s7, s2  }
0x1e: {  	s7 =	smul.u32 @!p0 $0xF7A, s2;
	p2 =	seq.s32 @!p0 s5, $0x0  }
0x1f: {  	s9 =	smul.u32 $0xF7A, s1;
	s8 =	simm.s32 @!p0 $0x1BF5;
	p2 =	por !p2, p0  }
0x20: {  	[sflag:s8] =	ssyncset.s32 @!p0 $0xFFFFF086;
	s6 =	sadd.s32 @!p0 s3, s7;
	s7 =	simm.s32 @!p0 $0x108  }
0x21: {  	s3 =	sadd.s32 s3, s9;
	s6 =	sadd.s32 @!p0 $0x88, s6;
	s7 =	simm.s32 @p2 $0x1082  }
0x22: {  	[simem:s7], [sflag:s8] =	dma.local @!p0 [hbm:s6], $0xF7A  }
0x23: {  	s9 =	sor.u32 $0xD0000000, s2;
	s6 =	simm.s32 $0x108;
	_ =	swait.ge @!p0 [sflag:s8], $0x0  }
0x24: {  	s3 =	sadd.s32 $0x88, s3;
	s6 =	simm.s32 @!p1 $0x1082;
	[sflag:s4] =	ssyncset.s32 $0xFFFFF086  }
0x25: {  	[simem:s6], [sflag:s4] =	dma.local [hbm:s3], $0xF7A  }
0x26: {  	[smem:$0x3F9D] =	sst s1;
	(tag) =	ssettag s2;
	_ =	strace s9  }
0x27: {  	s1 =	sld [smem:$0x3FAD]  }
0x28: {  	s2 =	sld [smem:$0x3FAE]  }
0x29: {  	s4 =	sld [smem:$0x3FB0]  }
0x2a: {  	p0 =	seq.s32 s5, $0x0;
	s5 =	sld [smem:$0x3FB1]  }
0x2b: {  	s6 =	sld [smem:$0x3FB2]  }
0x2c: {  	s7 =	sld [smem:$0x3FB3]  }
0x2d: {  	s3 =	simm.s32 $0x108;
	s8 =	sld [smem:$0x3FB4]  }
0x2e: {  	s3 =	simm.s32 @!p0 $0x1082;
	s9 =	sld [smem:$0x3FB5]  }
0x2f: {  	lr =	sadd.s32 s0, s3;
	s0 =	sld [smem:$0x3FAC]  }
0x30: {  	s3 =	sld [smem:$0x3FAF]  }
0x31: {  	[smem:$0x3FB8] =	sst s10  }
0x32: {  	s10 =	sld [smem:$0x3FB6];
	_ =	sdelay $0x3  }
0x33: {  	p0 =	seq.s32 s10, $0x1;
	s10 =	sld [smem:$0x3FB8];
	_ =	sdelay $0x3  }
0x34: {  	[smem:$0x3FB8] =	sst s10  }
0x35: {  	s10 =	sld [smem:$0x3FB7];
	_ =	sdelay $0x3  }
0x36: {  	p1 =	seq.s32 s10, $0x1;
	s10 =	sld [smem:$0x3FB8];
	_ =	sdelay $0x3  }
0x37: {  	[smem:$0x3FB8] =	sst s10  }
0x38: {  	s10 =	sld [smem:$0x3FB9]  }
0x39: {  	_ = 	snop;
	(pc) =	sbr.ind lr, $3  }
0x3a: {  	_ = 	snop  }
0x3b: {  	_ = 	snop  }
0x3c: {  	p2 =	seq.s32 s10, $0x1;
	s10 =	sld [smem:$0x3FB8]  }
0x3d: {  	_ =	shalt  }
0x3e: {  	_ =	shalt  }
0x3f: {  	_ =	shalt  }
0x40: {  	_ =	shalt  }
0x41: {  	_ =	shalt  }
0x42: {  	_ =	shalt  }
0x43: {  	_ =	shalt  }
0x44: {  	_ =	shalt  }
0x45: {  	_ =	shalt  }
0x46: {  	_ =	shalt  }
0x47: {  	_ =	shalt  }
0x48: {  	_ =	shalt  }
0x49: {  	_ =	shalt  }
0x4a: {  	_ =	shalt  }
0x4b: {  	_ =	shalt  }
0x4c: {  	_ =	shalt  }
0x4d: {  	_ =	shalt  }
0x4e: {  	_ =	shalt  }
0x4f: {  	_ =	shalt  }
0x50: {  	_ =	shalt  }
0x51: {  	_ =	shalt  }
0x52: {  	_ =	shalt  }
0x53: {  	_ =	shalt  }
0x54: {  	_ =	shalt  }
0x55: {  	_ =	shalt  }
0x56: {  	_ =	shalt  }
0x57: {  	_ =	shalt  }
0x58: {  	_ =	shalt  }
0x59: {  	_ =	shalt  }
0x5a: {  	_ =	shalt  }
0x5b: {  	_ =	shalt  }
0x5c: {  	_ =	shalt  }
0x5d: {  	_ =	shalt  }
0x5e: {  	_ =	shalt  }
0x5f: {  	_ =	shalt  }
0x60: {  	_ =	shalt  }
0x61: {  	_ =	shalt  }
0x62: {  	_ =	shalt  }
0x63: {  	_ =	shalt  }
0x64: {  	_ =	shalt  }
0x65: {  	_ =	shalt  }
0x66: {  	_ =	shalt  }
0x67: {  	_ =	shalt  }
0x68: {  	_ =	shalt  }
0x69: {  	_ =	shalt  }
0x6a: {  	_ =	shalt  }
0x6b: {  	_ =	shalt  }
0x6c: {  	_ =	shalt  }
0x6d: {  	_ =	shalt  }
0x6e: {  	_ =	shalt  }
0x6f: {  	_ =	shalt  }
0x70: {  	_ =	shalt  }
0x71: {  	_ =	shalt  }
0x72: {  	_ =	shalt  }
0x73: {  	_ =	shalt  }
0x74: {  	_ =	shalt  }
0x75: {  	_ =	shalt  }
0x76: {  	_ =	shalt  }
0x77: {  	_ =	shalt  }
0x78: {  	_ =	shalt  }
0x79: {  	_ =	shalt  }
0x7a: {  	_ =	shalt  }
0x7b: {  	_ =	shalt  }
0x7c: {  	_ =	shalt  }
0x7d: {  	_ =	shalt  }
0x7e: {  	_ =	shalt  }
0x7f: {  	_ =	shalt  }
0x80: {  	_ =	shalt  }
0x81: {  	_ =	shalt  }
0x82: {  	_ =	shalt  }
0x83: {  	_ =	shalt  }
0x84: {  	_ =	shalt  }
0x85: {  	_ =	shalt  }
0x86: {  	_ =	shalt  }
0x87: {  	_ =	shalt  }
.Lfunc_end0:
.L_simem_size_0:
called_computation_lowered:
.L_overlay_start_0:
0x88: {  	s2 =	sld [smem:$0x3FD9]  }
0x89: {  	s3 =	sld [smem:$0x3FFE];
	_ =	sdelay $0x1  }
0x8a: {  	s1 =	srdreg.scid  }
0x8b: {  	s0 =	sand.u32 $0x1, s1  }
0x8c: {  	s16 =	sshll.u32 s0, $0xA;
	s2 =	sadd.s32 s3, s2  }
0x8d: {  	s2 =	sadd.s32 s2, s16  }
0x8e: {  	[smem:$0x3FC4] =	sst s2  }
0x8f: {  	_ = 	snop  }
0x90: {  	(tm) =	ssettm $0x1  }
0x91: {  	s17 =	sld [smem:$0x3FFB];
	_ =	sdelay $0x3  }
0x92: {  	_ =	strace s17  }
0x93: {  	s2 =	sld [smem:$0x3FFC];
	_ =	sdelay $0x3  }
0x94: {  	_ =	strace s2  }
0x95: {  	s2 =	sld [smem:$0x3FFD];
	_ =	sdelay $0x3  }
0x96: {  	_ =	strace s2  }
0x97: {  	_ =	strace $0x8FFFFFFF  }
0x98: {  	s18 =	sld [smem:$0x3FDB];
	_ =	sdelay $0x1  }
0x99: {  	s19 =	simm.s32 $_scs_section_size  }
0x9a: {  	s4 =	simm.s32 $_size__tile_overlayer_lowered;
	s5 =	simm.s32 $_tile_overlayer_lowered  }
0x9b: {  	s22 =	simm.s32 $0x1BFF;
	s21 =	sshll.u32 s5, $0x1;
	s2 =	sadd.s32 s19, s18  }
0x9c: {  	s6 =	simm.s32 $0x0;
	s20 =	sshll.u32 s4, $0x1;
	s4 =	sadd.s32 s21, s2  }
0x9d: {  	[timem:s6], [sflag:s22] =	dma.local [hbm:s4], s20  }
0x9e: {  	_ =	swait.ge [sflag:s22], s20  }
0x9f: {  	s3 =	ssub.s32 $0x0, s20;
	[sflag:s22] =	ssyncset.done $0x0  }
0xa0: {  	[sflag:s22] =	ssyncadd.s32 s3;
	_ =	sdelay $0x1  }
0xa1: {  	s23 =	simm.s32 $0x1B8B  }
0xa2: {  	_ =	swait.ge [sflag:s23], $0x1  }
0xa3: {  	[sflag:s23] =	ssyncset.done $0x0  }
0xa4: {  	s25 =	simm.s32 $0x1B8E;
	s24 =	sld [smem:$0x3FFE];
	[sflag:s23] =	ssyncadd.s32 $0xFFFFFFFF  }
0xa5: {  	s26 =	simm.s32 $execute0_lowered;
	[smem:$0x3FD2] =	sst s25  }
0xa6: {  	s4 =	sshll.u32 s26, $0x1;
	_ =	strace $0x80000046;
	[dreg:$0x1] =	wrdreg $0xFFFFFFFF  }
0xa7: {  	s28 =	simm.s32 $_size_execute0_lowered;
	s2 =	sadd.s32 s2, s4;
	[dreg:$0x0] =	wrdreg $0x0  }
0xa8: {  	s4 =	sshll.u32 s28, $0x1;
	[dreg:$0x2] =	wrdreg s2  }
0xa9: {  	[dreg:$0x3] =	wrdreg s4  }
0xaa: {  	[dreg:$0x4] =	wrdreg $0xC0  }
0xab: {  	_ =	task [dreg:s6], $0x5FFFF  }
0xac: {  	[dreg:$0x1] =	wrdreg $0xFFFFFFFF  }
0xad: {  	[dreg:$0x0] =	wrdreg $0x60  }
0xae: {  	[dreg:$0x2] =	wrdreg s24  }
0xaf: {  	[dreg:$0x3] =	wrdreg $0x0  }
0xb0: {  	[dreg:$0x4] =	wrdreg $0x9  }
0xb1: {  	_ =	task.clear_ibuf [dreg:s6], $0x5FFFF;
	_ =	strace $0x90000046  }
0xb2: {  	s29 =	simm.s32 $0x9;
	_ =	strace $0x80000048  }
0xb3: {  	_ =	swait.ge [sflag:s29], $0x1  }
0xb4: {  	[sflag:s29] =	ssyncadd.s32 $0xFFFFFFFF  }
0xb5: {  	_ =	strace $0x90000048  }
0xb6: {  	_ =	sfence  }
0xb7: {  	s30 =	sld [smem:$0x0];
	_ =	sdelay $0x2  }
0xb8: {  	s31 =	sshll.u32 s1, $0xD;
	s1 =	sshrl.u32 s1, $0x2  }
0xb9: {  	s3 =	sand.u32 $0x4000, s31;
	s1 =	sadd.s32 s1, s30  }
0xba: {  	s0 =	sor.u32 s3, s0;
	s1 =	sshll.u32 s1, $0x11  }
0xbb: {  	s0 =	sor.u32 s1, s0  }
0xbc: {  	s0 =	sadd.s32 $0x8F2B, s0  }
0xbd: {  	[sflag:s0] =	ssyncadd.remote.s32 $0x1  }
0xbe: {  	_ =	sfence.sel $0xFFFF  }
0xbf: {  	[dreg:$0x0] =	wrdreg $0xFFFFFFFF;
	(pc) =	sbr.abs _section_cstart, $3  }
0xc0: {  	[dreg:$0x1] =	wrdreg $0xFFFFFFFF  }
0xc1: {  	_ =	task.clear_ibuf [dreg:s6], $0x2FFFF;
	_ =	strace $0x9FFFFFFF  }
0xc2: {  	(tm) =	ssettm $0x7FFFFFFF  }
0xc3: {  	_ =	shalt  }
tec
execute0_lowered:
.L_overlay_start_1:
0x0: {  	(tag) =	ssettag $0x1  }
0x1: {  	s6 =	rddreg [dreg:$0x0];
	s0 =	srdreg.scid  }
0x2: {  	s2 =	rddreg [dreg:$0x1];
	s1 =	stileid.u32  }
0x3: {  	s3 =	simm.s32 $0x0;
	s19 =	simm.s32 $0x1;
	s20 =	simm.s32 $0x8800  }
0x4: {  	s21 =	simm.s32 $0x80;
	s22 =	simm.s32 $0x4800;
	s7 =	smul.u32 $0x14000, s1  }
0x5: {  	s14 =	sand.u32 $0x1, s0;
	s0 =	rddreg [dreg:$0x2];
	s8 =	smul.u32 $0x50000, s1  }
0x6: {  	s24 =	simm.s32 $0x0;
	[smem:$0x7FF] =	sst s3;
	s17 =	smul.u32 $0x500, s1  }
0x7: {  	s4 =	sadd.s32 $0x2200, s6;
	s23 =	sshll.u32 s1, $0x6;
	s5 =	smul.u32 $0x140000, s14  }
0x8: {  	_ =	strace $0x80000047;
	s31 =	ssub.s32 $0x2, s14;
	s18 =	smul.u32 $0x280, s14  }
0x9: {  	s23 =	sor.u32 $0x1C01, s23;
	s8 =	sshrl.u32 s8, $0x2;
	s10 =	sshrl.u32 s31, $0x1  }
0xa: {  	s5 =	sadd.s32 s7, s5;
	s16 =	ssub.s32 s31, s10;
	s17 =	sadd.s32 s18, s17  }
0xb: {  	s18 =	simm.s32 $0x2800;
	s9 =	sshrl.u32 s5, $0x3;
	s5 =	sadd.s32 s8, s2  }
0xc: {  	s16 =	smax.u32 s16, $0x1;
	s15 =	sadd.s32 s9, s6;
	s6 =	sadd.s32 $0x2000, s5  }
0xd: {  	s7 =	sadd.s32 $0x4000, s5;
	s8 =	sadd.s32 $0x6000, s5;
	s9 =	sadd.s32 $0x8000, s5  }
0xe: {  	s10 =	sadd.s32 $0xA000, s5;
	s11 =	sadd.s32 $0xC000, s5;
	s12 =	sadd.s32 $0xE000, s5  }
0xf: {  	v0 =	vimm.f32 $0.0e+00;
	v1 =	vimm.f32 $1.000000000e+00;
	s13 =	sadd.s32 $0x10000, s5;
	s14 =	sadd.s32 $0x12000, s5;
	s15 =	sadd.s32 $0x7400, s15  }
.LBB2_1:
0x10: {  	s25 =	simm.s32 $0x200;
	s26 =	simm.s32 $0x0  }
.LBB2_2:
0x11: {  	p0 =	sne.s32 s25, $0x7E00;
	[tilespmem:s26+$0x2800] =	vst v0;
	s26 =	smov.u32 s25;
	s25 =	sadd.s32 $0x200, s25  }
.Ltmp0:
0x12: {  	(pc) =	sbr.rel @p0 .LBB2_2-.Ltmp0, $2  }
0x13: {  	_ =	sdelay $0x2  }
0x14: {  	s26 =	sshra.s32 s26, $0x2  }
0x15: {  	[tilespmem:s26+$0x2800] =	vst v0  }
0x16: {  	[spmem:s5] =	stream.linear.scatter [tilespmem:s18], [sflag:$0x1], $0x2000, $0x38;
	[tilespmem:$0x8880] =	vst v63  }
0x17: {  	_ =	swait.ge [sflag:s19], $0x2000  }
0x18: {  	[sflag:s19] =	ssyncset.done $0x0  }
0x19: {  	[sflag:s19] =	ssyncadd.s32 $0xFFFFE000  }
0x1a: {  	[spmem:s6] =	stream.linear.scatter [tilespmem:s18], [sflag:$0x1], $0x2000, $0x38;
	[tilespmem:$0x8880] =	vst v63  }
0x1b: {  	_ =	swait.ge [sflag:s19], $0x2000  }
0x1c: {  	[sflag:s19] =	ssyncset.done $0x0  }
0x1d: {  	[sflag:s19] =	ssyncadd.s32 $0xFFFFE000  }
0x1e: {  	[spmem:s7] =	stream.linear.scatter [tilespmem:s18], [sflag:$0x1], $0x2000, $0x38;
	[tilespmem:$0x8880] =	vst v63  }
0x1f: {  	_ =	swait.ge [sflag:s19], $0x2000  }
0x20: {  	[sflag:s19] =	ssyncset.done $0x0  }
0x21: {  	[sflag:s19] =	ssyncadd.s32 $0xFFFFE000  }
0x22: {  	[spmem:s8] =	stream.linear.scatter [tilespmem:s18], [sflag:$0x1], $0x2000, $0x38;
	[tilespmem:$0x8880] =	vst v63  }
0x23: {  	_ =	swait.ge [sflag:s19], $0x2000  }
0x24: {  	[sflag:s19] =	ssyncset.done $0x0  }
0x25: {  	[sflag:s19] =	ssyncadd.s32 $0xFFFFE000  }
0x26: {  	[spmem:s9] =	stream.linear.scatter [tilespmem:s18], [sflag:$0x1], $0x2000, $0x38;
	[tilespmem:$0x8880] =	vst v63  }
0x27: {  	_ =	swait.ge [sflag:s19], $0x2000  }
0x28: {  	[sflag:s19] =	ssyncset.done $0x0  }
0x29: {  	[sflag:s19] =	ssyncadd.s32 $0xFFFFE000  }
0x2a: {  	[spmem:s10] =	stream.linear.scatter [tilespmem:s18], [sflag:$0x1], $0x2000, $0x38;
	[tilespmem:$0x8880] =	vst v63  }
0x2b: {  	_ =	swait.ge [sflag:s19], $0x2000  }
0x2c: {  	[sflag:s19] =	ssyncset.done $0x0  }
0x2d: {  	[sflag:s19] =	ssyncadd.s32 $0xFFFFE000  }
0x2e: {  	[spmem:s11] =	stream.linear.scatter [tilespmem:s18], [sflag:$0x1], $0x2000, $0x38;
	[tilespmem:$0x8880] =	vst v63  }
0x2f: {  	_ =	swait.ge [sflag:s19], $0x2000  }
0x30: {  	[sflag:s19] =	ssyncset.done $0x0  }
0x31: {  	[sflag:s19] =	ssyncadd.s32 $0xFFFFE000  }
0x32: {  	[spmem:s12] =	stream.linear.scatter [tilespmem:s18], [sflag:$0x1], $0x2000, $0x38;
	[tilespmem:$0x8880] =	vst v63  }
0x33: {  	_ =	swait.ge [sflag:s19], $0x2000  }
0x34: {  	[sflag:s19] =	ssyncset.done $0x0  }
0x35: {  	[sflag:s19] =	ssyncadd.s32 $0xFFFFE000  }
0x36: {  	[spmem:s13] =	stream.linear.scatter [tilespmem:s18], [sflag:$0x1], $0x2000, $0x38;
	[tilespmem:$0x8880] =	vst v63  }
0x37: {  	_ =	swait.ge [sflag:s19], $0x2000  }
0x38: {  	[sflag:s19] =	ssyncset.done $0x0  }
0x39: {  	[sflag:s19] =	ssyncadd.s32 $0xFFFFE000  }
0x3a: {  	[spmem:s14] =	stream.linear.scatter [tilespmem:s18], [sflag:$0x1], $0x2000, $0x38;
	[tilespmem:$0x8880] =	vst v63  }
0x3b: {  	_ =	swait.ge [sflag:s19], $0x2000  }
0x3c: {  	[sflag:s19] =	ssyncset.done $0x0  }
0x3d: {  	[sflag:s19] =	ssyncadd.s32 $0xFFFFE000  }
0x3e: {  	[tilespmem:$0x4800] =	vst v1  }
0x3f: {  	[tilespmem:$0x4880] =	vst v1  }
0x40: {  	[tilespmem:$0x4900] =	vst v1  }
0x41: {  	[tilespmem:$0x4980] =	vst v1  }
0x42: {  	[tilespmem:$0x4A00] =	vst v1  }
0x43: {  	[tilespmem:$0x4A80] =	vst v1  }
0x44: {  	[tilespmem:$0x4B00] =	vst v1  }
0x45: {  	[tilespmem:$0x4B80] =	vst v1  }
0x46: {  	[tilespmem:$0x4C00] =	vst v1  }
0x47: {  	[tilespmem:$0x4C80] =	vst v1  }
0x48: {  	[tilespmem:$0x4D00] =	vst v1  }
0x49: {  	[tilespmem:$0x4D80] =	vst v1  }
0x4a: {  	[tilespmem:$0x4E00] =	vst v1  }
0x4b: {  	[tilespmem:$0x4E80] =	vst v1  }
0x4c: {  	[tilespmem:$0x4F00] =	vst v1  }
0x4d: {  	[tilespmem:$0x4F80] =	vst v1  }
0x4e: {  	[tilespmem:$0x5000] =	vst v1  }
0x4f: {  	[tilespmem:$0x5080] =	vst v1  }
0x50: {  	[tilespmem:$0x5100] =	vst v1  }
0x51: {  	[tilespmem:$0x5180] =	vst v1  }
0x52: {  	[tilespmem:$0x5200] =	vst v1  }
0x53: {  	[tilespmem:$0x5280] =	vst v1  }
0x54: {  	[tilespmem:$0x5300] =	vst v1  }
0x55: {  	[tilespmem:$0x5380] =	vst v1  }
0x56: {  	[tilespmem:$0x5400] =	vst v1  }
0x57: {  	[tilespmem:$0x5480] =	vst v1  }
0x58: {  	[tilespmem:$0x5500] =	vst v1  }
0x59: {  	[tilespmem:$0x5580] =	vst v1  }
0x5a: {  	[tilespmem:$0x5600] =	vst v1  }
0x5b: {  	[tilespmem:$0x5680] =	vst v1  }
0x5c: {  	[tilespmem:$0x5700] =	vst v1  }
0x5d: {  	[tilespmem:$0x5780] =	vst v1  }
0x5e: {  	[tilespmem:$0x5800] =	vst v1  }
0x5f: {  	[tilespmem:$0x5880] =	vst v1  }
0x60: {  	[tilespmem:$0x5900] =	vst v1  }
0x61: {  	[tilespmem:$0x5980] =	vst v1  }
0x62: {  	[tilespmem:$0x5A00] =	vst v1  }
0x63: {  	[tilespmem:$0x5A80] =	vst v1  }
0x64: {  	[tilespmem:$0x5B00] =	vst v1  }
0x65: {  	[tilespmem:$0x5B80] =	vst v1  }
0x66: {  	[tilespmem:$0x5C00] =	vst v1  }
0x67: {  	[tilespmem:$0x5C80] =	vst v1  }
0x68: {  	[tilespmem:$0x5D00] =	vst v1  }
0x69: {  	[tilespmem:$0x5D80] =	vst v1  }
0x6a: {  	[tilespmem:$0x5E00] =	vst v1  }
0x6b: {  	[tilespmem:$0x5E80] =	vst v1  }
0x6c: {  	[tilespmem:$0x5F00] =	vst v1  }
0x6d: {  	[tilespmem:$0x5F80] =	vst v1  }
0x6e: {  	[tilespmem:$0x6000] =	vst v1  }
0x6f: {  	[tilespmem:$0x6080] =	vst v1  }
0x70: {  	[tilespmem:$0x6100] =	vst v1  }
0x71: {  	[tilespmem:$0x6180] =	vst v1  }
0x72: {  	[tilespmem:$0x6200] =	vst v1  }
0x73: {  	[tilespmem:$0x6280] =	vst v1  }
0x74: {  	[tilespmem:$0x6300] =	vst v1  }
0x75: {  	[tilespmem:$0x6380] =	vst v1  }
0x76: {  	[tilespmem:$0x6400] =	vst v1  }
0x77: {  	[tilespmem:$0x6480] =	vst v1  }
0x78: {  	[tilespmem:$0x6500] =	vst v1  }
0x79: {  	[tilespmem:$0x6580] =	vst v1  }
0x7a: {  	[tilespmem:$0x6600] =	vst v1  }
0x7b: {  	[tilespmem:$0x6680] =	vst v1  }
0x7c: {  	[tilespmem:$0x6700] =	vst v1  }
0x7d: {  	[tilespmem:$0x6780] =	vst v1  }
0x7e: {  	[tilespmem:$0x6800] =	vst v1  }
0x7f: {  	[tilespmem:$0x6880] =	vst v1  }
0x80: {  	[tilespmem:$0x6900] =	vst v1  }
0x81: {  	[tilespmem:$0x6980] =	vst v1  }
0x82: {  	[tilespmem:$0x6A00] =	vst v1  }
0x83: {  	[tilespmem:$0x6A80] =	vst v1  }
0x84: {  	[tilespmem:$0x6B00] =	vst v1  }
0x85: {  	[tilespmem:$0x6B80] =	vst v1  }
0x86: {  	[tilespmem:$0x6C00] =	vst v1  }
0x87: {  	[tilespmem:$0x6C80] =	vst v1  }
0x88: {  	[tilespmem:$0x6D00] =	vst v1  }
0x89: {  	[tilespmem:$0x6D80] =	vst v1  }
0x8a: {  	[tilespmem:$0x6E00] =	vst v1  }
0x8b: {  	[tilespmem:$0x6E80] =	vst v1  }
0x8c: {  	[tilespmem:$0x6F00] =	vst v1  }
0x8d: {  	[tilespmem:$0x6F80] =	vst v1  }
0x8e: {  	[tilespmem:$0x7000] =	vst v1  }
0x8f: {  	[tilespmem:$0x7080] =	vst v1  }
0x90: {  	[tilespmem:$0x7100] =	vst v1  }
0x91: {  	[tilespmem:$0x7180] =	vst v1  }
0x92: {  	[tilespmem:$0x7200] =	vst v1  }
0x93: {  	[tilespmem:$0x7280] =	vst v1  }
0x94: {  	[tilespmem:$0x7300] =	vst v1  }
0x95: {  	[tilespmem:$0x7380] =	vst v1  }
0x96: {  	[tilespmem:$0x7400] =	vst v1  }
0x97: {  	[tilespmem:$0x7480] =	vst v1  }
0x98: {  	[tilespmem:$0x7500] =	vst v1  }
0x99: {  	[tilespmem:$0x7580] =	vst v1  }
0x9a: {  	[tilespmem:$0x7600] =	vst v1  }
0x9b: {  	[tilespmem:$0x7680] =	vst v1  }
0x9c: {  	[tilespmem:$0x7700] =	vst v1  }
0x9d: {  	[tilespmem:$0x7780] =	vst v1  }
0x9e: {  	[tilespmem:$0x7800] =	vst v1  }
0x9f: {  	[tilespmem:$0x7880] =	vst v1  }
0xa0: {  	[tilespmem:$0x7900] =	vst v1  }
0xa1: {  	[tilespmem:$0x7980] =	vst v1  }
0xa2: {  	[tilespmem:$0x7A00] =	vst v1  }
0xa3: {  	[tilespmem:$0x7A80] =	vst v1  }
0xa4: {  	[tilespmem:$0x7B00] =	vst v1  }
0xa5: {  	[tilespmem:$0x7B80] =	vst v1  }
0xa6: {  	[tilespmem:$0x7C00] =	vst v1  }
0xa7: {  	[tilespmem:$0x7C80] =	vst v1  }
0xa8: {  	[tilespmem:$0x7D00] =	vst v1  }
0xa9: {  	[tilespmem:$0x7D80] =	vst v1  }
0xaa: {  	[tilespmem:$0x7E00] =	vst v1  }
0xab: {  	[tilespmem:$0x7E80] =	vst v1  }
0xac: {  	[tilespmem:$0x7F00] =	vst v1  }
0xad: {  	[tilespmem:$0x7F80] =	vst v1  }
0xae: {  	[tilespmem:$0x8000] =	vst v1  }
0xaf: {  	[tilespmem:$0x8080] =	vst v1  }
0xb0: {  	[tilespmem:$0x8100] =	vst v1  }
0xb1: {  	[tilespmem:$0x8180] =	vst v1  }
0xb2: {  	[tilespmem:$0x8200] =	vst v1  }
0xb3: {  	[tilespmem:$0x8280] =	vst v1  }
0xb4: {  	[tilespmem:$0x8300] =	vst v1  }
0xb5: {  	[tilespmem:$0x8380] =	vst v1  }
0xb6: {  	[tilespmem:$0x8400] =	vst v1  }
0xb7: {  	[tilespmem:$0x8480] =	vst v1  }
0xb8: {  	[tilespmem:$0x8500] =	vst v1  }
0xb9: {  	[tilespmem:$0x8580] =	vst v1  }
0xba: {  	[tilespmem:$0x8600] =	vst v1  }
0xbb: {  	s25 =	simm.s32 $0x0;
	[tilespmem:$0x8680] =	vst v1  }
0xbc: {  	s30 =	sadd.s32 $0x0, s17;
	s25 =	sand.u32 $0x70, s25;
	[tilespmem:$0x8700] =	vst v1  }
0xbd: {  	s26 =	sand.u32 $0xFFFFF80, s30;
	s25 =	sadd.s32 s4, s25;
	[tilespmem:$0x8780] =	vst v1  }
0xbe: {  	s25 =	sadd.s32 s26, s25;
	[bflag:$0x0] =	sbarrier.arrive $0xFFFF  }
0xbf: {  	[tilespmem:s20], [sflag:$0x1] =	stream.linear.gather [hbm4b:s25+s3], $0x80, $0x38;
	[tilespmem:$0x8880] =	vst v63  }
0xc0: {  	_ =	swait.ge [sflag:s19], $0x80  }
0xc1: {  	[sflag:s19] =	ssyncset.done $0x0  }
0xc2: {  	s31 =	simm.s32 $0x10;
	s28 =	sadd.s32 $0x10, s17;
	[sflag:s19] =	ssyncadd.s32 $0xFFFFFF80  }
0xc3: {  	[spmem:s2] =	stream.indirect.scatter.add.f32 [tilespmem:s22], [sflag:$0x1], $0x10, s20, s21, $0xb8;
	[tilespmem:$0x8880] =	vst v63  }
0xc4: {  	s29 =	sand.u32 $0x70, s31;
	s26 =	sand.u32 $0xFFFFF80, s28;
	_ =	swait.ge [sflag:s19], $0x800  }
0xc5: {  	s28 =	sadd.s32 s4, s29;
	s25 =	simm.s32 $0x20;
	[sflag:s19] =	ssyncset.done $0x0  }
.LBB2_4:
0xc6: {  	s26 =	sadd.s32 s26, s28  }
0xc7: {  	[sflag:s19] =	ssyncadd.s32 $0xFFFFF800;
	s28 =	smov.u32 s25;
	s29 =	sadd.s32 $0x10, s25  }
0xc8: {  	[tilespmem:s20], [sflag:$0x1] =	stream.linear.gather [hbm4b:s26+s3], $0x80, $0x38;
	[tilespmem:$0x8880] =	vst v63  }
0xc9: {  	p0 =	sne.s32 s25, $0x270;
	_ =	swait.ge [sflag:s19], $0x80  }
.Ltmp1:
0xca: {  	[sflag:s19] =	ssyncset.done $0x0;
	(pc) =	sbr.rel @p0 .LBB2_4-.Ltmp1, $4  }
0xcb: {  	s25 =	sadd.s32 s28, s17;
	[sflag:s19] =	ssyncadd.s32 $0xFFFFFF80  }
0xcc: {  	[spmem:s2] =	stream.indirect.scatter.add.f32 [tilespmem:s22], [sflag:$0x1], $0x10, s20, s21, $0xb8;
	[tilespmem:$0x8880] =	vst v63  }
0xcd: {  	s28 =	sand.u32 $0x70, s28;
	s26 =	sand.u32 $0xFFFFF80, s25;
	_ =	swait.ge [sflag:s19], $0x800  }
0xce: {  	s28 =	sadd.s32 s4, s28;
	s25 =	smov.u32 s29;
	[sflag:s19] =	ssyncset.done $0x0  }
0xcf: {  	s25 =	sadd.s32 s26, s28;
	[sflag:s19] =	ssyncadd.s32 $0xFFFFF800  }
0xd0: {  	[tilespmem:s20], [sflag:$0x1] =	stream.linear.gather [hbm4b:s25+s3], $0x80, $0x38;
	[tilespmem:$0x8880] =	vst v63  }
0xd1: {  	_ =	swait.ge [sflag:s19], $0x80  }
0xd2: {  	[sflag:s19] =	ssyncset.done $0x0  }
0xd3: {  	[sflag:s19] =	ssyncadd.s32 $0xFFFFFF80  }
0xd4: {  	[spmem:s2] =	stream.indirect.scatter.add.f32 [tilespmem:s22], [sflag:$0x1], $0x10, s20, s21, $0xb8;
	[tilespmem:$0x8880] =	vst v63  }
0xd5: {  	_ =	swait.ge [sflag:s19], $0x800  }
0xd6: {  	s24 =	sadd.s32 $0x1, s24;
	[sflag:s19] =	ssyncset.done $0x0  }
0xd7: {  	p0 =	sne.s32 s24, s16;
	[sflag:s19] =	ssyncadd.s32 $0xFFFFF800  }
.Ltmp2:
0xd8: {  	s31 =	sshrl.u32 s5, $0x3;
	[bflag:$0x0] =	sbarrier.arrive $0xFFFF;
	(pc) =	sbr.rel @p0 .LBB2_1-.Ltmp2, $4  }
0xd9: {  	[hbm:s15], [sflag:s23] =	dma.local [spmem:s31], $0x2800  }
0xda: {  	_ =	swait.ge [sflag:s19], $0x2800  }
0xdb: {  	[sflag:s19] =	ssyncset.done $0x0  }
0xdc: {  	[sflag:s19] =	ssyncadd.s32 $0xFFFFD800  }
0xdd: {  	_ =	sfence.sel $0x180000  }
0xde: {  	[bflag:$0x0] =	sbarrier.arrive $0xFFFF  }
0xdf: {  	p0 =	sne.s32 s1, $0x0;
	_ =	strace $0x90000047  }
0xe0: {  	s0 =	sadd.s32 @!p0 $0x100000, s0;
	[bflag:$0x2] =	sbarrier.arrive $0xFFFF  }
0xe1: {  	[sflag:s0] =	ssyncadd.tile.s32 @!p0 $0x1;
	_ =	shalt  }
.Lfunc_end2:
_tile_overlayer_lowered:
.L_overlay_start_2:
0xe2: {  	(tag) =	ssettag $0x2  }
0xe3: {  	s0 =	rddreg [dreg:$0x0];
	s2 =	stileid.u32  }
0xe4: {  	s1 =	rddreg [dreg:$0x1];
	p0 =	sne.s32 s2, $0x0  }
0xe5: {  	s3 =	rddreg [dreg:$0x2];
	[bflag:$0x3] =	sbarrier.arrive $0xFFFF;
	s2 =	simm.s32 @!p0 $0x1C01  }
0xe6: {  	[timem:s3], [sflag:s2] =	dma.local @!p0 [hbm:s0], s1  }
0xe7: {  	s0 =	simm.s32 @!p0 $0x1  }
0xe8: {  	_ =	swait.ge @!p0 [sflag:s0], s1  }
0xe9: {  	s1 =	ssub.s32 @!p0 $0x0, s1;
	[sflag:s0] =	ssyncset.done @!p0 $0x0  }
0xea: {  	[sflag:s0] =	ssyncadd.s32 @!p0 s1  }
0xeb: {  	[bflag:$0x3] =	sbarrier.arrive $0xFFFF  }
0xec: {  	_ =	shalt  }

// kernel: kernel.9.cloned.1.call-start
scs
__scs_entry_jumppad:
0x0: {  	(pc) =	sbr.rel $0x88, $3  }
0x1: {  	(tag) =	ssettag $0x0;
	lr =	simm.s32 $0x1  }
0x2: {  	[smem:$0x3F9D] =	sst lr;
	_ =	strace $0xD0000000  }
0x3: {  	_ = 	snop  }
0x4: {  	_ = 	snop  }
0x5: {  	_ = 	snop  }
0x6: {  	_ = 	snop  }
0x7: {  	_ = 	snop  }
__scs_overlays_trampoline_lowered:
0x8: {  	[smem:$0x3FAC] =	sst s0  }
0x9: {  	[smem:$0x3FAD] =	sst s1  }
0xa: {  	[smem:$0x3FAE] =	sst s2  }
0xb: {  	[smem:$0x3FAF] =	sst s3  }
0xc: {  	[smem:$0x3FB0] =	sst s4  }
0xd: {  	[smem:$0x3FB1] =	sst s5  }
0xe: {  	[smem:$0x3FB2] =	sst s6  }
0xf: {  	[smem:$0x3FB3] =	sst s7  }
0x10: {  	[smem:$0x3FB4] =	sst s8  }
0x11: {  	[smem:$0x3FB5] =	sst s9;
	s0 =	simm.s32 @!p0 $0x0  }
0x12: {  	s1 =	sld [smem:$0x3F9B];
	s0 =	simm.s32 @p0 $0x1  }
0x13: {  	[smem:$0x3FB6] =	sst s0;
	s0 =	simm.s32 @!p1 $0x0  }
0x14: {  	s2 =	sld [smem:$0x3F9A];
	s0 =	simm.s32 @p1 $0x1  }
0x15: {  	[smem:$0x3FB7] =	sst s0;
	s0 =	simm.s32 @!p2 $0x0  }
0x16: {  	s3 =	sld [smem:$0x3FDB];
	s0 =	simm.s32 @p2 $0x1  }
0x17: {  	s4 =	simm.s32 $0x1BF5;
	[smem:$0x3FB9] =	sst s0  }
0x18: {  	s0 =	sld [smem:$0x3F9C];
	_ =	swait.ge [sflag:s4], $0x0  }
0x19: {  	s7 =	sld [smem:$0x3F9D]  }
0x1a: {  	s8 =	sadd.s32 $0xFFFFE003, lr  }
0x1b: {  	s9 =	sadd.s32 $0xFFFFFEF7, lr;
	s5 =	simm.s32 $0xFFFFFFFF;
	p2 =	slt.u32 s8, $0xFFFFF086  }
0x1c: {  	p1 =	slt.u32 s9, $0xF7A;
	s5 =	simm.s32 @!p2 $0x0  }
0x1d: {  	s5 =	simm.s32 @p1 $0x1;
	p0 =	seq.s32 s7, s2  }
0x1e: {  	s7 =	smul.u32 @!p0 $0xF7A, s2;
	p2 =	seq.s32 @!p0 s5, $0x0  }
0x1f: {  	s9 =	smul.u32 $0xF7A, s1;
	s8 =	simm.s32 @!p0 $0x1BF5;
	p2 =	por !p2, p0  }
0x20: {  	[sflag:s8] =	ssyncset.s32 @!p0 $0xFFFFF086;
	s6 =	sadd.s32 @!p0 s3, s7;
	s7 =	simm.s32 @!p0 $0x108  }
0x21: {  	s3 =	sadd.s32 s3, s9;
	s6 =	sadd.s32 @!p0 $0x88, s6;
	s7 =	simm.s32 @p2 $0x1082  }
0x22: {  	[simem:s7], [sflag:s8] =	dma.local @!p0 [hbm:s6], $0xF7A  }
0x23: {  	s9 =	sor.u32 $0xD0000000, s2;
	s6 =	simm.s32 $0x108;
	_ =	swait.ge @!p0 [sflag:s8], $0x0  }
0x24: {  	s3 =	sadd.s32 $0x88, s3;
	s6 =	simm.s32 @!p1 $0x1082;
	[sflag:s4] =	ssyncset.s32 $0xFFFFF086  }
0x25: {  	[simem:s6], [sflag:s4] =	dma.local [hbm:s3], $0xF7A  }
0x26: {  	[smem:$0x3F9D] =	sst s1;
	(tag) =	ssettag s2;
	_ =	strace s9  }
0x27: {  	s1 =	sld [smem:$0x3FAD]  }
0x28: {  	s2 =	sld [smem:$0x3FAE]  }
0x29: {  	s4 =	sld [smem:$0x3FB0]  }
0x2a: {  	p0 =	seq.s32 s5, $0x0;
	s5 =	sld [smem:$0x3FB1]  }
0x2b: {  	s6 =	sld [smem:$0x3FB2]  }
0x2c: {  	s7 =	sld [smem:$0x3FB3]  }
0x2d: {  	s3 =	simm.s32 $0x108;
	s8 =	sld [smem:$0x3FB4]  }
0x2e: {  	s3 =	simm.s32 @!p0 $0x1082;
	s9 =	sld [smem:$0x3FB5]  }
0x2f: {  	lr =	sadd.s32 s0, s3;
	s0 =	sld [smem:$0x3FAC]  }
0x30: {  	s3 =	sld [smem:$0x3FAF]  }
0x31: {  	[smem:$0x3FB8] =	sst s10  }
0x32: {  	s10 =	sld [smem:$0x3FB6];
	_ =	sdelay $0x3  }
0x33: {  	p0 =	seq.s32 s10, $0x1;
	s10 =	sld [smem:$0x3FB8];
	_ =	sdelay $0x3  }
0x34: {  	[smem:$0x3FB8] =	sst s10  }
0x35: {  	s10 =	sld [smem:$0x3FB7];
	_ =	sdelay $0x3  }
0x36: {  	p1 =	seq.s32 s10, $0x1;
	s10 =	sld [smem:$0x3FB8];
	_ =	sdelay $0x3  }
0x37: {  	[smem:$0x3FB8] =	sst s10  }
0x38: {  	s10 =	sld [smem:$0x3FB9]  }
0x39: {  	_ = 	snop;
	(pc) =	sbr.ind lr, $3  }
0x3a: {  	_ = 	snop  }
0x3b: {  	_ = 	snop  }
0x3c: {  	p2 =	seq.s32 s10, $0x1;
	s10 =	sld [smem:$0x3FB8]  }
0x3d: {  	_ =	shalt  }
0x3e: {  	_ =	shalt  }
0x3f: {  	_ =	shalt  }
0x40: {  	_ =	shalt  }
0x41: {  	_ =	shalt  }
0x42: {  	_ =	shalt  }
0x43: {  	_ =	shalt  }
0x44: {  	_ =	shalt  }
0x45: {  	_ =	shalt  }
0x46: {  	_ =	shalt  }
0x47: {  	_ =	shalt  }
0x48: {  	_ =	shalt  }
0x49: {  	_ =	shalt  }
0x4a: {  	_ =	shalt  }
0x4b: {  	_ =	shalt  }
0x4c: {  	_ =	shalt  }
0x4d: {  	_ =	shalt  }
0x4e: {  	_ =	shalt  }
0x4f: {  	_ =	shalt  }
0x50: {  	_ =	shalt  }
0x51: {  	_ =	shalt  }
0x52: {  	_ =	shalt  }
0x53: {  	_ =	shalt  }
0x54: {  	_ =	shalt  }
0x55: {  	_ =	shalt  }
0x56: {  	_ =	shalt  }
0x57: {  	_ =	shalt  }
0x58: {  	_ =	shalt  }
0x59: {  	_ =	shalt  }
0x5a: {  	_ =	shalt  }
0x5b: {  	_ =	shalt  }
0x5c: {  	_ =	shalt  }
0x5d: {  	_ =	shalt  }
0x5e: {  	_ =	shalt  }
0x5f: {  	_ =	shalt  }
0x60: {  	_ =	shalt  }
0x61: {  	_ =	shalt  }
0x62: {  	_ =	shalt  }
0x63: {  	_ =	shalt  }
0x64: {  	_ =	shalt  }
0x65: {  	_ =	shalt  }
0x66: {  	_ =	shalt  }
0x67: {  	_ =	shalt  }
0x68: {  	_ =	shalt  }
0x69: {  	_ =	shalt  }
0x6a: {  	_ =	shalt  }
0x6b: {  	_ =	shalt  }
0x6c: {  	_ =	shalt  }
0x6d: {  	_ =	shalt  }
0x6e: {  	_ =	shalt  }
0x6f: {  	_ =	shalt  }
0x70: {  	_ =	shalt  }
0x71: {  	_ =	shalt  }
0x72: {  	_ =	shalt  }
0x73: {  	_ =	shalt  }
0x74: {  	_ =	shalt  }
0x75: {  	_ =	shalt  }
0x76: {  	_ =	shalt  }
0x77: {  	_ =	shalt  }
0x78: {  	_ =	shalt  }
0x79: {  	_ =	shalt  }
0x7a: {  	_ =	shalt  }
0x7b: {  	_ =	shalt  }
0x7c: {  	_ =	shalt  }
0x7d: {  	_ =	shalt  }
0x7e: {  	_ =	shalt  }
0x7f: {  	_ =	shalt  }
0x80: {  	_ =	shalt  }
0x81: {  	_ =	shalt  }
0x82: {  	_ =	shalt  }
0x83: {  	_ =	shalt  }
0x84: {  	_ =	shalt  }
0x85: {  	_ =	shalt  }
0x86: {  	_ =	shalt  }
0x87: {  	_ =	shalt  }
.Lfunc_end0:
.L_simem_size_0:
called_computation.1_lowered:
.L_overlay_start_0:
0x88: {  	s2 =	sld [smem:$0x3FD9]  }
0x89: {  	s3 =	sld [smem:$0x3FFE];
	_ =	sdelay $0x1  }
0x8a: {  	s1 =	srdreg.scid  }
0x8b: {  	s0 =	sand.u32 $0x1, s1  }
0x8c: {  	s17 =	sshll.u32 s0, $0xA;
	s2 =	sadd.s32 s3, s2  }
0x8d: {  	s2 =	sadd.s32 s2, s17  }
0x8e: {  	[smem:$0x3FC4] =	sst s2  }
0x8f: {  	_ = 	snop  }
0x90: {  	s2 =	sld [smem:$0x3FD0];
	(tm) =	ssettm $0x1  }
0x91: {  	s18 =	sld [smem:$0x3FFB];
	_ =	sdelay $0x3  }
0x92: {  	_ =	strace s18  }
0x93: {  	s3 =	sld [smem:$0x3FFC];
	_ =	sdelay $0x3  }
0x94: {  	_ =	strace s3  }
0x95: {  	s3 =	sld [smem:$0x3FFD];
	_ =	sdelay $0x3  }
0x96: {  	_ =	strace s3  }
0x97: {  	_ =	strace $0x8FFFFFFF  }
0x98: {  	s19 =	sld [smem:$0x3FDB];
	_ =	sdelay $0x1  }
0x99: {  	s4 =	simm.s32 $_scs_section_size  }
0x9a: {  	s5 =	simm.s32 $_size__tile_overlayer_lowered;
	s6 =	simm.s32 $_tile_overlayer_lowered  }
0x9b: {  	s22 =	simm.s32 $0x1BFF;
	s21 =	sshll.u32 s6, $0x1;
	s3 =	sadd.s32 s4, s19  }
0x9c: {  	s7 =	simm.s32 $0x0;
	s20 =	sshll.u32 s5, $0x1;
	s5 =	sadd.s32 s21, s3  }
0x9d: {  	[timem:s7], [sflag:s22] =	dma.local [hbm:s5], s20  }
0x9e: {  	_ =	swait.ge [sflag:s22], s20  }
0x9f: {  	s4 =	ssub.s32 $0x0, s20;
	[sflag:s22] =	ssyncset.done $0x0  }
0xa0: {  	[sflag:s22] =	ssyncadd.s32 s4;
	_ =	sdelay $0x1  }
0xa1: {  	s23 =	simm.s32 $0x1B8B  }
0xa2: {  	_ =	swait.ge [sflag:s23], $0x1  }
0xa3: {  	[sflag:s23] =	ssyncset.done $0x0  }
0xa4: {  	s25 =	simm.s32 $0x1B8E;
	s24 =	sld [smem:$0x3FFE];
	[sflag:s23] =	ssyncadd.s32 $0xFFFFFFFF  }
0xa5: {  	s26 =	simm.s32 $execute0_lowered;
	[smem:$0x3FD2] =	sst s25  }
0xa6: {  	s5 =	sshll.u32 s26, $0x1;
	_ =	strace $0x80000049;
	[dreg:$0x1] =	wrdreg $0xFFFFFFFF  }
0xa7: {  	s28 =	simm.s32 $_size_execute0_lowered;
	s3 =	sadd.s32 s3, s5;
	[dreg:$0x0] =	wrdreg $0x0  }
0xa8: {  	s5 =	sshll.u32 s28, $0x1;
	[dreg:$0x2] =	wrdreg s3  }
0xa9: {  	[dreg:$0x3] =	wrdreg s5  }
0xaa: {  	[dreg:$0x4] =	wrdreg $0xC0  }
0xab: {  	_ =	task [dreg:s7], $0x5FFFF  }
0xac: {  	[dreg:$0x1] =	wrdreg $0xFFFFFFFF  }
0xad: {  	[dreg:$0x0] =	wrdreg $0x60  }
0xae: {  	[dreg:$0x2] =	wrdreg s2  }
0xaf: {  	[dreg:$0x3] =	wrdreg s24  }
0xb0: {  	[dreg:$0x4] =	wrdreg $0x0  }
0xb1: {  	[dreg:$0x5] =	wrdreg $0x9  }
0xb2: {  	_ =	task.clear_ibuf [dreg:s7], $0x6FFFF;
	_ =	strace $0x90000049  }
0xb3: {  	s29 =	simm.s32 $0x9;
	_ =	strace $0x8000004B  }
0xb4: {  	_ =	swait.ge [sflag:s29], $0x1  }
0xb5: {  	[sflag:s29] =	ssyncadd.s32 $0xFFFFFFFF  }
0xb6: {  	_ =	strace $0x9000004B  }
0xb7: {  	_ =	sfence  }
0xb8: {  	s30 =	sld [smem:$0x0];
	_ =	sdelay $0x2  }
0xb9: {  	s31 =	sshll.u32 s1, $0xD;
	s1 =	sshrl.u32 s1, $0x2  }
0xba: {  	s3 =	sand.u32 $0x4000, s31;
	s1 =	sadd.s32 s1, s30  }
0xbb: {  	s0 =	sor.u32 s3, s0;
	s1 =	sshll.u32 s1, $0x11  }
0xbc: {  	s0 =	sor.u32 s1, s0  }
0xbd: {  	s0 =	sadd.s32 $0x8F2B, s0  }
0xbe: {  	[sflag:s0] =	ssyncadd.remote.s32 $0x1  }
0xbf: {  	_ =	sfence.sel $0xFFFF  }
0xc0: {  	[dreg:$0x0] =	wrdreg $0xFFFFFFFF;
	(pc) =	sbr.abs _section_cstart, $3  }
0xc1: {  	[dreg:$0x1] =	wrdreg $0xFFFFFFFF  }
0xc2: {  	_ =	task.clear_ibuf [dreg:s7], $0x2FFFF;
	_ =	strace $0x9FFFFFFF  }
0xc3: {  	(tm) =	ssettm $0x7FFFFFFF  }
tec
execute0_lowered:
.L_overlay_start_1:
0x0: {  	(tag) =	ssettag $0x1  }
0x1: {  	s1 =	rddreg [dreg:$0x0]  }
0x2: {  	s0 =	rddreg [dreg:$0x1]  }
0x3: {  	s2 =	rddreg [dreg:$0x2];
	s11 =	stileid.u32  }
0x4: {  	s3 =	srdreg.scid;
	s7 =	smul.u32 $0x14000, s11  }
0x5: {  	s4 =	simm.s32 $0x0;
	s3 =	sand.u32 $0x1, s3;
	s8 =	smul.u32 $0x50000, s11  }
0x6: {  	[smem:$0x7FF] =	sst s4;
	s6 =	smul.u32 $0x140000, s3  }
0x7: {  	s5 =	sadd.s32 $0x57400, s0;
	s9 =	sadd.s32 $0x2200, s0;
	s12 =	ssub.s32 $0x2, s3  }
0x8: {  	s24 =	smul.u32 $0x500, s11;
	s10 =	sshrl.u32 s12, $0x1;
	s6 =	sadd.s32 s7, s6  }
0x9: {  	s8 =	sshrl.u32 s8, $0x2;
	s7 =	ssub.s32 s12, s10;
	s6 =	sshrl.u32 s6, $0x3  }
0xa: {  	s10 =	sadd.s32 s24, s9;
	s0 =	sadd.s32 s6, s0;
	s6 =	sadd.s32 s8, s2  }
0xb: {  	_ =	strace $0x8000004A;
	[dreg:$0x4] =	wrdreg s10;
	s8 =	sadd.s32 $0x800, s6  }
0xc: {  	s13 =	sadd.s32 $0x1000, s6;
	[dreg:$0x5] =	wrdreg s8  }
0xd: {  	s14 =	sadd.s32 $0x1800, s6;
	[dreg:$0x6] =	wrdreg s13  }
0xe: {  	s15 =	sadd.s32 $0x2000, s6;
	[dreg:$0x7] =	wrdreg s14  }
0xf: {  	s16 =	sadd.s32 $0x2800, s6;
	[dreg:$0x8] =	wrdreg s15  }
0x10: {  	s17 =	sadd.s32 $0x3000, s6;
	[dreg:$0x9] =	wrdreg s16  }
0x11: {  	s18 =	sadd.s32 $0x3800, s6;
	[dreg:$0xa] =	wrdreg s17  }
0x12: {  	s20 =	sadd.s32 $0x4000, s6;
	[dreg:$0xb] =	wrdreg s18  }
0x13: {  	s21 =	sadd.s32 $0x4800, s6;
	[dreg:$0xc] =	wrdreg s20  }
0x14: {  	s19 =	smul.u32 $0x2800, s11;
	s22 =	sadd.s32 $0x5000, s6;
	[dreg:$0xd] =	wrdreg s21  }
0x15: {  	s25 =	sadd.s32 $0x5800, s6;
	[dreg:$0xe] =	wrdreg s22  }
0x16: {  	s23 =	sshrl.u32 s19, $0x3;
	s0 =	sadd.s32 $0x61600, s0;
	[dreg:$0xf] =	wrdreg s25  }
0x17: {  	s12 =	sadd.s32 s9, s23;
	s23 =	sadd.s32 $0x9000, s6;
	[dreg:$0x12] =	wrdreg s0  }
0x18: {  	s24 =	sadd.s32 $0x9800, s6;
	[dreg:$0x18] =	wrdreg s23  }
0x19: {  	s9 =	sadd.s32 $0xC000, s6;
	[dreg:$0x19] =	wrdreg s24  }
0x1a: {  	s10 =	sadd.s32 $0xC800, s6;
	[dreg:$0x1e] =	wrdreg s9  }
0x1b: {  	s11 =	sadd.s32 $0xD000, s6;
	[dreg:$0x1f] =	wrdreg s10  }
0x1c: {  	s13 =	sadd.s32 $0x6000, s6;
	[smem:$0x7F1] =	sst s11  }
0x1d: {  	s15 =	sadd.s32 $0x6800, s6;
	[dreg:$0x10] =	wrdreg s13  }
0x1e: {  	s17 =	smax.u32 s7, $0x1;
	[dreg:$0x11] =	wrdreg s15  }
0x1f: {  	s18 =	sadd.s32 $0x7000, s6;
	[dreg:$0x13] =	wrdreg s17  }
0x20: {  	s28 =	smov.u32 s12;
	s20 =	sadd.s32 $0x8000, s6;
	[dreg:$0x14] =	wrdreg s18  }
0x21: {  	s31 =	sadd.s32 $0x10, s12;
	s22 =	sadd.s32 $0x8800, s6;
	[dreg:$0x16] =	wrdreg s20  }
0x22: {  	s12 =	simm.s32 $0x1;
	s25 =	sadd.s32 $0xA000, s6;
	[dreg:$0x17] =	wrdreg s22  }
0x23: {  	s30 =	sadd.s32 $0x13800, s6;
	s7 =	sadd.s32 $0xB000, s6;
	[dreg:$0x1a] =	wrdreg s25  }
0x24: {  	s16 =	smul.u32 $0x28400, s3;
	s8 =	sadd.s32 $0xB800, s6;
	[dreg:$0x1c] =	wrdreg s7  }
0x25: {  	s21 =	sor.u32 $0x180, s19;
	s23 =	sadd.s32 $0x11800, s6;
	[dreg:$0x1d] =	wrdreg s8  }
0x26: {  	s24 =	sadd.s32 $0x12000, s6;
	s0 =	simm.s32 $0x14000;
	[smem:$0x7FA] =	sst s23  }
0x27: {  	s9 =	simm.s32 $0x1C880;
	s13 =	sadd.s32 $0xD800, s6;
	[smem:$0x7FB] =	sst s24  }
0x28: {  	s10 =	simm.s32 $0x80;
	s15 =	sadd.s32 $0xE800, s6;
	[smem:$0x7F2] =	sst s13  }
0x29: {  	s11 =	simm.s32 $0x14800;
	s17 =	sadd.s32 $0xF000, s6;
	[smem:$0x7F4] =	sst s15  }
0x2a: {  	s18 =	sadd.s32 $0xF800, s6;
	s20 =	sadd.s32 $0x10800, s6;
	[smem:$0x7F5] =	sst s17  }
0x2b: {  	s22 =	sadd.s32 $0x11000, s6;
	s25 =	sadd.s32 $0x12800, s6;
	[smem:$0x7F6] =	sst s18  }
0x2c: {  	s7 =	simm.s32 $0x1C800;
	s8 =	simm.s32 $0x1C900;
	[smem:$0x7F8] =	sst s20  }
0x2d: {  	s26 =	sadd.s32 s19, s16;
	s19 =	sadd.s32 $0x7800, s6;
	[smem:$0x7F9] =	sst s22  }
0x2e: {  	[smem:$0x7FC] =	sst s25;
	s22 =	simm.s32 $0x1C980;
	s13 =	simm.s32 $0x18800  }
0x2f: {  	s14 =	sshrl.u32 s26, $0x3;
	[dreg:$0x15] =	wrdreg s19;
	s26 =	sadd.s32 $0xA800, s6  }
0x30: {  	s15 =	simm.s32 $0x3;
	s19 =	sadd.s32 $0x10000, s6;
	[dreg:$0x1b] =	wrdreg s26  }
0x31: {  	s3 =	sadd.s32 s5, s14;
	s14 =	sadd.s32 $0xE000, s6;
	[smem:$0x7F7] =	sst s19  }
0x32: {  	s17 =	simm.s32 $0x4;
	s26 =	sadd.s32 $0x13000, s6;
	[smem:$0x7F3] =	sst s14  }
0x33: {  	s18 =	simm.s32 $0x0;
	[smem:$0x7FD] =	sst s26;
	s29 =	smov.u32 s3  }
0x34: {  	v0 =	vimm.f32 $0.0e+00;
	s19 =	sadd.s32 $0x10, s3;
	s3 =	simm.s32 $0x5;
	s14 =	simm.s32 $0x2  }
.LBB2_1:
0x35: {  	s20 =	simm.s32 $0x0;
	s25 =	simm.s32 $0x200  }
.LBB2_2:
0x36: {  	p0 =	sne.s32 s25, $0x1E00;
	[tilespmem:s20+$0x14070] =	vst v0  }
0x37: {  	[tilespmem:s20+$0x14000] =	vst v0  }
0x38: {  	[tilespmem:s20+$0x14010] =	vst v0  }
.Ltmp0:
0x39: {  	[tilespmem:s20+$0x14020] =	vst v0;
	(pc) =	sbr.rel @p0 .LBB2_2-.Ltmp0, $4  }
0x3a: {  	[tilespmem:s20+$0x14030] =	vst v0  }
0x3b: {  	[tilespmem:s20+$0x14040] =	vst v0  }
0x3c: {  	[tilespmem:s20+$0x14050] =	vst v0  }
0x3d: {  	[tilespmem:s20+$0x14060] =	vst v0;
	s20 =	sshra.s32 s25, $0x2;
	s25 =	sadd.s32 $0x200, s25  }
0x3e: {  	[tilespmem:s20+$0x14070] =	vst v0  }
0x3f: {  	[tilespmem:s20+$0x14000] =	vst v0  }
0x40: {  	[tilespmem:s20+$0x14010] =	vst v0  }
0x41: {  	[tilespmem:s20+$0x14020] =	vst v0  }
0x42: {  	[tilespmem:s20+$0x14030] =	vst v0  }
0x43: {  	[tilespmem:s20+$0x14040] =	vst v0  }
0x44: {  	[tilespmem:s20+$0x14050] =	vst v0  }
0x45: {  	[tilespmem:s20+$0x14060] =	vst v0  }
0x46: {  	[spmem:s6] =	stream.linear.scatter [tilespmem:s0], [sflag:$0x5], $0x800, $0x38;
	[tilespmem:$0x1CA00] =	vst v63  }
0x47: {  	_ =	swait.ge [sflag:s3], $0x800  }
0x48: {  	[sflag:s3] =	ssyncset.done $0x0  }
0x49: {  	s24 =	rddreg [dreg:$0x5];
	[sflag:s3] =	ssyncadd.s32 $0xFFFFF800  }
0x4a: {  	[spmem:s24] =	stream.linear.scatter [tilespmem:s0], [sflag:$0x5], $0x800, $0x38;
	[tilespmem:$0x1CA00] =	vst v63  }
0x4b: {  	_ =	swait.ge [sflag:s3], $0x800  }
0x4c: {  	[sflag:s3] =	ssyncset.done $0x0  }
0x4d: {  	s25 =	rddreg [dreg:$0x6];
	[sflag:s3] =	ssyncadd.s32 $0xFFFFF800  }
0x4e: {  	[spmem:s25] =	stream.linear.scatter [tilespmem:s0], [sflag:$0x5], $0x800, $0x38;
	[tilespmem:$0x1CA00] =	vst v63  }
0x4f: {  	_ =	swait.ge [sflag:s3], $0x800  }
0x50: {  	[sflag:s3] =	ssyncset.done $0x0  }
0x51: {  	s26 =	rddreg [dreg:$0x7];
	[sflag:s3] =	ssyncadd.s32 $0xFFFFF800  }
0x52: {  	[spmem:s26] =	stream.linear.scatter [tilespmem:s0], [sflag:$0x5], $0x800, $0x38;
	[tilespmem:$0x1CA00] =	vst v63  }
0x53: {  	_ =	swait.ge [sflag:s3], $0x800  }
0x54: {  	[sflag:s3] =	ssyncset.done $0x0  }
0x55: {  	s23 =	rddreg [dreg:$0x8];
	[sflag:s3] =	ssyncadd.s32 $0xFFFFF800  }
0x56: {  	[spmem:s23] =	stream.linear.scatter [tilespmem:s0], [sflag:$0x5], $0x800, $0x38;
	[tilespmem:$0x1CA00] =	vst v63  }
0x57: {  	_ =	swait.ge [sflag:s3], $0x800  }
0x58: {  	[sflag:s3] =	ssyncset.done $0x0  }
0x59: {  	s24 =	rddreg [dreg:$0x9];
	[sflag:s3] =	ssyncadd.s32 $0xFFFFF800  }
0x5a: {  	[spmem:s24] =	stream.linear.scatter [tilespmem:s0], [sflag:$0x5], $0x800, $0x38;
	[tilespmem:$0x1CA00] =	vst v63  }
0x5b: {  	_ =	swait.ge [sflag:s3], $0x800  }
0x5c: {  	[sflag:s3] =	ssyncset.done $0x0  }
0x5d: {  	s25 =	rddreg [dreg:$0xa];
	[sflag:s3] =	ssyncadd.s32 $0xFFFFF800  }
0x5e: {  	[spmem:s25] =	stream.linear.scatter [tilespmem:s0], [sflag:$0x5], $0x800, $0x38;
	[tilespmem:$0x1CA00] =	vst v63  }
0x5f: {  	_ =	swait.ge [sflag:s3], $0x800  }
0x60: {  	[sflag:s3] =	ssyncset.done $0x0  }
0x61: {  	s26 =	rddreg [dreg:$0xb];
	[sflag:s3] =	ssyncadd.s32 $0xFFFFF800  }
0x62: {  	[spmem:s26] =	stream.linear.scatter [tilespmem:s0], [sflag:$0x5], $0x800, $0x38;
	[tilespmem:$0x1CA00] =	vst v63  }
0x63: {  	_ =	swait.ge [sflag:s3], $0x800  }
0x64: {  	[sflag:s3] =	ssyncset.done $0x0  }
0x65: {  	s23 =	rddreg [dreg:$0xc];
	[sflag:s3] =	ssyncadd.s32 $0xFFFFF800  }
0x66: {  	[spmem:s23] =	stream.linear.scatter [tilespmem:s0], [sflag:$0x5], $0x800, $0x38;
	[tilespmem:$0x1CA00] =	vst v63  }
0x67: {  	_ =	swait.ge [sflag:s3], $0x800  }
0x68: {  	[sflag:s3] =	ssyncset.done $0x0  }
0x69: {  	s24 =	rddreg [dreg:$0xd];
	[sflag:s3] =	ssyncadd.s32 $0xFFFFF800  }
0x6a: {  	[spmem:s24] =	stream.linear.scatter [tilespmem:s0], [sflag:$0x5], $0x800, $0x38;
	[tilespmem:$0x1CA00] =	vst v63  }
0x6b: {  	_ =	swait.ge [sflag:s3], $0x800  }
0x6c: {  	[sflag:s3] =	ssyncset.done $0x0  }
0x6d: {  	s25 =	rddreg [dreg:$0xe];
	[sflag:s3] =	ssyncadd.s32 $0xFFFFF800  }
0x6e: {  	[spmem:s25] =	stream.linear.scatter [tilespmem:s0], [sflag:$0x5], $0x800, $0x38;
	[tilespmem:$0x1CA00] =	vst v63  }
0x6f: {  	_ =	swait.ge [sflag:s3], $0x800  }
0x70: {  	[sflag:s3] =	ssyncset.done $0x0  }
0x71: {  	s26 =	rddreg [dreg:$0xf];
	[sflag:s3] =	ssyncadd.s32 $0xFFFFF800  }
0x72: {  	[spmem:s26] =	stream.linear.scatter [tilespmem:s0], [sflag:$0x5], $0x800, $0x38;
	[tilespmem:$0x1CA00] =	vst v63  }
0x73: {  	_ =	swait.ge [sflag:s3], $0x800  }
0x74: {  	[sflag:s3] =	ssyncset.done $0x0  }
0x75: {  	s23 =	rddreg [dreg:$0x10];
	[sflag:s3] =	ssyncadd.s32 $0xFFFFF800  }
0x76: {  	[spmem:s23] =	stream.linear.scatter [tilespmem:s0], [sflag:$0x5], $0x800, $0x38;
	[tilespmem:$0x1CA00] =	vst v63  }
0x77: {  	_ =	swait.ge [sflag:s3], $0x800  }
0x78: {  	[sflag:s3] =	ssyncset.done $0x0  }
0x79: {  	s24 =	rddreg [dreg:$0x11];
	[sflag:s3] =	ssyncadd.s32 $0xFFFFF800  }
0x7a: {  	[spmem:s24] =	stream.linear.scatter [tilespmem:s0], [sflag:$0x5], $0x800, $0x38;
	[tilespmem:$0x1CA00] =	vst v63  }
0x7b: {  	_ =	swait.ge [sflag:s3], $0x800  }
0x7c: {  	[sflag:s3] =	ssyncset.done $0x0  }
0x7d: {  	s25 =	rddreg [dreg:$0x14];
	[sflag:s3] =	ssyncadd.s32 $0xFFFFF800  }
0x7e: {  	[spmem:s25] =	stream.linear.scatter [tilespmem:s0], [sflag:$0x5], $0x800, $0x38;
	[tilespmem:$0x1CA00] =	vst v63  }
0x7f: {  	_ =	swait.ge [sflag:s3], $0x800  }
0x80: {  	[sflag:s3] =	ssyncset.done $0x0  }
0x81: {  	s26 =	rddreg [dreg:$0x15];
	[sflag:s3] =	ssyncadd.s32 $0xFFFFF800  }
0x82: {  	[spmem:s26] =	stream.linear.scatter [tilespmem:s0], [sflag:$0x5], $0x800, $0x38;
	[tilespmem:$0x1CA00] =	vst v63  }
0x83: {  	_ =	swait.ge [sflag:s3], $0x800  }
0x84: {  	[sflag:s3] =	ssyncset.done $0x0  }
0x85: {  	s23 =	rddreg [dreg:$0x16];
	[sflag:s3] =	ssyncadd.s32 $0xFFFFF800  }
0x86: {  	[spmem:s23] =	stream.linear.scatter [tilespmem:s0], [sflag:$0x5], $0x800, $0x38;
	[tilespmem:$0x1CA00] =	vst v63  }
0x87: {  	_ =	swait.ge [sflag:s3], $0x800  }
0x88: {  	[sflag:s3] =	ssyncset.done $0x0  }
0x89: {  	s24 =	rddreg [dreg:$0x17];
	[sflag:s3] =	ssyncadd.s32 $0xFFFFF800  }
0x8a: {  	[spmem:s24] =	stream.linear.scatter [tilespmem:s0], [sflag:$0x5], $0x800, $0x38;
	[tilespmem:$0x1CA00] =	vst v63  }
0x8b: {  	_ =	swait.ge [sflag:s3], $0x800  }
0x8c: {  	[sflag:s3] =	ssyncset.done $0x0  }
0x8d: {  	s25 =	rddreg [dreg:$0x18];
	[sflag:s3] =	ssyncadd.s32 $0xFFFFF800  }
0x8e: {  	[spmem:s25] =	stream.linear.scatter [tilespmem:s0], [sflag:$0x5], $0x800, $0x38;
	[tilespmem:$0x1CA00] =	vst v63  }
0x8f: {  	_ =	swait.ge [sflag:s3], $0x800  }
0x90: {  	[sflag:s3] =	ssyncset.done $0x0  }
0x91: {  	s26 =	rddreg [dreg:$0x19];
	[sflag:s3] =	ssyncadd.s32 $0xFFFFF800  }
0x92: {  	[spmem:s26] =	stream.linear.scatter [tilespmem:s0], [sflag:$0x5], $0x800, $0x38;
	[tilespmem:$0x1CA00] =	vst v63  }
0x93: {  	_ =	swait.ge [sflag:s3], $0x800  }
0x94: {  	[sflag:s3] =	ssyncset.done $0x0  }
0x95: {  	s23 =	rddreg [dreg:$0x1a];
	[sflag:s3] =	ssyncadd.s32 $0xFFFFF800  }
0x96: {  	[spmem:s23] =	stream.linear.scatter [tilespmem:s0], [sflag:$0x5], $0x800, $0x38;
	[tilespmem:$0x1CA00] =	vst v63  }
0x97: {  	_ =	swait.ge [sflag:s3], $0x800  }
0x98: {  	[sflag:s3] =	ssyncset.done $0x0  }
0x99: {  	s24 =	rddreg [dreg:$0x1b];
	[sflag:s3] =	ssyncadd.s32 $0xFFFFF800  }
0x9a: {  	[spmem:s24] =	stream.linear.scatter [tilespmem:s0], [sflag:$0x5], $0x800, $0x38;
	[tilespmem:$0x1CA00] =	vst v63  }
0x9b: {  	_ =	swait.ge [sflag:s3], $0x800  }
0x9c: {  	[sflag:s3] =	ssyncset.done $0x0  }
0x9d: {  	s25 =	rddreg [dreg:$0x1c];
	[sflag:s3] =	ssyncadd.s32 $0xFFFFF800  }
0x9e: {  	[spmem:s25] =	stream.linear.scatter [tilespmem:s0], [sflag:$0x5], $0x800, $0x38;
	[tilespmem:$0x1CA00] =	vst v63  }
0x9f: {  	_ =	swait.ge [sflag:s3], $0x800  }
0xa0: {  	[sflag:s3] =	ssyncset.done $0x0  }
0xa1: {  	s26 =	rddreg [dreg:$0x1d];
	[sflag:s3] =	ssyncadd.s32 $0xFFFFF800  }
0xa2: {  	[spmem:s26] =	stream.linear.scatter [tilespmem:s0], [sflag:$0x5], $0x800, $0x38;
	[tilespmem:$0x1CA00] =	vst v63  }
0xa3: {  	_ =	swait.ge [sflag:s3], $0x800  }
0xa4: {  	[sflag:s3] =	ssyncset.done $0x0  }
0xa5: {  	s23 =	rddreg [dreg:$0x1e];
	[sflag:s3] =	ssyncadd.s32 $0xFFFFF800  }
0xa6: {  	[spmem:s23] =	stream.linear.scatter [tilespmem:s0], [sflag:$0x5], $0x800, $0x38;
	[tilespmem:$0x1CA00] =	vst v63  }
0xa7: {  	_ =	swait.ge [sflag:s3], $0x800  }
0xa8: {  	[sflag:s3] =	ssyncset.done $0x0  }
0xa9: {  	s24 =	rddreg [dreg:$0x1f];
	[sflag:s3] =	ssyncadd.s32 $0xFFFFF800  }
0xaa: {  	[spmem:s24] =	stream.linear.scatter [tilespmem:s0], [sflag:$0x5], $0x800, $0x38;
	[tilespmem:$0x1CA00] =	vst v63  }
0xab: {  	_ =	swait.ge [sflag:s3], $0x800  }
0xac: {  	s25 =	sld [smem:$0x7F1]  }
0xad: {  	[sflag:s3] =	ssyncset.done $0x0  }
0xae: {  	[sflag:s3] =	ssyncadd.s32 $0xFFFFF800  }
0xaf: {  	[spmem:s25] =	stream.linear.scatter [tilespmem:s0], [sflag:$0x5], $0x800, $0x38;
	[tilespmem:$0x1CA00] =	vst v63  }
0xb0: {  	_ =	swait.ge [sflag:s3], $0x800  }
0xb1: {  	s26 =	sld [smem:$0x7F2]  }
0xb2: {  	[sflag:s3] =	ssyncset.done $0x0  }
0xb3: {  	[sflag:s3] =	ssyncadd.s32 $0xFFFFF800  }
0xb4: {  	[spmem:s26] =	stream.linear.scatter [tilespmem:s0], [sflag:$0x5], $0x800, $0x38;
	[tilespmem:$0x1CA00] =	vst v63  }
0xb5: {  	_ =	swait.ge [sflag:s3], $0x800  }
0xb6: {  	s23 =	sld [smem:$0x7F3]  }
0xb7: {  	[sflag:s3] =	ssyncset.done $0x0  }
0xb8: {  	[sflag:s3] =	ssyncadd.s32 $0xFFFFF800  }
0xb9: {  	[spmem:s23] =	stream.linear.scatter [tilespmem:s0], [sflag:$0x5], $0x800, $0x38;
	[tilespmem:$0x1CA00] =	vst v63  }
0xba: {  	_ =	swait.ge [sflag:s3], $0x800  }
0xbb: {  	s24 =	sld [smem:$0x7F4]  }
0xbc: {  	[sflag:s3] =	ssyncset.done $0x0  }
0xbd: {  	[sflag:s3] =	ssyncadd.s32 $0xFFFFF800  }
0xbe: {  	[spmem:s24] =	stream.linear.scatter [tilespmem:s0], [sflag:$0x5], $0x800, $0x38;
	[tilespmem:$0x1CA00] =	vst v63  }
0xbf: {  	_ =	swait.ge [sflag:s3], $0x800  }
0xc0: {  	s25 =	sld [smem:$0x7F5]  }
0xc1: {  	[sflag:s3] =	ssyncset.done $0x0  }
0xc2: {  	[sflag:s3] =	ssyncadd.s32 $0xFFFFF800  }
0xc3: {  	[spmem:s25] =	stream.linear.scatter [tilespmem:s0], [sflag:$0x5], $0x800, $0x38;
	[tilespmem:$0x1CA00] =	vst v63  }
0xc4: {  	_ =	swait.ge [sflag:s3], $0x800  }
0xc5: {  	s26 =	sld [smem:$0x7F6]  }
0xc6: {  	[sflag:s3] =	ssyncset.done $0x0  }
0xc7: {  	[sflag:s3] =	ssyncadd.s32 $0xFFFFF800  }
0xc8: {  	[spmem:s26] =	stream.linear.scatter [tilespmem:s0], [sflag:$0x5], $0x800, $0x38;
	[tilespmem:$0x1CA00] =	vst v63  }
0xc9: {  	_ =	swait.ge [sflag:s3], $0x800  }
0xca: {  	s23 =	sld [smem:$0x7F7]  }
0xcb: {  	[sflag:s3] =	ssyncset.done $0x0  }
0xcc: {  	[sflag:s3] =	ssyncadd.s32 $0xFFFFF800  }
0xcd: {  	[spmem:s23] =	stream.linear.scatter [tilespmem:s0], [sflag:$0x5], $0x800, $0x38;
	[tilespmem:$0x1CA00] =	vst v63  }
0xce: {  	_ =	swait.ge [sflag:s3], $0x800  }
0xcf: {  	s24 =	sld [smem:$0x7F8]  }
0xd0: {  	[sflag:s3] =	ssyncset.done $0x0  }
0xd1: {  	[sflag:s3] =	ssyncadd.s32 $0xFFFFF800  }
0xd2: {  	[spmem:s24] =	stream.linear.scatter [tilespmem:s0], [sflag:$0x5], $0x800, $0x38;
	[tilespmem:$0x1CA00] =	vst v63  }
0xd3: {  	_ =	swait.ge [sflag:s3], $0x800  }
0xd4: {  	s25 =	sld [smem:$0x7F9]  }
0xd5: {  	[sflag:s3] =	ssyncset.done $0x0  }
0xd6: {  	[sflag:s3] =	ssyncadd.s32 $0xFFFFF800  }
0xd7: {  	[spmem:s25] =	stream.linear.scatter [tilespmem:s0], [sflag:$0x5], $0x800, $0x38;
	[tilespmem:$0x1CA00] =	vst v63  }
0xd8: {  	_ =	swait.ge [sflag:s3], $0x800  }
0xd9: {  	s26 =	sld [smem:$0x7FA]  }
0xda: {  	[sflag:s3] =	ssyncset.done $0x0  }
0xdb: {  	[sflag:s3] =	ssyncadd.s32 $0xFFFFF800  }
0xdc: {  	[spmem:s26] =	stream.linear.scatter [tilespmem:s0], [sflag:$0x5], $0x800, $0x38;
	[tilespmem:$0x1CA00] =	vst v63  }
0xdd: {  	_ =	swait.ge [sflag:s3], $0x800  }
0xde: {  	s23 =	sld [smem:$0x7FB]  }
0xdf: {  	[sflag:s3] =	ssyncset.done $0x0  }
0xe0: {  	[sflag:s3] =	ssyncadd.s32 $0xFFFFF800  }
0xe1: {  	[spmem:s23] =	stream.linear.scatter [tilespmem:s0], [sflag:$0x5], $0x800, $0x38;
	[tilespmem:$0x1CA00] =	vst v63  }
0xe2: {  	_ =	swait.ge [sflag:s3], $0x800  }
0xe3: {  	s24 =	sld [smem:$0x7FC]  }
0xe4: {  	[sflag:s3] =	ssyncset.done $0x0  }
0xe5: {  	[sflag:s3] =	ssyncadd.s32 $0xFFFFF800  }
0xe6: {  	[spmem:s24] =	stream.linear.scatter [tilespmem:s0], [sflag:$0x5], $0x800, $0x38;
	[tilespmem:$0x1CA00] =	vst v63  }
0xe7: {  	_ =	swait.ge [sflag:s3], $0x800  }
0xe8: {  	s25 =	sld [smem:$0x7FD]  }
0xe9: {  	[sflag:s3] =	ssyncset.done $0x0  }
0xea: {  	[sflag:s3] =	ssyncadd.s32 $0xFFFFF800  }
0xeb: {  	[spmem:s25] =	stream.linear.scatter [tilespmem:s0], [sflag:$0x5], $0x800, $0x38;
	[tilespmem:$0x1CA00] =	vst v63  }
0xec: {  	_ =	swait.ge [sflag:s3], $0x800  }
0xed: {  	[sflag:s3] =	ssyncset.done $0x0  }
0xee: {  	[sflag:s3] =	ssyncadd.s32 $0xFFFFF800  }
0xef: {  	[spmem:s30] =	stream.linear.scatter [tilespmem:s0], [sflag:$0x5], $0x800, $0x38;
	[tilespmem:$0x1CA00] =	vst v63  }
0xf0: {  	_ =	swait.ge [sflag:s3], $0x800  }
0xf1: {  	[sflag:s3] =	ssyncset.done $0x0  }
0xf2: {  	[sflag:s3] =	ssyncadd.s32 $0xFFFFF800  }
0xf3: {  	[bflag:$0x0] =	sbarrier.arrive $0xFFFF  }
0xf4: {  	[tilespmem:s7], [sflag:$0x5] =	stream.linear.gather [hbm4b:s29+s4], $0x80, $0x38;
	[tilespmem:$0x1CA00] =	vst v63  }
0xf5: {  	_ =	swait.ge [sflag:s3], $0x80  }
0xf6: {  	[sflag:s3] =	ssyncset.done $0x0  }
0xf7: {  	[sflag:s3] =	ssyncadd.s32 $0xFFFFFF80  }
0xf8: {  	[tilespmem:s8], [sflag:$0x5] =	stream.linear.gather [hbm4b:s28+s4], $0x80, $0x38;
	[tilespmem:$0x1CA00] =	vst v63  }
0xf9: {  	_ =	swait.ge [sflag:s3], $0x80  }
0xfa: {  	[sflag:s3] =	ssyncset.done $0x0  }
0xfb: {  	[sflag:s3] =	ssyncadd.s32 $0xFFFFFF80  }
0xfc: {  	[tilespmem:s9], [sflag:$0x5] =	stream.linear.gather [hbm4b:s19+s4], $0x80, $0x38;
	[tilespmem:$0x1CA00] =	vst v63  }
0xfd: {  	_ =	swait.ge [sflag:s3], $0x80  }
0xfe: {  	[sflag:s3] =	ssyncset.done $0x0  }
0xff: {  	[sflag:s3] =	ssyncadd.s32 $0xFFFFFF80  }
0x100: {  	[tilespmem:s22], [sflag:$0x5] =	stream.linear.gather [hbm4b:s31+s4], $0x80, $0x38;
	[tilespmem:$0x1CA00] =	vst v63  }
0x101: {  	_ =	swait.ge [sflag:s3], $0x80  }
0x102: {  	[sflag:s3] =	ssyncset.done $0x0  }
0x103: {  	[sflag:s3] =	ssyncadd.s32 $0xFFFFFF80  }
0x104: {  	[tilespmem:s11], [sflag:$0x1] =	stream.indirect.gather [hbm4b:s1+s10], $0x80, s7, s10, $0xb8;
	[tilespmem:$0x1CA00] =	vst v63  }
0x105: {  	_ =	swait.ge [sflag:s12], $0x4000  }
0x106: {  	s26 =	sadd.s32 $0xFFFFFF80, s21;
	[sflag:s12] =	ssyncset.done $0x0  }
0x107: {  	s25 =	sand.u32 $0xFFC00, s26;
	[sflag:s12] =	ssyncadd.s32 $0xFFFFC000  }
0x108: {  	[tilespmem:s13], [sflag:$0x2] =	stream.indirect.gather [hbm4b:s1+s10], $0x80, s9, s10, $0xb8;
	[tilespmem:$0x1CA00] =	vst v63  }
0x109: {  	s20 =	sand.u32 $0x300, s26;
	s25 =	sadd.s32 s16, s25  }
0x10a: {  	[spmem:s2] =	stream.indirect.scatter.add.f32 [tilespmem:s11], [sflag:$0x5], $0x80, s8, s10, $0xb8;
	[tilespmem:$0x1CA00] =	vst v63  }
0x10b: {  	s20 =	sor.u32 s20, s25;
	_ =	swait.ge [sflag:s3], $0x4000  }
0x10c: {  	s20 =	sshrl.u32 s20, $0x3;
	[sflag:s3] =	ssyncset.done $0x0;
	s23 =	rddreg [dreg:$0x4]  }
0x10d: {  	s20 =	sadd.s32 s5, s20;
	[sflag:s3] =	ssyncadd.s32 $0xFFFFC000;
	s24 =	sadd.s32 $0xFFFFFB00, s23  }
0x10e: {  	[tilespmem:s7], [sflag:$0x3] =	stream.linear.gather [hbm4b:s20+s4], $0x80, $0x38;
	[tilespmem:$0x1CA00] =	vst v63  }
0x10f: {  	s25 =	sadd.s32 $0x520, s24  }
0x110: {  	[tilespmem:s8], [sflag:$0x3] =	stream.linear.gather [hbm4b:s25+s4], $0x80, $0x38;
	[tilespmem:$0x1CA00] =	vst v63  }
0x111: {  	_ =	swait.ge [sflag:s14], $0x4000  }
0x112: {  	[sflag:s14] =	ssyncset.done $0x0  }
0x113: {  	[sflag:s14] =	ssyncadd.s32 $0xFFFFC000  }
0x114: {  	_ =	swait.ge [sflag:s15], $0x80  }
0x115: {  	[sflag:s15] =	ssyncset.done $0x0  }
0x116: {  	[sflag:s15] =	ssyncadd.s32 $0xFFFFFF80  }
0x117: {  	_ =	swait.ge [sflag:s15], $0x80  }
0x118: {  	[sflag:s15] =	ssyncset.done $0x0  }
0x119: {  	s26 =	sand.u32 $0x7FFFFC00, s21;
	[sflag:s15] =	ssyncadd.s32 $0xFFFFFF80  }
0x11a: {  	[tilespmem:s11], [sflag:$0x1] =	stream.indirect.gather [hbm4b:s1+s10], $0x80, s7, s10, $0xb8;
	[tilespmem:$0x1CA00] =	vst v63  }
0x11b: {  	s23 =	sand.u32 $0x380, s21;
	s25 =	sadd.s32 s16, s26  }
0x11c: {  	[spmem:s2] =	stream.indirect.scatter.add.f32 [tilespmem:s13], [sflag:$0x5], $0x80, s22, s10, $0xb8;
	[tilespmem:$0x1CA00] =	vst v63  }
0x11d: {  	s23 =	sor.u32 s23, s25;
	_ =	swait.ge [sflag:s3], $0x4000  }
0x11e: {  	s23 =	sshrl.u32 s23, $0x3;
	[sflag:s3] =	ssyncset.done $0x0  }
0x11f: {  	s23 =	sadd.s32 s5, s23;
	[sflag:s3] =	ssyncadd.s32 $0xFFFFC000  }
0x120: {  	[tilespmem:s9], [sflag:$0x4] =	stream.linear.gather [hbm4b:s23+s4], $0x80, $0x38;
	[tilespmem:$0x1CA00] =	vst v63  }
0x121: {  	s20 =	sadd.s32 $0x530, s24  }
0x122: {  	[tilespmem:s22], [sflag:$0x4] =	stream.linear.gather [hbm4b:s20+s4], $0x80, $0x38;
	[tilespmem:$0x1CA00] =	vst v63  }
0x123: {  	_ =	swait.ge [sflag:s12], $0x4000  }
0x124: {  	[sflag:s12] =	ssyncset.done $0x0  }
0x125: {  	[sflag:s12] =	ssyncadd.s32 $0xFFFFC000  }
0x126: {  	_ =	swait.ge [sflag:s17], $0x80  }
0x127: {  	[sflag:s17] =	ssyncset.done $0x0  }
0x128: {  	s25 =	smov.u32 s21;
	s20 =	simm.s32 $0xFFFFFB20;
	[sflag:s17] =	ssyncadd.s32 $0xFFFFFF80  }
.LBB2_4:
0x129: {  	_ =	swait.ge [sflag:s17], $0x80;
	s25 =	sadd.s32 $0x100, s25  }
0x12a: {  	s24 =	sadd.s32 $0xFFFFFF80, s25;
	[sflag:s17] =	ssyncset.done $0x0  }
0x12b: {  	s26 =	sand.u32 $0xFFC00, s24;
	[sflag:s17] =	ssyncadd.s32 $0xFFFFFF80  }
0x12c: {  	[tilespmem:s13], [sflag:$0x2] =	stream.indirect.gather [hbm4b:s1+s10], $0x80, s9, s10, $0xb8;
	[tilespmem:$0x1CA00] =	vst v63  }
0x12d: {  	s24 =	sand.u32 $0x300, s24;
	s26 =	sadd.s32 s16, s26  }
0x12e: {  	[spmem:s2] =	stream.indirect.scatter.add.f32 [tilespmem:s11], [sflag:$0x5], $0x80, s8, s10, $0xb8;
	[tilespmem:$0x1CA00] =	vst v63  }
0x12f: {  	s23 =	smov.u32 s20;
	s24 =	sor.u32 s24, s26;
	_ =	swait.ge [sflag:s3], $0x4000  }
0x130: {  	s24 =	sshrl.u32 s24, $0x3;
	[sflag:s3] =	ssyncset.done $0x0;
	s26 =	rddreg [dreg:$0x4]  }
0x131: {  	s24 =	sadd.s32 s5, s24;
	[sflag:s3] =	ssyncadd.s32 $0xFFFFC000;
	s23 =	sadd.s32 s23, s26  }
0x132: {  	[tilespmem:s7], [sflag:$0x3] =	stream.linear.gather [hbm4b:s24+s4], $0x80, $0x38;
	[tilespmem:$0x1CA00] =	vst v63  }
0x133: {  	s26 =	sadd.s32 $0x520, s23  }
0x134: {  	[tilespmem:s8], [sflag:$0x3] =	stream.linear.gather [hbm4b:s26+s4], $0x80, $0x38;
	[tilespmem:$0x1CA00] =	vst v63  }
0x135: {  	_ =	swait.ge [sflag:s14], $0x4000  }
0x136: {  	[sflag:s14] =	ssyncset.done $0x0  }
0x137: {  	[sflag:s14] =	ssyncadd.s32 $0xFFFFC000  }
0x138: {  	_ =	swait.ge [sflag:s15], $0x80  }
0x139: {  	[sflag:s15] =	ssyncset.done $0x0  }
0x13a: {  	[sflag:s15] =	ssyncadd.s32 $0xFFFFFF80  }
0x13b: {  	_ =	swait.ge [sflag:s15], $0x80  }
0x13c: {  	[sflag:s15] =	ssyncset.done $0x0  }
0x13d: {  	s26 =	sand.u32 $0x7FFFFC00, s25;
	[sflag:s15] =	ssyncadd.s32 $0xFFFFFF80  }
0x13e: {  	[tilespmem:s11], [sflag:$0x1] =	stream.indirect.gather [hbm4b:s1+s10], $0x80, s7, s10, $0xb8;
	[tilespmem:$0x1CA00] =	vst v63  }
0x13f: {  	s24 =	sadd.s32 s16, s26;
	s26 =	sand.u32 $0x380, s25  }
0x140: {  	[spmem:s2] =	stream.indirect.scatter.add.f32 [tilespmem:s13], [sflag:$0x5], $0x80, s22, s10, $0xb8;
	[tilespmem:$0x1CA00] =	vst v63  }
0x141: {  	s24 =	sor.u32 s26, s24;
	_ =	swait.ge [sflag:s3], $0x4000  }
0x142: {  	s24 =	sshrl.u32 s24, $0x3;
	[sflag:s3] =	ssyncset.done $0x0  }
0x143: {  	s24 =	sadd.s32 s5, s24;
	[sflag:s3] =	ssyncadd.s32 $0xFFFFC000  }
0x144: {  	[tilespmem:s9], [sflag:$0x4] =	stream.linear.gather [hbm4b:s24+s4], $0x80, $0x38;
	[tilespmem:$0x1CA00] =	vst v63  }
0x145: {  	s23 =	sadd.s32 $0x530, s23  }
0x146: {  	[tilespmem:s22], [sflag:$0x4] =	stream.linear.gather [hbm4b:s23+s4], $0x80, $0x38;
	[tilespmem:$0x1CA00] =	vst v63  }
0x147: {  	p0 =	sne.s32 s20, $0xFFFFFFE0;
	_ =	swait.ge [sflag:s12], $0x4000  }
.Ltmp1:
0x148: {  	[sflag:s12] =	ssyncset.done $0x0;
	(pc) =	sbr.rel @p0 .LBB2_4-.Ltmp1, $4  }
0x149: {  	[sflag:s12] =	ssyncadd.s32 $0xFFFFC000  }
0x14a: {  	_ =	swait.ge [sflag:s17], $0x80  }
0x14b: {  	[sflag:s17] =	ssyncset.done $0x0  }
0x14c: {  	s20 =	sadd.s32 $0x20, s20;
	[sflag:s17] =	ssyncadd.s32 $0xFFFFFF80  }
0x14d: {  	_ =	swait.ge [sflag:s17], $0x80  }
0x14e: {  	[sflag:s17] =	ssyncset.done $0x0  }
0x14f: {  	s20 =	stileid.u32;
	[sflag:s17] =	ssyncadd.s32 $0xFFFFFF80  }
0x150: {  	s20 =	sshll.u32 s20, $0x6;
	[bflag:$0x0] =	sbarrier.arrive $0xFFFF  }
0x151: {  	s23 =	sshrl.u32 s6, $0x3;
	s20 =	sor.u32 $0x1C05, s20;
	s24 =	rddreg [dreg:$0x12]  }
0x152: {  	[hbm:s24], [sflag:s20] =	dma.local [spmem:s23], $0x2800  }
0x153: {  	_ =	swait.ge [sflag:s3], $0x2800  }
0x154: {  	s18 =	sadd.s32 $0x1, s18;
	s26 =	rddreg [dreg:$0x13]  }
0x155: {  	p0 =	sne.s32 s18, s26  }
.Ltmp2:
0x156: {  	_ = 	snop;
	(pc) =	sbr.rel @p0 .LBB2_1-.Ltmp2, $3  }
0x157: {  	_ =	sdelay $0x1  }
0x158: {  	[sflag:s3] =	ssyncset.done $0x0  }
0x159: {  	[sflag:s3] =	ssyncadd.s32 $0xFFFFD800  }
0x15a: {  	_ =	sfence.sel $0x180000  }
0x15b: {  	[bflag:$0x0] =	sbarrier.arrive $0xFFFF  }
0x15c: {  	_ =	strace $0x9000004A  }
0x15d: {  	s0 =	stileid.u32;
	[bflag:$0x2] =	sbarrier.arrive $0xFFFF  }
0x15e: {  	p0 =	sne.s32 s0, $0x0;
	s0 =	rddreg [dreg:$0x3]  }
0x15f: {  	s0 =	sadd.s32 @!p0 $0x100000, s0  }
0x160: {  	[sflag:s0] =	ssyncadd.tile.s32 @!p0 $0x1;
	_ =	shalt  }
.Lfunc_end2:
_tile_overlayer_lowered:
.L_overlay_start_2:
0x161: {  	(tag) =	ssettag $0x2  }
0x162: {  	s0 =	rddreg [dreg:$0x0];
	s2 =	stileid.u32  }
0x163: {  	s1 =	rddreg [dreg:$0x1];
	p0 =	sne.s32 s2, $0x0  }
0x164: {  	s3 =	rddreg [dreg:$0x2];
	[bflag:$0x3] =	sbarrier.arrive $0xFFFF;
	s2 =	simm.s32 @!p0 $0x1C05  }
0x165: {  	[timem:s3], [sflag:s2] =	dma.local @!p0 [hbm:s0], s1  }
0x166: {  	s0 =	simm.s32 @!p0 $0x5  }
0x167: {  	_ =	swait.ge @!p0 [sflag:s0], s1  }
0x168: {  	s1 =	ssub.s32 @!p0 $0x0, s1;
	[sflag:s0] =	ssyncset.done @!p0 $0x0  }
0x169: {  	[sflag:s0] =	ssyncadd.s32 @!p0 s1  }
0x16a: {  	[bflag:$0x3] =	sbarrier.arrive $0xFFFF  }
0x16b: {  	_ =	shalt  }

</sc_bundles>
